<compile_context>
chip_gen: v7x
topology: tpu7x:2x2x1
jax: 0.10.2.dev20260603
libtpu: 0.0.44.dev20260713+nightly
codegen_flags: <defaults>
</compile_context>

<pallas_src>
import functools

import jax
import jax.numpy as jnp
from jax import lax
from jax.experimental import pallas as pl
from jax.experimental.pallas import tpu as pltpu
from jax.experimental.pallas import tpu_sc as plsc

_S = 512
_R = 256
_NW = 32
_SEG_W = _S // _NW


def _sc_readout(x, batch_i32, seg_starts, w, b):
    N, D = x.shape
    K = D // 16

    mesh = plsc.VectorSubcoreMesh(core_axis_name="c", subcore_axis_name="s")

    @functools.partial(
        pl.kernel,
        out_type=jax.ShapeDtypeStruct((_S, 2 * D), jnp.float32),
        mesh=mesh,
        scratch_types=[
            pltpu.VMEM((2, _R + 8, D), jnp.float32),
            pltpu.VMEM((704,), jnp.int32),
            pltpu.VMEM((48,), jnp.int32),
            pltpu.VMEM((D,), jnp.float32),
            pltpu.VMEM((16,), jnp.float32),
            pltpu.VMEM((4 * D,), jnp.float32),
            pltpu.SemaphoreType.DMA,
            pltpu.SemaphoreType.DMA,
            pltpu.SemaphoreType.DMA,
        ],
        compiler_params=pltpu.CompilerParams(needs_layout_passes=False),
    )
    def body(x_hbm, b_hbm, ss_hbm, w_hbm, bias_hbm, out_hbm,
             xbuf, bbuf, ss_v, w_v, bias_ref, stage, sem_x, sem_b, sem_o):
        wid = lax.axis_index("s") * 2 + lax.axis_index("c")
        seg0 = wid * _SEG_W
        pltpu.sync_copy(ss_hbm.at[pl.ds(seg0, 32)], ss_v.at[pl.ds(0, 32)])
        pltpu.sync_copy(w_hbm, w_v)
        pltpu.sync_copy(bias_hbm, bias_ref)
        bias_v = bias_ref[pl.ds(0, 16)]
        wv = [w_v[pl.ds(16 * k, 16)] for k in range(K)]
        lo = ss_v[pl.ds(0, 16)][0]
        hi = ss_v[pl.ds(_SEG_W, 16)][0]

        zeros = jnp.zeros((16,), jnp.float32)
        ninf = jnp.full((16,), -jnp.inf, jnp.float32)

        for k in range(K):
            stage[pl.ds(16 * k, 16)] = zeros
            stage[pl.ds(D + 16 * k, 16)] = ninf
        for j in range(_SEG_W):
            pltpu.make_async_copy(
                stage.at[pl.ds(0, 2 * D)], out_hbm.at[seg0 + j], sem_o).start()
        for j in range(_SEG_W):
            pltpu.make_async_copy(
                stage.at[pl.ds(0, 2 * D)], out_hbm.at[seg0 + j], sem_o).wait()

        lo_al = (lo // 8) * 8
        n_chunks = jnp.maximum((hi - lo_al + _R - 1) // _R, 1)

        def x_start(t):
            return pl.multiple_of(jnp.minimum(lo_al + t * _R, N - _R), 8)

        def b_start(t):
            return pl.multiple_of(jnp.minimum(lo_al + t * _R, N - 320), 8)

        def x_dma(t):
            return pltpu.make_async_copy(
                x_hbm.at[pl.ds(x_start(t), _R)],
                xbuf.at[t % 2, pl.ds(0, _R)], sem_x)

        def b_dma(t):
            return pltpu.make_async_copy(
                b_hbm.at[pl.ds(b_start(t), 320)],
                bbuf.at[pl.ds((t % 2) * 320, 320)], sem_b)

        x_dma(0).start()
        b_dma(0).start()

        def out_wait():
            pltpu.make_async_copy(
                stage.at[pl.ds(0, 2 * D)], out_hbm.at[seg0], sem_o).wait()

        def chunk_body(t, carry):
            g0 = jnp.maximum(lo, lo_al + t * _R)
            g1 = jnp.minimum(lo_al + (t + 1) * _R, hi)
            start = x_start(t)
            bstart = b_start(t)
            x_dma(t).wait()
            b_dma(t).wait()

            @pl.when(t + 1 < n_chunks)
            def _():
                x_dma(t + 1).start()
                b_dma(t + 1).start()

            xs = xbuf.at[t % 2]
            bbase = (t % 2) * 320

            def score_of(bi):
                xk = [xs[bi, pl.ds(16 * k, 16)] for k in range(K)]
                pv = xk[0] * wv[0]
                for k in range(1, K):
                    pv = pv + xk[k] * wv[k]
                tlog = jnp.broadcast_to(jnp.sum(pv), (16,)) + bias_v
                sc = 1.0 / (1.0 + jnp.exp(-tlog))
                return xk, sc

            xk0, sc0 = score_of(g0 - start)

            def row_body(r, c):
                nflush = c[0]
                sc = c[1]
                xcur = c[2:2 + K]
                a = c[2 + K:]
                ids = bbuf[pl.ds(bbase + r - bstart, 16)]
                cur = ids[0]
                flush = (ids[1] != cur) | (r == hi - 1)
                sums = [a[k] + sc * xcur[k] for k in range(K)]
                maxs = [jnp.maximum(a[K + k], xcur[k]) for k in range(K)]
                xn, scn = score_of(r + 1 - start)

                @pl.when(flush)
                def _():
                    @pl.when(nflush >= 2)
                    def _():
                        out_wait()
                    sbase = pl.multiple_of((nflush % 2) * 2 * D, 8)
                    for k in range(K):
                        stage[pl.ds(sbase + 16 * k, 16)] = sums[k]
                        stage[pl.ds(sbase + D + 16 * k, 16)] = maxs[k]
                    pltpu.make_async_copy(
                        stage.at[pl.ds(sbase, 2 * D)],
                        out_hbm.at[cur], sem_o).start()

                out = (nflush + flush.astype(jnp.int32), scn) + tuple(xn)
                out += tuple(jnp.where(flush, zeros, sums[k])
                             for k in range(K))
                out += tuple(jnp.where(flush, ninf, maxs[k])
                             for k in range(K))
                return out

            c = (carry[0], sc0) + tuple(xk0) + tuple(carry[1:])
            res = lax.fori_loop(g0, g1, row_body, c)
            return (res[0],) + tuple(res[2 + K:])

        init = (jnp.int32(0),) + (zeros,) * K + (ninf,) * K
        fin = lax.fori_loop(0, n_chunks, chunk_body, init)
        nf = fin[0]

        @pl.when(nf >= 2)
        def _():
            out_wait()

        @pl.when(nf >= 1)
        def _():
            out_wait()

    return body(x, batch_i32, seg_starts, w, b)


def kernel(x, batch, W, b):
    N, D = x.shape
    bi32 = batch.astype(jnp.int32)
    ss = jnp.searchsorted(bi32, jnp.arange(_S + 1, dtype=jnp.int32),
                          side="left").astype(jnp.int32)
    ss_pad = jnp.concatenate(
        [ss, jnp.full((528 - _S - 1,), N, dtype=jnp.int32)])
    bp = jnp.full((16,), b[0], dtype=jnp.float32)
    return _sc_readout(x, bi32, ss_pad, W.reshape(D).astype(jnp.float32), bp)

# --- scband reference (transcript-rebuilt; emitter-appended) ---
"""Pipeline reference for scband-readout-phase-3204045603901 (READ-ONLY COPY).

The authoritative reference and input builder live on the scoring server;
editing this copy changes nothing except your own understanding.
"""

import jax, jax.numpy as jnp
import numpy as np

N = 100000
D = 128
S = 512

def setup_inputs(seed: int = 0) -> dict:
    key = jax.random.key(seed)
    k1, k2, k3 = jax.random.split(key, 3)
    x = jax.random.normal(k1, (N, D), dtype=jnp.float32)
    batch = jnp.sort(jax.random.randint(k2, (N,), 0, S)).astype(jnp.int64)
    # nn.Linear(dim, 1) with xavier_uniform_ weight, zero bias
    limit = float(np.sqrt(6.0 / (D + 1)))
    W = jax.random.uniform(k3, (1, D), minval=-limit, maxval=limit, dtype=jnp.float32)
    b = jnp.zeros((1,), dtype=jnp.float32)
    return {"x": x, "batch": batch, "W": W, "b": b}

def reference(x, batch, W, b):
    # weighted = self.weighting(x): [N, 1]
    weighted = x @ W.T + b
    # score = sigmoid(weighted)
    score = jax.nn.sigmoid(weighted)
    # output1 = global_add_pool(score * x, batch)
    out1 = jax.ops.segment_sum(score * x, batch, num_segments=S)
    # output2 = global_max_pool(x, batch)
    out2 = jax.ops.segment_max(x, batch, num_segments=S)
    # cat along feature dim -> [S, 2*D]
    return jnp.concatenate([out1, out2], axis=1)

if __name__ == "__main__":
    import jax
    _d = setup_inputs()
    print(jax.jit(kernel)(*tuple(_d.values())))

</pallas_src>

<mosaic_0001>
#map = affine_map<(d0, d1) -> (0, 0)>
#map1 = affine_map<(d0, d1) -> (0)>
module attributes {stable_mosaic.version = 14 : i64} {
  func.func @body(%arg0: i32, %arg1: i32, %arg2: memref<100000x128xf32, #tpu.memory_space<hbm>>, %arg3: memref<100000xi32, #tpu.memory_space<hbm>>, %arg4: memref<528xi32, #tpu.memory_space<hbm>>, %arg5: memref<128xf32, #tpu.memory_space<hbm>>, %arg6: memref<16xf32, #tpu.memory_space<hbm>>, %arg7: memref<512x256xf32, #tpu.memory_space<hbm>>, %arg8: memref<2x264x128xf32, #tpu.memory_space<vmem>>, %arg9: memref<704xi32, #tpu.memory_space<vmem>>, %arg10: memref<48xi32, #tpu.memory_space<vmem>>, %arg11: memref<128xf32, #tpu.memory_space<vmem>>, %arg12: memref<16xf32, #tpu.memory_space<vmem>>, %arg13: memref<512xf32, #tpu.memory_space<vmem>>, %arg14: memref<!tpu.dma_semaphore, #tpu.memory_space<semaphore_mem>>, %arg15: memref<!tpu.dma_semaphore, #tpu.memory_space<semaphore_mem>>, %arg16: memref<!tpu.dma_semaphore, #tpu.memory_space<semaphore_mem>>) attributes {dimension_semantics = [#tpu.dimension_semantics<core_parallel>, #tpu.dimension_semantics<subcore_parallel>], iteration_bounds = array<i64: 2, 16>, scalar_prefetch = 0 : i64, scratch_operands = 9 : i64, tpu.core_type = #tpu.core_type<sc_vector_subcore>, window_params = [{transform_indices = #map}, {transform_indices = #map1}, {transform_indices = #map1}, {transform_indices = #map1}, {transform_indices = #map1}, {transform_indices = #map}]} {
    %mul3A = arith.constant 2 : i32
    %mul3A_0 = arith.muli %arg1, %mul3A : i32
    %add3A = arith.addi %mul3A_0, %arg0 : i32
    %mul3A_1 = arith.constant 16 : i32
    %mul3A_2 = arith.muli %add3A, %mul3A_1 : i32
    "tpu.region"() ({
      %run_scoped3A = tpu.sem_alloc : memref<!tpu.dma_semaphore, #tpu.memory_space<semaphore_mem>>
      %dma_start3A_535 = arith.constant 0 : i32
      %dma_start3A_536 = tpu.memref_slice %arg10[%dma_start3A_535] : memref<48xi32, #tpu.memory_space<vmem>> -> memref<32xi32, #tpu.memory_space<vmem>>
      %dma_start3A_537 = tpu.memref_slice %arg4[%mul3A_2] : memref<528xi32, #tpu.memory_space<hbm>> -> memref<32xi32, #tpu.memory_space<hbm>>
      %dma_start3A_538 = arith.constant 0 : i32
      %dma_start3A_539 = tpu.memref_slice %arg10[%dma_start3A_538] : memref<48xi32, #tpu.memory_space<vmem>> -> memref<32xi32, #tpu.memory_space<vmem>>
      %dma_start3A_540 = tpu.memref_slice %arg4[%mul3A_2] : memref<528xi32, #tpu.memory_space<hbm>> -> memref<32xi32, #tpu.memory_space<hbm>>
      tpu.enqueue_dma source(%dma_start3A_540 : memref<32xi32, #tpu.memory_space<hbm>>) target(%dma_start3A_539 : memref<32xi32, #tpu.memory_space<vmem>>) target_semaphore(%run_scoped3A : memref<!tpu.dma_semaphore, #tpu.memory_space<semaphore_mem>>)
      %dma_wait3A_541 = arith.constant 0 : i32
      %dma_wait3A_542 = tpu.memref_slice %arg10[%dma_wait3A_541] : memref<48xi32, #tpu.memory_space<vmem>> -> memref<32xi32, #tpu.memory_space<vmem>>
      %dma_wait3A_543 = tpu.memref_slice %arg4[%mul3A_2] : memref<528xi32, #tpu.memory_space<hbm>> -> memref<32xi32, #tpu.memory_space<hbm>>
      %dma_wait3A_544 = arith.constant 0 : i32
      %dma_wait3A_545 = tpu.memref_slice %arg10[%dma_wait3A_544] : memref<48xi32, #tpu.memory_space<vmem>> -> memref<32xi32, #tpu.memory_space<vmem>>
      %dma_wait3A_546 = tpu.memref_slice %arg4[%mul3A_2] : memref<528xi32, #tpu.memory_space<hbm>> -> memref<32xi32, #tpu.memory_space<hbm>>
      tpu.wait_dma2 semaphore(%run_scoped3A : memref<!tpu.dma_semaphore, #tpu.memory_space<semaphore_mem>>) src(%dma_wait3A_546 : memref<32xi32, #tpu.memory_space<hbm>>) dst(%dma_wait3A_545 : memref<32xi32, #tpu.memory_space<vmem>>)
      tpu.yield
    }) : () -> ()
    "tpu.region"() ({
      %run_scoped3A = tpu.sem_alloc : memref<!tpu.dma_semaphore, #tpu.memory_space<semaphore_mem>>
      tpu.enqueue_dma source(%arg5 : memref<128xf32, #tpu.memory_space<hbm>>) target(%arg11 : memref<128xf32, #tpu.memory_space<vmem>>) target_semaphore(%run_scoped3A : memref<!tpu.dma_semaphore, #tpu.memory_space<semaphore_mem>>)
      tpu.wait_dma2 semaphore(%run_scoped3A : memref<!tpu.dma_semaphore, #tpu.memory_space<semaphore_mem>>) src(%arg5 : memref<128xf32, #tpu.memory_space<hbm>>) dst(%arg11 : memref<128xf32, #tpu.memory_space<vmem>>)
      tpu.yield
    }) : () -> ()
    "tpu.region"() ({
      %run_scoped3A = tpu.sem_alloc : memref<!tpu.dma_semaphore, #tpu.memory_space<semaphore_mem>>
      tpu.enqueue_dma source(%arg6 : memref<16xf32, #tpu.memory_space<hbm>>) target(%arg12 : memref<16xf32, #tpu.memory_space<vmem>>) target_semaphore(%run_scoped3A : memref<!tpu.dma_semaphore, #tpu.memory_space<semaphore_mem>>)
      tpu.wait_dma2 semaphore(%run_scoped3A : memref<!tpu.dma_semaphore, #tpu.memory_space<semaphore_mem>>) src(%arg6 : memref<16xf32, #tpu.memory_space<hbm>>) dst(%arg12 : memref<16xf32, #tpu.memory_space<vmem>>)
      tpu.yield
    }) : () -> ()
    %get3A = arith.constant 0 : index
    %get3A_3 = tpu.vector_load %arg12[%get3A] {strides = array<i32>} : memref<16xf32, #tpu.memory_space<vmem>>, vector<16xf32>,
    %get3A_4 = arith.constant 0 : index
    %get3A_5 = tpu.vector_load %arg11[%get3A_4] {strides = array<i32>} : memref<128xf32, #tpu.memory_space<vmem>>, vector<16xf32>,
    %get3A_6 = arith.constant 16 : index
    %get3A_7 = tpu.vector_load %arg11[%get3A_6] {strides = array<i32>} : memref<128xf32, #tpu.memory_space<vmem>>, vector<16xf32>,
    %get3A_8 = arith.constant 32 : index
    %get3A_9 = tpu.vector_load %arg11[%get3A_8] {strides = array<i32>} : memref<128xf32, #tpu.memory_space<vmem>>, vector<16xf32>,
    %get3A_10 = arith.constant 48 : index
    %get3A_11 = tpu.vector_load %arg11[%get3A_10] {strides = array<i32>} : memref<128xf32, #tpu.memory_space<vmem>>, vector<16xf32>,
    %get3A_12 = arith.constant 64 : index
    %get3A_13 = tpu.vector_load %arg11[%get3A_12] {strides = array<i32>} : memref<128xf32, #tpu.memory_space<vmem>>, vector<16xf32>,
    %get3A_14 = arith.constant 80 : index
    %get3A_15 = tpu.vector_load %arg11[%get3A_14] {strides = array<i32>} : memref<128xf32, #tpu.memory_space<vmem>>, vector<16xf32>,
    %get3A_16 = arith.constant 96 : index
    %get3A_17 = tpu.vector_load %arg11[%get3A_16] {strides = array<i32>} : memref<128xf32, #tpu.memory_space<vmem>>, vector<16xf32>,
    %get3A_18 = arith.constant 112 : index
    %get3A_19 = tpu.vector_load %arg11[%get3A_18] {strides = array<i32>} : memref<128xf32, #tpu.memory_space<vmem>>, vector<16xf32>,
    %get3A_20 = arith.constant 0 : index
    %get3A_21 = tpu.vector_load %arg10[%get3A_20] {strides = array<i32>} : memref<48xi32, #tpu.memory_space<vmem>>, vector<16xi32>,
    %slice3A = vector.extract_strided_slice %get3A_21 {offsets = [0], sizes = [1], strides = [1]} : vector<16xi32> to vector<1xi32>
    %squeeze3A = vector.extract %slice3A[0] : i32 from vector<1xi32>
    %get3A_22 = arith.constant 16 : index
    %get3A_23 = tpu.vector_load %arg10[%get3A_22] {strides = array<i32>} : memref<48xi32, #tpu.memory_space<vmem>>, vector<16xi32>,
    %slice3A_24 = vector.extract_strided_slice %get3A_23 {offsets = [0], sizes = [1], strides = [1]} : vector<16xi32> to vector<1xi32>
    %squeeze3A_25 = vector.extract %slice3A_24[0] : i32 from vector<1xi32>
    %broadcast_in_dim3A = arith.constant 0.000000e+00 : f32
    %broadcast_in_dim3A_26 = vector.broadcast %broadcast_in_dim3A : f32 to vector<16xf32>
    %broadcast_in_dim3A_27 = arith.constant 0xFF800000 : f32
    %broadcast_in_dim3A_28 = vector.broadcast %broadcast_in_dim3A_27 : f32 to vector<16xf32>
    %swap3A = arith.constant 0 : index
    %swap3A_29 = tpu.vector_load %arg13[%swap3A] {strides = array<i32>} : memref<512xf32, #tpu.memory_space<vmem>>, vector<16xf32>,
    tpu.vector_store %arg13[%swap3A], %broadcast_in_dim3A_26 {strides = array<i32>} : memref<512xf32, #tpu.memory_space<vmem>>, vector<16xf32>,
    %swap3A_30 = arith.constant 128 : index
    %swap3A_31 = tpu.vector_load %arg13[%swap3A_30] {strides = array<i32>} : memref<512xf32, #tpu.memory_space<vmem>>, vector<16xf32>,
    tpu.vector_store %arg13[%swap3A_30], %broadcast_in_dim3A_28 {strides = array<i32>} : memref<512xf32, #tpu.memory_space<vmem>>, vector<16xf32>,
    %swap3A_32 = arith.constant 16 : index
    %swap3A_33 = tpu.vector_load %arg13[%swap3A_32] {strides = array<i32>} : memref<512xf32, #tpu.memory_space<vmem>>, vector<16xf32>,
    tpu.vector_store %arg13[%swap3A_32], %broadcast_in_dim3A_26 {strides = array<i32>} : memref<512xf32, #tpu.memory_space<vmem>>, vector<16xf32>,
    %swap3A_34 = arith.constant 144 : index
    %swap3A_35 = tpu.vector_load %arg13[%swap3A_34] {strides = array<i32>} : memref<512xf32, #tpu.memory_space<vmem>>, vector<16xf32>,
    tpu.vector_store %arg13[%swap3A_34], %broadcast_in_dim3A_28 {strides = array<i32>} : memref<512xf32, #tpu.memory_space<vmem>>, vector<16xf32>,
    %swap3A_36 = arith.constant 32 : index
    %swap3A_37 = tpu.vector_load %arg13[%swap3A_36] {strides = array<i32>} : memref<512xf32, #tpu.memory_space<vmem>>, vector<16xf32>,
    tpu.vector_store %arg13[%swap3A_36], %broadcast_in_dim3A_26 {strides = array<i32>} : memref<512xf32, #tpu.memory_space<vmem>>, vector<16xf32>,
    %swap3A_38 = arith.constant 160 : index
    %swap3A_39 = tpu.vector_load %arg13[%swap3A_38] {strides = array<i32>} : memref<512xf32, #tpu.memory_space<vmem>>, vector<16xf32>,
    tpu.vector_store %arg13[%swap3A_38], %broadcast_in_dim3A_28 {strides = array<i32>} : memref<512xf32, #tpu.memory_space<vmem>>, vector<16xf32>,
    %swap3A_40 = arith.constant 48 : index
    %swap3A_41 = tpu.vector_load %arg13[%swap3A_40] {strides = array<i32>} : memref<512xf32, #tpu.memory_space<vmem>>, vector<16xf32>,
    tpu.vector_store %arg13[%swap3A_40], %broadcast_in_dim3A_26 {strides = array<i32>} : memref<512xf32, #tpu.memory_space<vmem>>, vector<16xf32>,
    %swap3A_42 = arith.constant 176 : index
    %swap3A_43 = tpu.vector_load %arg13[%swap3A_42] {strides = array<i32>} : memref<512xf32, #tpu.memory_space<vmem>>, vector<16xf32>,
    tpu.vector_store %arg13[%swap3A_42], %broadcast_in_dim3A_28 {strides = array<i32>} : memref<512xf32, #tpu.memory_space<vmem>>, vector<16xf32>,
    %swap3A_44 = arith.constant 64 : index
    %swap3A_45 = tpu.vector_load %arg13[%swap3A_44] {strides = array<i32>} : memref<512xf32, #tpu.memory_space<vmem>>, vector<16xf32>,
    tpu.vector_store %arg13[%swap3A_44], %broadcast_in_dim3A_26 {strides = array<i32>} : memref<512xf32, #tpu.memory_space<vmem>>, vector<16xf32>,
    %swap3A_46 = arith.constant 192 : index
    %swap3A_47 = tpu.vector_load %arg13[%swap3A_46] {strides = array<i32>} : memref<512xf32, #tpu.memory_space<vmem>>, vector<16xf32>,
    tpu.vector_store %arg13[%swap3A_46], %broadcast_in_dim3A_28 {strides = array<i32>} : memref<512xf32, #tpu.memory_space<vmem>>, vector<16xf32>,
    %swap3A_48 = arith.constant 80 : index
    %swap3A_49 = tpu.vector_load %arg13[%swap3A_48] {strides = array<i32>} : memref<512xf32, #tpu.memory_space<vmem>>, vector<16xf32>,
    tpu.vector_store %arg13[%swap3A_48], %broadcast_in_dim3A_26 {strides = array<i32>} : memref<512xf32, #tpu.memory_space<vmem>>, vector<16xf32>,
    %swap3A_50 = arith.constant 208 : index
    %swap3A_51 = tpu.vector_load %arg13[%swap3A_50] {strides = array<i32>} : memref<512xf32, #tpu.memory_space<vmem>>, vector<16xf32>,
    tpu.vector_store %arg13[%swap3A_50], %broadcast_in_dim3A_28 {strides = array<i32>} : memref<512xf32, #tpu.memory_space<vmem>>, vector<16xf32>,
    %swap3A_52 = arith.constant 96 : index
    %swap3A_53 = tpu.vector_load %arg13[%swap3A_52] {strides = array<i32>} : memref<512xf32, #tpu.memory_space<vmem>>, vector<16xf32>,
    tpu.vector_store %arg13[%swap3A_52], %broadcast_in_dim3A_26 {strides = array<i32>} : memref<512xf32, #tpu.memory_space<vmem>>, vector<16xf32>,
    %swap3A_54 = arith.constant 224 : index
    %swap3A_55 = tpu.vector_load %arg13[%swap3A_54] {strides = array<i32>} : memref<512xf32, #tpu.memory_space<vmem>>, vector<16xf32>,
    tpu.vector_store %arg13[%swap3A_54], %broadcast_in_dim3A_28 {strides = array<i32>} : memref<512xf32, #tpu.memory_space<vmem>>, vector<16xf32>,
    %swap3A_56 = arith.constant 112 : index
    %swap3A_57 = tpu.vector_load %arg13[%swap3A_56] {strides = array<i32>} : memref<512xf32, #tpu.memory_space<vmem>>, vector<16xf32>,
    tpu.vector_store %arg13[%swap3A_56], %broadcast_in_dim3A_26 {strides = array<i32>} : memref<512xf32, #tpu.memory_space<vmem>>, vector<16xf32>,
    %swap3A_58 = arith.constant 240 : index
    %swap3A_59 = tpu.vector_load %arg13[%swap3A_58] {strides = array<i32>} : memref<512xf32, #tpu.memory_space<vmem>>, vector<16xf32>,
    tpu.vector_store %arg13[%swap3A_58], %broadcast_in_dim3A_28 {strides = array<i32>} : memref<512xf32, #tpu.memory_space<vmem>>, vector<16xf32>,
    %add3A_60 = arith.constant 0 : i32
    %add3A_61 = arith.addi %mul3A_2, %add3A_60 : i32
    %dma_start3A = arith.constant 0 : i32
    %dma_start3A_62 = tpu.memref_slice %arg13[%dma_start3A] : memref<512xf32, #tpu.memory_space<vmem>> -> memref<256xf32, #tpu.memory_space<vmem>>
    %dma_start3A_63 = arith.constant 0 : i32
    %dma_start3A_64 = tpu.memref_slice %arg7[%add3A_61, %dma_start3A_63] : memref<512x256xf32, #tpu.memory_space<hbm>> -> memref<1x256xf32, #tpu.memory_space<hbm>>
    %dma_start3A_65 = tpu.memref_squeeze %dma_start3A_64 : memref<1x256xf32, #tpu.memory_space<hbm>> -> memref<256xf32, #tpu.memory_space<hbm>>
    %dma_start3A_66 = arith.constant 0 : i32
    %dma_start3A_67 = tpu.memref_slice %arg7[%add3A_61, %dma_start3A_66] : memref<512x256xf32, #tpu.memory_space<hbm>> -> memref<1x256xf32, #tpu.memory_space<hbm>>
    %dma_start3A_68 = tpu.memref_squeeze %dma_start3A_67 : memref<1x256xf32, #tpu.memory_space<hbm>> -> memref<256xf32, #tpu.memory_space<hbm>>
    %dma_start3A_69 = arith.constant 0 : i32
    %dma_start3A_70 = tpu.memref_slice %arg13[%dma_start3A_69] : memref<512xf32, #tpu.memory_space<vmem>> -> memref<256xf32, #tpu.memory_space<vmem>>
    tpu.enqueue_dma source(%dma_start3A_70 : memref<256xf32, #tpu.memory_space<vmem>>) target(%dma_start3A_68 : memref<256xf32, #tpu.memory_space<hbm>>) target_semaphore(%arg16 : memref<!tpu.dma_semaphore, #tpu.memory_space<semaphore_mem>>)
    %add3A_71 = arith.constant 1 : i32
    %add3A_72 = arith.addi %mul3A_2, %add3A_71 : i32
    %dma_start3A_73 = arith.constant 0 : i32
    %dma_start3A_74 = tpu.memref_slice %arg13[%dma_start3A_73] : memref<512xf32, #tpu.memory_space<vmem>> -> memref<256xf32, #tpu.memory_space<vmem>>
    %dma_start3A_75 = arith.constant 0 : i32
    %dma_start3A_76 = tpu.memref_slice %arg7[%add3A_72, %dma_start3A_75] : memref<512x256xf32, #tpu.memory_space<hbm>> -> memref<1x256xf32, #tpu.memory_space<hbm>>
    %dma_start3A_77 = tpu.memref_squeeze %dma_start3A_76 : memref<1x256xf32, #tpu.memory_space<hbm>> -> memref<256xf32, #tpu.memory_space<hbm>>
    %dma_start3A_78 = arith.constant 0 : i32
    %dma_start3A_79 = tpu.memref_slice %arg7[%add3A_72, %dma_start3A_78] : memref<512x256xf32, #tpu.memory_space<hbm>> -> memref<1x256xf32, #tpu.memory_space<hbm>>
    %dma_start3A_80 = tpu.memref_squeeze %dma_start3A_79 : memref<1x256xf32, #tpu.memory_space<hbm>> -> memref<256xf32, #tpu.memory_space<hbm>>
    %dma_start3A_81 = arith.constant 0 : i32
    %dma_start3A_82 = tpu.memref_slice %arg13[%dma_start3A_81] : memref<512xf32, #tpu.memory_space<vmem>> -> memref<256xf32, #tpu.memory_space<vmem>>
    tpu.enqueue_dma source(%dma_start3A_82 : memref<256xf32, #tpu.memory_space<vmem>>) target(%dma_start3A_80 : memref<256xf32, #tpu.memory_space<hbm>>) target_semaphore(%arg16 : memref<!tpu.dma_semaphore, #tpu.memory_space<semaphore_mem>>)
    %add3A_83 = arith.constant 2 : i32
    %add3A_84 = arith.addi %mul3A_2, %add3A_83 : i32
    %dma_start3A_85 = arith.constant 0 : i32
    %dma_start3A_86 = tpu.memref_slice %arg13[%dma_start3A_85] : memref<512xf32, #tpu.memory_space<vmem>> -> memref<256xf32, #tpu.memory_space<vmem>>
    %dma_start3A_87 = arith.constant 0 : i32
    %dma_start3A_88 = tpu.memref_slice %arg7[%add3A_84, %dma_start3A_87] : memref<512x256xf32, #tpu.memory_space<hbm>> -> memref<1x256xf32, #tpu.memory_space<hbm>>
    %dma_start3A_89 = tpu.memref_squeeze %dma_start3A_88 : memref<1x256xf32, #tpu.memory_space<hbm>> -> memref<256xf32, #tpu.memory_space<hbm>>
    %dma_start3A_90 = arith.constant 0 : i32
    %dma_start3A_91 = tpu.memref_slice %arg7[%add3A_84, %dma_start3A_90] : memref<512x256xf32, #tpu.memory_space<hbm>> -> memref<1x256xf32, #tpu.memory_space<hbm>>
    %dma_start3A_92 = tpu.memref_squeeze %dma_start3A_91 : memref<1x256xf32, #tpu.memory_space<hbm>> -> memref<256xf32, #tpu.memory_space<hbm>>
    %dma_start3A_93 = arith.constant 0 : i32
    %dma_start3A_94 = tpu.memref_slice %arg13[%dma_start3A_93] : memref<512xf32, #tpu.memory_space<vmem>> -> memref<256xf32, #tpu.memory_space<vmem>>
    tpu.enqueue_dma source(%dma_start3A_94 : memref<256xf32, #tpu.memory_space<vmem>>) target(%dma_start3A_92 : memref<256xf32, #tpu.memory_space<hbm>>) target_semaphore(%arg16 : memref<!tpu.dma_semaphore, #tpu.memory_space<semaphore_mem>>)
    %add3A_95 = arith.constant 3 : i32
    %add3A_96 = arith.addi %mul3A_2, %add3A_95 : i32
    %dma_start3A_97 = arith.constant 0 : i32
    %dma_start3A_98 = tpu.memref_slice %arg13[%dma_start3A_97] : memref<512xf32, #tpu.memory_space<vmem>> -> memref<256xf32, #tpu.memory_space<vmem>>
    %dma_start3A_99 = arith.constant 0 : i32
    %dma_start3A_100 = tpu.memref_slice %arg7[%add3A_96, %dma_start3A_99] : memref<512x256xf32, #tpu.memory_space<hbm>> -> memref<1x256xf32, #tpu.memory_space<hbm>>
    %dma_start3A_101 = tpu.memref_squeeze %dma_start3A_100 : memref<1x256xf32, #tpu.memory_space<hbm>> -> memref<256xf32, #tpu.memory_space<hbm>>
    %dma_start3A_102 = arith.constant 0 : i32
    %dma_start3A_103 = tpu.memref_slice %arg7[%add3A_96, %dma_start3A_102] : memref<512x256xf32, #tpu.memory_space<hbm>> -> memref<1x256xf32, #tpu.memory_space<hbm>>
    %dma_start3A_104 = tpu.memref_squeeze %dma_start3A_103 : memref<1x256xf32, #tpu.memory_space<hbm>> -> memref<256xf32, #tpu.memory_space<hbm>>
    %dma_start3A_105 = arith.constant 0 : i32
    %dma_start3A_106 = tpu.memref_slice %arg13[%dma_start3A_105] : memref<512xf32, #tpu.memory_space<vmem>> -> memref<256xf32, #tpu.memory_space<vmem>>
    tpu.enqueue_dma source(%dma_start3A_106 : memref<256xf32, #tpu.memory_space<vmem>>) target(%dma_start3A_104 : memref<256xf32, #tpu.memory_space<hbm>>) target_semaphore(%arg16 : memref<!tpu.dma_semaphore, #tpu.memory_space<semaphore_mem>>)
    %add3A_107 = arith.constant 4 : i32
    %add3A_108 = arith.addi %mul3A_2, %add3A_107 : i32
    %dma_start3A_109 = arith.constant 0 : i32
    %dma_start3A_110 = tpu.memref_slice %arg13[%dma_start3A_109] : memref<512xf32, #tpu.memory_space<vmem>> -> memref<256xf32, #tpu.memory_space<vmem>>
    %dma_start3A_111 = arith.constant 0 : i32
    %dma_start3A_112 = tpu.memref_slice %arg7[%add3A_108, %dma_start3A_111] : memref<512x256xf32, #tpu.memory_space<hbm>> -> memref<1x256xf32, #tpu.memory_space<hbm>>
    %dma_start3A_113 = tpu.memref_squeeze %dma_start3A_112 : memref<1x256xf32, #tpu.memory_space<hbm>> -> memref<256xf32, #tpu.memory_space<hbm>>
    %dma_start3A_114 = arith.constant 0 : i32
    %dma_start3A_115 = tpu.memref_slice %arg7[%add3A_108, %dma_start3A_114] : memref<512x256xf32, #tpu.memory_space<hbm>> -> memref<1x256xf32, #tpu.memory_space<hbm>>
    %dma_start3A_116 = tpu.memref_squeeze %dma_start3A_115 : memref<1x256xf32, #tpu.memory_space<hbm>> -> memref<256xf32, #tpu.memory_space<hbm>>
    %dma_start3A_117 = arith.constant 0 : i32
    %dma_start3A_118 = tpu.memref_slice %arg13[%dma_start3A_117] : memref<512xf32, #tpu.memory_space<vmem>> -> memref<256xf32, #tpu.memory_space<vmem>>
    tpu.enqueue_dma source(%dma_start3A_118 : memref<256xf32, #tpu.memory_space<vmem>>) target(%dma_start3A_116 : memref<256xf32, #tpu.memory_space<hbm>>) target_semaphore(%arg16 : memref<!tpu.dma_semaphore, #tpu.memory_space<semaphore_mem>>)
    %add3A_119 = arith.constant 5 : i32
    %add3A_120 = arith.addi %mul3A_2, %add3A_119 : i32
    %dma_start3A_121 = arith.constant 0 : i32
    %dma_start3A_122 = tpu.memref_slice %arg13[%dma_start3A_121] : memref<512xf32, #tpu.memory_space<vmem>> -> memref<256xf32, #tpu.memory_space<vmem>>
    %dma_start3A_123 = arith.constant 0 : i32
    %dma_start3A_124 = tpu.memref_slice %arg7[%add3A_120, %dma_start3A_123] : memref<512x256xf32, #tpu.memory_space<hbm>> -> memref<1x256xf32, #tpu.memory_space<hbm>>
    %dma_start3A_125 = tpu.memref_squeeze %dma_start3A_124 : memref<1x256xf32, #tpu.memory_space<hbm>> -> memref<256xf32, #tpu.memory_space<hbm>>
    %dma_start3A_126 = arith.constant 0 : i32
    %dma_start3A_127 = tpu.memref_slice %arg7[%add3A_120, %dma_start3A_126] : memref<512x256xf32, #tpu.memory_space<hbm>> -> memref<1x256xf32, #tpu.memory_space<hbm>>
    %dma_start3A_128 = tpu.memref_squeeze %dma_start3A_127 : memref<1x256xf32, #tpu.memory_space<hbm>> -> memref<256xf32, #tpu.memory_space<hbm>>
    %dma_start3A_129 = arith.constant 0 : i32
    %dma_start3A_130 = tpu.memref_slice %arg13[%dma_start3A_129] : memref<512xf32, #tpu.memory_space<vmem>> -> memref<256xf32, #tpu.memory_space<vmem>>
    tpu.enqueue_dma source(%dma_start3A_130 : memref<256xf32, #tpu.memory_space<vmem>>) target(%dma_start3A_128 : memref<256xf32, #tpu.memory_space<hbm>>) target_semaphore(%arg16 : memref<!tpu.dma_semaphore, #tpu.memory_space<semaphore_mem>>)
    %add3A_131 = arith.constant 6 : i32
    %add3A_132 = arith.addi %mul3A_2, %add3A_131 : i32
    %dma_start3A_133 = arith.constant 0 : i32
    %dma_start3A_134 = tpu.memref_slice %arg13[%dma_start3A_133] : memref<512xf32, #tpu.memory_space<vmem>> -> memref<256xf32, #tpu.memory_space<vmem>>
    %dma_start3A_135 = arith.constant 0 : i32
    %dma_start3A_136 = tpu.memref_slice %arg7[%add3A_132, %dma_start3A_135] : memref<512x256xf32, #tpu.memory_space<hbm>> -> memref<1x256xf32, #tpu.memory_space<hbm>>
    %dma_start3A_137 = tpu.memref_squeeze %dma_start3A_136 : memref<1x256xf32, #tpu.memory_space<hbm>> -> memref<256xf32, #tpu.memory_space<hbm>>
    %dma_start3A_138 = arith.constant 0 : i32
    %dma_start3A_139 = tpu.memref_slice %arg7[%add3A_132, %dma_start3A_138] : memref<512x256xf32, #tpu.memory_space<hbm>> -> memref<1x256xf32, #tpu.memory_space<hbm>>
    %dma_start3A_140 = tpu.memref_squeeze %dma_start3A_139 : memref<1x256xf32, #tpu.memory_space<hbm>> -> memref<256xf32, #tpu.memory_space<hbm>>
    %dma_start3A_141 = arith.constant 0 : i32
    %dma_start3A_142 = tpu.memref_slice %arg13[%dma_start3A_141] : memref<512xf32, #tpu.memory_space<vmem>> -> memref<256xf32, #tpu.memory_space<vmem>>
    tpu.enqueue_dma source(%dma_start3A_142 : memref<256xf32, #tpu.memory_space<vmem>>) target(%dma_start3A_140 : memref<256xf32, #tpu.memory_space<hbm>>) target_semaphore(%arg16 : memref<!tpu.dma_semaphore, #tpu.memory_space<semaphore_mem>>)
    %add3A_143 = arith.constant 7 : i32
    %add3A_144 = arith.addi %mul3A_2, %add3A_143 : i32
    %dma_start3A_145 = arith.constant 0 : i32
    %dma_start3A_146 = tpu.memref_slice %arg13[%dma_start3A_145] : memref<512xf32, #tpu.memory_space<vmem>> -> memref<256xf32, #tpu.memory_space<vmem>>
    %dma_start3A_147 = arith.constant 0 : i32
    %dma_start3A_148 = tpu.memref_slice %arg7[%add3A_144, %dma_start3A_147] : memref<512x256xf32, #tpu.memory_space<hbm>> -> memref<1x256xf32, #tpu.memory_space<hbm>>
    %dma_start3A_149 = tpu.memref_squeeze %dma_start3A_148 : memref<1x256xf32, #tpu.memory_space<hbm>> -> memref<256xf32, #tpu.memory_space<hbm>>
    %dma_start3A_150 = arith.constant 0 : i32
    %dma_start3A_151 = tpu.memref_slice %arg7[%add3A_144, %dma_start3A_150] : memref<512x256xf32, #tpu.memory_space<hbm>> -> memref<1x256xf32, #tpu.memory_space<hbm>>
    %dma_start3A_152 = tpu.memref_squeeze %dma_start3A_151 : memref<1x256xf32, #tpu.memory_space<hbm>> -> memref<256xf32, #tpu.memory_space<hbm>>
    %dma_start3A_153 = arith.constant 0 : i32
    %dma_start3A_154 = tpu.memref_slice %arg13[%dma_start3A_153] : memref<512xf32, #tpu.memory_space<vmem>> -> memref<256xf32, #tpu.memory_space<vmem>>
    tpu.enqueue_dma source(%dma_start3A_154 : memref<256xf32, #tpu.memory_space<vmem>>) target(%dma_start3A_152 : memref<256xf32, #tpu.memory_space<hbm>>) target_semaphore(%arg16 : memref<!tpu.dma_semaphore, #tpu.memory_space<semaphore_mem>>)
    %add3A_155 = arith.constant 8 : i32
    %add3A_156 = arith.addi %mul3A_2, %add3A_155 : i32
    %dma_start3A_157 = arith.constant 0 : i32
    %dma_start3A_158 = tpu.memref_slice %arg13[%dma_start3A_157] : memref<512xf32, #tpu.memory_space<vmem>> -> memref<256xf32, #tpu.memory_space<vmem>>
    %dma_start3A_159 = arith.constant 0 : i32
    %dma_start3A_160 = tpu.memref_slice %arg7[%add3A_156, %dma_start3A_159] : memref<512x256xf32, #tpu.memory_space<hbm>> -> memref<1x256xf32, #tpu.memory_space<hbm>>
    %dma_start3A_161 = tpu.memref_squeeze %dma_start3A_160 : memref<1x256xf32, #tpu.memory_space<hbm>> -> memref<256xf32, #tpu.memory_space<hbm>>
    %dma_start3A_162 = arith.constant 0 : i32
    %dma_start3A_163 = tpu.memref_slice %arg7[%add3A_156, %dma_start3A_162] : memref<512x256xf32, #tpu.memory_space<hbm>> -> memref<1x256xf32, #tpu.memory_space<hbm>>
    %dma_start3A_164 = tpu.memref_squeeze %dma_start3A_163 : memref<1x256xf32, #tpu.memory_space<hbm>> -> memref<256xf32, #tpu.memory_space<hbm>>
    %dma_start3A_165 = arith.constant 0 : i32
    %dma_start3A_166 = tpu.memref_slice %arg13[%dma_start3A_165] : memref<512xf32, #tpu.memory_space<vmem>> -> memref<256xf32, #tpu.memory_space<vmem>>
    tpu.enqueue_dma source(%dma_start3A_166 : memref<256xf32, #tpu.memory_space<vmem>>) target(%dma_start3A_164 : memref<256xf32, #tpu.memory_space<hbm>>) target_semaphore(%arg16 : memref<!tpu.dma_semaphore, #tpu.memory_space<semaphore_mem>>)
    %add3A_167 = arith.constant 9 : i32
    %add3A_168 = arith.addi %mul3A_2, %add3A_167 : i32
    %dma_start3A_169 = arith.constant 0 : i32
    %dma_start3A_170 = tpu.memref_slice %arg13[%dma_start3A_169] : memref<512xf32, #tpu.memory_space<vmem>> -> memref<256xf32, #tpu.memory_space<vmem>>
    %dma_start3A_171 = arith.constant 0 : i32
    %dma_start3A_172 = tpu.memref_slice %arg7[%add3A_168, %dma_start3A_171] : memref<512x256xf32, #tpu.memory_space<hbm>> -> memref<1x256xf32, #tpu.memory_space<hbm>>
    %dma_start3A_173 = tpu.memref_squeeze %dma_start3A_172 : memref<1x256xf32, #tpu.memory_space<hbm>> -> memref<256xf32, #tpu.memory_space<hbm>>
    %dma_start3A_174 = arith.constant 0 : i32
    %dma_start3A_175 = tpu.memref_slice %arg7[%add3A_168, %dma_start3A_174] : memref<512x256xf32, #tpu.memory_space<hbm>> -> memref<1x256xf32, #tpu.memory_space<hbm>>
    %dma_start3A_176 = tpu.memref_squeeze %dma_start3A_175 : memref<1x256xf32, #tpu.memory_space<hbm>> -> memref<256xf32, #tpu.memory_space<hbm>>
    %dma_start3A_177 = arith.constant 0 : i32
    %dma_start3A_178 = tpu.memref_slice %arg13[%dma_start3A_177] : memref<512xf32, #tpu.memory_space<vmem>> -> memref<256xf32, #tpu.memory_space<vmem>>
    tpu.enqueue_dma source(%dma_start3A_178 : memref<256xf32, #tpu.memory_space<vmem>>) target(%dma_start3A_176 : memref<256xf32, #tpu.memory_space<hbm>>) target_semaphore(%arg16 : memref<!tpu.dma_semaphore, #tpu.memory_space<semaphore_mem>>)
    %add3A_179 = arith.constant 10 : i32
    %add3A_180 = arith.addi %mul3A_2, %add3A_179 : i32
    %dma_start3A_181 = arith.constant 0 : i32
    %dma_start3A_182 = tpu.memref_slice %arg13[%dma_start3A_181] : memref<512xf32, #tpu.memory_space<vmem>> -> memref<256xf32, #tpu.memory_space<vmem>>
    %dma_start3A_183 = arith.constant 0 : i32
    %dma_start3A_184 = tpu.memref_slice %arg7[%add3A_180, %dma_start3A_183] : memref<512x256xf32, #tpu.memory_space<hbm>> -> memref<1x256xf32, #tpu.memory_space<hbm>>
    %dma_start3A_185 = tpu.memref_squeeze %dma_start3A_184 : memref<1x256xf32, #tpu.memory_space<hbm>> -> memref<256xf32, #tpu.memory_space<hbm>>
    %dma_start3A_186 = arith.constant 0 : i32
    %dma_start3A_187 = tpu.memref_slice %arg7[%add3A_180, %dma_start3A_186] : memref<512x256xf32, #tpu.memory_space<hbm>> -> memref<1x256xf32, #tpu.memory_space<hbm>>
    %dma_start3A_188 = tpu.memref_squeeze %dma_start3A_187 : memref<1x256xf32, #tpu.memory_space<hbm>> -> memref<256xf32, #tpu.memory_space<hbm>>
    %dma_start3A_189 = arith.constant 0 : i32
    %dma_start3A_190 = tpu.memref_slice %arg13[%dma_start3A_189] : memref<512xf32, #tpu.memory_space<vmem>> -> memref<256xf32, #tpu.memory_space<vmem>>
    tpu.enqueue_dma source(%dma_start3A_190 : memref<256xf32, #tpu.memory_space<vmem>>) target(%dma_start3A_188 : memref<256xf32, #tpu.memory_space<hbm>>) target_semaphore(%arg16 : memref<!tpu.dma_semaphore, #tpu.memory_space<semaphore_mem>>)
    %add3A_191 = arith.constant 11 : i32
    %add3A_192 = arith.addi %mul3A_2, %add3A_191 : i32
    %dma_start3A_193 = arith.constant 0 : i32
    %dma_start3A_194 = tpu.memref_slice %arg13[%dma_start3A_193] : memref<512xf32, #tpu.memory_space<vmem>> -> memref<256xf32, #tpu.memory_space<vmem>>
    %dma_start3A_195 = arith.constant 0 : i32
    %dma_start3A_196 = tpu.memref_slice %arg7[%add3A_192, %dma_start3A_195] : memref<512x256xf32, #tpu.memory_space<hbm>> -> memref<1x256xf32, #tpu.memory_space<hbm>>
    %dma_start3A_197 = tpu.memref_squeeze %dma_start3A_196 : memref<1x256xf32, #tpu.memory_space<hbm>> -> memref<256xf32, #tpu.memory_space<hbm>>
    %dma_start3A_198 = arith.constant 0 : i32
    %dma_start3A_199 = tpu.memref_slice %arg7[%add3A_192, %dma_start3A_198] : memref<512x256xf32, #tpu.memory_space<hbm>> -> memref<1x256xf32, #tpu.memory_space<hbm>>
    %dma_start3A_200 = tpu.memref_squeeze %dma_start3A_199 : memref<1x256xf32, #tpu.memory_space<hbm>> -> memref<256xf32, #tpu.memory_space<hbm>>
    %dma_start3A_201 = arith.constant 0 : i32
    %dma_start3A_202 = tpu.memref_slice %arg13[%dma_start3A_201] : memref<512xf32, #tpu.memory_space<vmem>> -> memref<256xf32, #tpu.memory_space<vmem>>
    tpu.enqueue_dma source(%dma_start3A_202 : memref<256xf32, #tpu.memory_space<vmem>>) target(%dma_start3A_200 : memref<256xf32, #tpu.memory_space<hbm>>) target_semaphore(%arg16 : memref<!tpu.dma_semaphore, #tpu.memory_space<semaphore_mem>>)
    %add3A_203 = arith.constant 12 : i32
    %add3A_204 = arith.addi %mul3A_2, %add3A_203 : i32
    %dma_start3A_205 = arith.constant 0 : i32
    %dma_start3A_206 = tpu.memref_slice %arg13[%dma_start3A_205] : memref<512xf32, #tpu.memory_space<vmem>> -> memref<256xf32, #tpu.memory_space<vmem>>
    %dma_start3A_207 = arith.constant 0 : i32
    %dma_start3A_208 = tpu.memref_slice %arg7[%add3A_204, %dma_start3A_207] : memref<512x256xf32, #tpu.memory_space<hbm>> -> memref<1x256xf32, #tpu.memory_space<hbm>>
    %dma_start3A_209 = tpu.memref_squeeze %dma_start3A_208 : memref<1x256xf32, #tpu.memory_space<hbm>> -> memref<256xf32, #tpu.memory_space<hbm>>
    %dma_start3A_210 = arith.constant 0 : i32
    %dma_start3A_211 = tpu.memref_slice %arg7[%add3A_204, %dma_start3A_210] : memref<512x256xf32, #tpu.memory_space<hbm>> -> memref<1x256xf32, #tpu.memory_space<hbm>>
    %dma_start3A_212 = tpu.memref_squeeze %dma_start3A_211 : memref<1x256xf32, #tpu.memory_space<hbm>> -> memref<256xf32, #tpu.memory_space<hbm>>
    %dma_start3A_213 = arith.constant 0 : i32
    %dma_start3A_214 = tpu.memref_slice %arg13[%dma_start3A_213] : memref<512xf32, #tpu.memory_space<vmem>> -> memref<256xf32, #tpu.memory_space<vmem>>
    tpu.enqueue_dma source(%dma_start3A_214 : memref<256xf32, #tpu.memory_space<vmem>>) target(%dma_start3A_212 : memref<256xf32, #tpu.memory_space<hbm>>) target_semaphore(%arg16 : memref<!tpu.dma_semaphore, #tpu.memory_space<semaphore_mem>>)
    %add3A_215 = arith.constant 13 : i32
    %add3A_216 = arith.addi %mul3A_2, %add3A_215 : i32
    %dma_start3A_217 = arith.constant 0 : i32
    %dma_start3A_218 = tpu.memref_slice %arg13[%dma_start3A_217] : memref<512xf32, #tpu.memory_space<vmem>> -> memref<256xf32, #tpu.memory_space<vmem>>
    %dma_start3A_219 = arith.constant 0 : i32
    %dma_start3A_220 = tpu.memref_slice %arg7[%add3A_216, %dma_start3A_219] : memref<512x256xf32, #tpu.memory_space<hbm>> -> memref<1x256xf32, #tpu.memory_space<hbm>>
    %dma_start3A_221 = tpu.memref_squeeze %dma_start3A_220 : memref<1x256xf32, #tpu.memory_space<hbm>> -> memref<256xf32, #tpu.memory_space<hbm>>
    %dma_start3A_222 = arith.constant 0 : i32
    %dma_start3A_223 = tpu.memref_slice %arg7[%add3A_216, %dma_start3A_222] : memref<512x256xf32, #tpu.memory_space<hbm>> -> memref<1x256xf32, #tpu.memory_space<hbm>>
    %dma_start3A_224 = tpu.memref_squeeze %dma_start3A_223 : memref<1x256xf32, #tpu.memory_space<hbm>> -> memref<256xf32, #tpu.memory_space<hbm>>
    %dma_start3A_225 = arith.constant 0 : i32
    %dma_start3A_226 = tpu.memref_slice %arg13[%dma_start3A_225] : memref<512xf32, #tpu.memory_space<vmem>> -> memref<256xf32, #tpu.memory_space<vmem>>
    tpu.enqueue_dma source(%dma_start3A_226 : memref<256xf32, #tpu.memory_space<vmem>>) target(%dma_start3A_224 : memref<256xf32, #tpu.memory_space<hbm>>) target_semaphore(%arg16 : memref<!tpu.dma_semaphore, #tpu.memory_space<semaphore_mem>>)
    %add3A_227 = arith.constant 14 : i32
    %add3A_228 = arith.addi %mul3A_2, %add3A_227 : i32
    %dma_start3A_229 = arith.constant 0 : i32
    %dma_start3A_230 = tpu.memref_slice %arg13[%dma_start3A_229] : memref<512xf32, #tpu.memory_space<vmem>> -> memref<256xf32, #tpu.memory_space<vmem>>
    %dma_start3A_231 = arith.constant 0 : i32
    %dma_start3A_232 = tpu.memref_slice %arg7[%add3A_228, %dma_start3A_231] : memref<512x256xf32, #tpu.memory_space<hbm>> -> memref<1x256xf32, #tpu.memory_space<hbm>>
    %dma_start3A_233 = tpu.memref_squeeze %dma_start3A_232 : memref<1x256xf32, #tpu.memory_space<hbm>> -> memref<256xf32, #tpu.memory_space<hbm>>
    %dma_start3A_234 = arith.constant 0 : i32
    %dma_start3A_235 = tpu.memref_slice %arg7[%add3A_228, %dma_start3A_234] : memref<512x256xf32, #tpu.memory_space<hbm>> -> memref<1x256xf32, #tpu.memory_space<hbm>>
    %dma_start3A_236 = tpu.memref_squeeze %dma_start3A_235 : memref<1x256xf32, #tpu.memory_space<hbm>> -> memref<256xf32, #tpu.memory_space<hbm>>
    %dma_start3A_237 = arith.constant 0 : i32
    %dma_start3A_238 = tpu.memref_slice %arg13[%dma_start3A_237] : memref<512xf32, #tpu.memory_space<vmem>> -> memref<256xf32, #tpu.memory_space<vmem>>
    tpu.enqueue_dma source(%dma_start3A_238 : memref<256xf32, #tpu.memory_space<vmem>>) target(%dma_start3A_236 : memref<256xf32, #tpu.memory_space<hbm>>) target_semaphore(%arg16 : memref<!tpu.dma_semaphore, #tpu.memory_space<semaphore_mem>>)
    %add3A_239 = arith.constant 15 : i32
    %add3A_240 = arith.addi %mul3A_2, %add3A_239 : i32
    %dma_start3A_241 = arith.constant 0 : i32
    %dma_start3A_242 = tpu.memref_slice %arg13[%dma_start3A_241] : memref<512xf32, #tpu.memory_space<vmem>> -> memref<256xf32, #tpu.memory_space<vmem>>
    %dma_start3A_243 = arith.constant 0 : i32
    %dma_start3A_244 = tpu.memref_slice %arg7[%add3A_240, %dma_start3A_243] : memref<512x256xf32, #tpu.memory_space<hbm>> -> memref<1x256xf32, #tpu.memory_space<hbm>>
    %dma_start3A_245 = tpu.memref_squeeze %dma_start3A_244 : memref<1x256xf32, #tpu.memory_space<hbm>> -> memref<256xf32, #tpu.memory_space<hbm>>
    %dma_start3A_246 = arith.constant 0 : i32
    %dma_start3A_247 = tpu.memref_slice %arg7[%add3A_240, %dma_start3A_246] : memref<512x256xf32, #tpu.memory_space<hbm>> -> memref<1x256xf32, #tpu.memory_space<hbm>>
    %dma_start3A_248 = tpu.memref_squeeze %dma_start3A_247 : memref<1x256xf32, #tpu.memory_space<hbm>> -> memref<256xf32, #tpu.memory_space<hbm>>
    %dma_start3A_249 = arith.constant 0 : i32
    %dma_start3A_250 = tpu.memref_slice %arg13[%dma_start3A_249] : memref<512xf32, #tpu.memory_space<vmem>> -> memref<256xf32, #tpu.memory_space<vmem>>
    tpu.enqueue_dma source(%dma_start3A_250 : memref<256xf32, #tpu.memory_space<vmem>>) target(%dma_start3A_248 : memref<256xf32, #tpu.memory_space<hbm>>) target_semaphore(%arg16 : memref<!tpu.dma_semaphore, #tpu.memory_space<semaphore_mem>>)
    %add3A_251 = arith.constant 0 : i32
    %add3A_252 = arith.addi %mul3A_2, %add3A_251 : i32
    %dma_wait3A = arith.constant 0 : i32
    %dma_wait3A_253 = tpu.memref_slice %arg13[%dma_wait3A] : memref<512xf32, #tpu.memory_space<vmem>> -> memref<256xf32, #tpu.memory_space<vmem>>
    %dma_wait3A_254 = arith.constant 0 : i32
    %dma_wait3A_255 = tpu.memref_slice %arg7[%add3A_252, %dma_wait3A_254] : memref<512x256xf32, #tpu.memory_space<hbm>> -> memref<1x256xf32, #tpu.memory_space<hbm>>
    %dma_wait3A_256 = tpu.memref_squeeze %dma_wait3A_255 : memref<1x256xf32, #tpu.memory_space<hbm>> -> memref<256xf32, #tpu.memory_space<hbm>>
    %dma_wait3A_257 = arith.constant 0 : i32
    %dma_wait3A_258 = tpu.memref_slice %arg7[%add3A_252, %dma_wait3A_257] : memref<512x256xf32, #tpu.memory_space<hbm>> -> memref<1x256xf32, #tpu.memory_space<hbm>>
    %dma_wait3A_259 = tpu.memref_squeeze %dma_wait3A_258 : memref<1x256xf32, #tpu.memory_space<hbm>> -> memref<256xf32, #tpu.memory_space<hbm>>
    %dma_wait3A_260 = arith.constant 0 : i32
    %dma_wait3A_261 = tpu.memref_slice %arg13[%dma_wait3A_260] : memref<512xf32, #tpu.memory_space<vmem>> -> memref<256xf32, #tpu.memory_space<vmem>>
    tpu.wait_dma2 semaphore(%arg16 : memref<!tpu.dma_semaphore, #tpu.memory_space<semaphore_mem>>) src(%dma_wait3A_261 : memref<256xf32, #tpu.memory_space<vmem>>) dst(%dma_wait3A_259 : memref<256xf32, #tpu.memory_space<hbm>>)
    %add3A_262 = arith.constant 1 : i32
    %add3A_263 = arith.addi %mul3A_2, %add3A_262 : i32
    %dma_wait3A_264 = arith.constant 0 : i32
    %dma_wait3A_265 = tpu.memref_slice %arg13[%dma_wait3A_264] : memref<512xf32, #tpu.memory_space<vmem>> -> memref<256xf32, #tpu.memory_space<vmem>>
    %dma_wait3A_266 = arith.constant 0 : i32
    %dma_wait3A_267 = tpu.memref_slice %arg7[%add3A_263, %dma_wait3A_266] : memref<512x256xf32, #tpu.memory_space<hbm>> -> memref<1x256xf32, #tpu.memory_space<hbm>>
    %dma_wait3A_268 = tpu.memref_squeeze %dma_wait3A_267 : memref<1x256xf32, #tpu.memory_space<hbm>> -> memref<256xf32, #tpu.memory_space<hbm>>
    %dma_wait3A_269 = arith.constant 0 : i32
    %dma_wait3A_270 = tpu.memref_slice %arg7[%add3A_263, %dma_wait3A_269] : memref<512x256xf32, #tpu.memory_space<hbm>> -> memref<1x256xf32, #tpu.memory_space<hbm>>
    %dma_wait3A_271 = tpu.memref_squeeze %dma_wait3A_270 : memref<1x256xf32, #tpu.memory_space<hbm>> -> memref<256xf32, #tpu.memory_space<hbm>>
    %dma_wait3A_272 = arith.constant 0 : i32
    %dma_wait3A_273 = tpu.memref_slice %arg13[%dma_wait3A_272] : memref<512xf32, #tpu.memory_space<vmem>> -> memref<256xf32, #tpu.memory_space<vmem>>
    tpu.wait_dma2 semaphore(%arg16 : memref<!tpu.dma_semaphore, #tpu.memory_space<semaphore_mem>>) src(%dma_wait3A_273 : memref<256xf32, #tpu.memory_space<vmem>>) dst(%dma_wait3A_271 : memref<256xf32, #tpu.memory_space<hbm>>)
    %add3A_274 = arith.constant 2 : i32
    %add3A_275 = arith.addi %mul3A_2, %add3A_274 : i32
    %dma_wait3A_276 = arith.constant 0 : i32
    %dma_wait3A_277 = tpu.memref_slice %arg13[%dma_wait3A_276] : memref<512xf32, #tpu.memory_space<vmem>> -> memref<256xf32, #tpu.memory_space<vmem>>
    %dma_wait3A_278 = arith.constant 0 : i32
    %dma_wait3A_279 = tpu.memref_slice %arg7[%add3A_275, %dma_wait3A_278] : memref<512x256xf32, #tpu.memory_space<hbm>> -> memref<1x256xf32, #tpu.memory_space<hbm>>
    %dma_wait3A_280 = tpu.memref_squeeze %dma_wait3A_279 : memref<1x256xf32, #tpu.memory_space<hbm>> -> memref<256xf32, #tpu.memory_space<hbm>>
    %dma_wait3A_281 = arith.constant 0 : i32
    %dma_wait3A_282 = tpu.memref_slice %arg7[%add3A_275, %dma_wait3A_281] : memref<512x256xf32, #tpu.memory_space<hbm>> -> memref<1x256xf32, #tpu.memory_space<hbm>>
    %dma_wait3A_283 = tpu.memref_squeeze %dma_wait3A_282 : memref<1x256xf32, #tpu.memory_space<hbm>> -> memref<256xf32, #tpu.memory_space<hbm>>
    %dma_wait3A_284 = arith.constant 0 : i32
    %dma_wait3A_285 = tpu.memref_slice %arg13[%dma_wait3A_284] : memref<512xf32, #tpu.memory_space<vmem>> -> memref<256xf32, #tpu.memory_space<vmem>>
    tpu.wait_dma2 semaphore(%arg16 : memref<!tpu.dma_semaphore, #tpu.memory_space<semaphore_mem>>) src(%dma_wait3A_285 : memref<256xf32, #tpu.memory_space<vmem>>) dst(%dma_wait3A_283 : memref<256xf32, #tpu.memory_space<hbm>>)
    %add3A_286 = arith.constant 3 : i32
    %add3A_287 = arith.addi %mul3A_2, %add3A_286 : i32
    %dma_wait3A_288 = arith.constant 0 : i32
    %dma_wait3A_289 = tpu.memref_slice %arg13[%dma_wait3A_288] : memref<512xf32, #tpu.memory_space<vmem>> -> memref<256xf32, #tpu.memory_space<vmem>>
    %dma_wait3A_290 = arith.constant 0 : i32
    %dma_wait3A_291 = tpu.memref_slice %arg7[%add3A_287, %dma_wait3A_290] : memref<512x256xf32, #tpu.memory_space<hbm>> -> memref<1x256xf32, #tpu.memory_space<hbm>>
    %dma_wait3A_292 = tpu.memref_squeeze %dma_wait3A_291 : memref<1x256xf32, #tpu.memory_space<hbm>> -> memref<256xf32, #tpu.memory_space<hbm>>
    %dma_wait3A_293 = arith.constant 0 : i32
    %dma_wait3A_294 = tpu.memref_slice %arg7[%add3A_287, %dma_wait3A_293] : memref<512x256xf32, #tpu.memory_space<hbm>> -> memref<1x256xf32, #tpu.memory_space<hbm>>
    %dma_wait3A_295 = tpu.memref_squeeze %dma_wait3A_294 : memref<1x256xf32, #tpu.memory_space<hbm>> -> memref<256xf32, #tpu.memory_space<hbm>>
    %dma_wait3A_296 = arith.constant 0 : i32
    %dma_wait3A_297 = tpu.memref_slice %arg13[%dma_wait3A_296] : memref<512xf32, #tpu.memory_space<vmem>> -> memref<256xf32, #tpu.memory_space<vmem>>
    tpu.wait_dma2 semaphore(%arg16 : memref<!tpu.dma_semaphore, #tpu.memory_space<semaphore_mem>>) src(%dma_wait3A_297 : memref<256xf32, #tpu.memory_space<vmem>>) dst(%dma_wait3A_295 : memref<256xf32, #tpu.memory_space<hbm>>)
    %add3A_298 = arith.constant 4 : i32
    %add3A_299 = arith.addi %mul3A_2, %add3A_298 : i32
    %dma_wait3A_300 = arith.constant 0 : i32
    %dma_wait3A_301 = tpu.memref_slice %arg13[%dma_wait3A_300] : memref<512xf32, #tpu.memory_space<vmem>> -> memref<256xf32, #tpu.memory_space<vmem>>
    %dma_wait3A_302 = arith.constant 0 : i32
    %dma_wait3A_303 = tpu.memref_slice %arg7[%add3A_299, %dma_wait3A_302] : memref<512x256xf32, #tpu.memory_space<hbm>> -> memref<1x256xf32, #tpu.memory_space<hbm>>
    %dma_wait3A_304 = tpu.memref_squeeze %dma_wait3A_303 : memref<1x256xf32, #tpu.memory_space<hbm>> -> memref<256xf32, #tpu.memory_space<hbm>>
    %dma_wait3A_305 = arith.constant 0 : i32
    %dma_wait3A_306 = tpu.memref_slice %arg7[%add3A_299, %dma_wait3A_305] : memref<512x256xf32, #tpu.memory_space<hbm>> -> memref<1x256xf32, #tpu.memory_space<hbm>>
    %dma_wait3A_307 = tpu.memref_squeeze %dma_wait3A_306 : memref<1x256xf32, #tpu.memory_space<hbm>> -> memref<256xf32, #tpu.memory_space<hbm>>
    %dma_wait3A_308 = arith.constant 0 : i32
    %dma_wait3A_309 = tpu.memref_slice %arg13[%dma_wait3A_308] : memref<512xf32, #tpu.memory_space<vmem>> -> memref<256xf32, #tpu.memory_space<vmem>>
    tpu.wait_dma2 semaphore(%arg16 : memref<!tpu.dma_semaphore, #tpu.memory_space<semaphore_mem>>) src(%dma_wait3A_309 : memref<256xf32, #tpu.memory_space<vmem>>) dst(%dma_wait3A_307 : memref<256xf32, #tpu.memory_space<hbm>>)
    %add3A_310 = arith.constant 5 : i32
    %add3A_311 = arith.addi %mul3A_2, %add3A_310 : i32
    %dma_wait3A_312 = arith.constant 0 : i32
    %dma_wait3A_313 = tpu.memref_slice %arg13[%dma_wait3A_312] : memref<512xf32, #tpu.memory_space<vmem>> -> memref<256xf32, #tpu.memory_space<vmem>>
    %dma_wait3A_314 = arith.constant 0 : i32
    %dma_wait3A_315 = tpu.memref_slice %arg7[%add3A_311, %dma_wait3A_314] : memref<512x256xf32, #tpu.memory_space<hbm>> -> memref<1x256xf32, #tpu.memory_space<hbm>>
    %dma_wait3A_316 = tpu.memref_squeeze %dma_wait3A_315 : memref<1x256xf32, #tpu.memory_space<hbm>> -> memref<256xf32, #tpu.memory_space<hbm>>
    %dma_wait3A_317 = arith.constant 0 : i32
    %dma_wait3A_318 = tpu.memref_slice %arg7[%add3A_311, %dma_wait3A_317] : memref<512x256xf32, #tpu.memory_space<hbm>> -> memref<1x256xf32, #tpu.memory_space<hbm>>
    %dma_wait3A_319 = tpu.memref_squeeze %dma_wait3A_318 : memref<1x256xf32, #tpu.memory_space<hbm>> -> memref<256xf32, #tpu.memory_space<hbm>>
    %dma_wait3A_320 = arith.constant 0 : i32
    %dma_wait3A_321 = tpu.memref_slice %arg13[%dma_wait3A_320] : memref<512xf32, #tpu.memory_space<vmem>> -> memref<256xf32, #tpu.memory_space<vmem>>
    tpu.wait_dma2 semaphore(%arg16 : memref<!tpu.dma_semaphore, #tpu.memory_space<semaphore_mem>>) src(%dma_wait3A_321 : memref<256xf32, #tpu.memory_space<vmem>>) dst(%dma_wait3A_319 : memref<256xf32, #tpu.memory_space<hbm>>)
    %add3A_322 = arith.constant 6 : i32
    %add3A_323 = arith.addi %mul3A_2, %add3A_322 : i32
    %dma_wait3A_324 = arith.constant 0 : i32
    %dma_wait3A_325 = tpu.memref_slice %arg13[%dma_wait3A_324] : memref<512xf32, #tpu.memory_space<vmem>> -> memref<256xf32, #tpu.memory_space<vmem>>
    %dma_wait3A_326 = arith.constant 0 : i32
    %dma_wait3A_327 = tpu.memref_slice %arg7[%add3A_323, %dma_wait3A_326] : memref<512x256xf32, #tpu.memory_space<hbm>> -> memref<1x256xf32, #tpu.memory_space<hbm>>
    %dma_wait3A_328 = tpu.memref_squeeze %dma_wait3A_327 : memref<1x256xf32, #tpu.memory_space<hbm>> -> memref<256xf32, #tpu.memory_space<hbm>>
    %dma_wait3A_329 = arith.constant 0 : i32
    %dma_wait3A_330 = tpu.memref_slice %arg7[%add3A_323, %dma_wait3A_329] : memref<512x256xf32, #tpu.memory_space<hbm>> -> memref<1x256xf32, #tpu.memory_space<hbm>>
    %dma_wait3A_331 = tpu.memref_squeeze %dma_wait3A_330 : memref<1x256xf32, #tpu.memory_space<hbm>> -> memref<256xf32, #tpu.memory_space<hbm>>
    %dma_wait3A_332 = arith.constant 0 : i32
    %dma_wait3A_333 = tpu.memref_slice %arg13[%dma_wait3A_332] : memref<512xf32, #tpu.memory_space<vmem>> -> memref<256xf32, #tpu.memory_space<vmem>>
    tpu.wait_dma2 semaphore(%arg16 : memref<!tpu.dma_semaphore, #tpu.memory_space<semaphore_mem>>) src(%dma_wait3A_333 : memref<256xf32, #tpu.memory_space<vmem>>) dst(%dma_wait3A_331 : memref<256xf32, #tpu.memory_space<hbm>>)
    %add3A_334 = arith.constant 7 : i32
    %add3A_335 = arith.addi %mul3A_2, %add3A_334 : i32
    %dma_wait3A_336 = arith.constant 0 : i32
    %dma_wait3A_337 = tpu.memref_slice %arg13[%dma_wait3A_336] : memref<512xf32, #tpu.memory_space<vmem>> -> memref<256xf32, #tpu.memory_space<vmem>>
    %dma_wait3A_338 = arith.constant 0 : i32
    %dma_wait3A_339 = tpu.memref_slice %arg7[%add3A_335, %dma_wait3A_338] : memref<512x256xf32, #tpu.memory_space<hbm>> -> memref<1x256xf32, #tpu.memory_space<hbm>>
    %dma_wait3A_340 = tpu.memref_squeeze %dma_wait3A_339 : memref<1x256xf32, #tpu.memory_space<hbm>> -> memref<256xf32, #tpu.memory_space<hbm>>
    %dma_wait3A_341 = arith.constant 0 : i32
    %dma_wait3A_342 = tpu.memref_slice %arg7[%add3A_335, %dma_wait3A_341] : memref<512x256xf32, #tpu.memory_space<hbm>> -> memref<1x256xf32, #tpu.memory_space<hbm>>
    %dma_wait3A_343 = tpu.memref_squeeze %dma_wait3A_342 : memref<1x256xf32, #tpu.memory_space<hbm>> -> memref<256xf32, #tpu.memory_space<hbm>>
    %dma_wait3A_344 = arith.constant 0 : i32
    %dma_wait3A_345 = tpu.memref_slice %arg13[%dma_wait3A_344] : memref<512xf32, #tpu.memory_space<vmem>> -> memref<256xf32, #tpu.memory_space<vmem>>
    tpu.wait_dma2 semaphore(%arg16 : memref<!tpu.dma_semaphore, #tpu.memory_space<semaphore_mem>>) src(%dma_wait3A_345 : memref<256xf32, #tpu.memory_space<vmem>>) dst(%dma_wait3A_343 : memref<256xf32, #tpu.memory_space<hbm>>)
    %add3A_346 = arith.constant 8 : i32
    %add3A_347 = arith.addi %mul3A_2, %add3A_346 : i32
    %dma_wait3A_348 = arith.constant 0 : i32
    %dma_wait3A_349 = tpu.memref_slice %arg13[%dma_wait3A_348] : memref<512xf32, #tpu.memory_space<vmem>> -> memref<256xf32, #tpu.memory_space<vmem>>
    %dma_wait3A_350 = arith.constant 0 : i32
    %dma_wait3A_351 = tpu.memref_slice %arg7[%add3A_347, %dma_wait3A_350] : memref<512x256xf32, #tpu.memory_space<hbm>> -> memref<1x256xf32, #tpu.memory_space<hbm>>
    %dma_wait3A_352 = tpu.memref_squeeze %dma_wait3A_351 : memref<1x256xf32, #tpu.memory_space<hbm>> -> memref<256xf32, #tpu.memory_space<hbm>>
    %dma_wait3A_353 = arith.constant 0 : i32
    %dma_wait3A_354 = tpu.memref_slice %arg7[%add3A_347, %dma_wait3A_353] : memref<512x256xf32, #tpu.memory_space<hbm>> -> memref<1x256xf32, #tpu.memory_space<hbm>>
    %dma_wait3A_355 = tpu.memref_squeeze %dma_wait3A_354 : memref<1x256xf32, #tpu.memory_space<hbm>> -> memref<256xf32, #tpu.memory_space<hbm>>
    %dma_wait3A_356 = arith.constant 0 : i32
    %dma_wait3A_357 = tpu.memref_slice %arg13[%dma_wait3A_356] : memref<512xf32, #tpu.memory_space<vmem>> -> memref<256xf32, #tpu.memory_space<vmem>>
    tpu.wait_dma2 semaphore(%arg16 : memref<!tpu.dma_semaphore, #tpu.memory_space<semaphore_mem>>) src(%dma_wait3A_357 : memref<256xf32, #tpu.memory_space<vmem>>) dst(%dma_wait3A_355 : memref<256xf32, #tpu.memory_space<hbm>>)
    %add3A_358 = arith.constant 9 : i32
    %add3A_359 = arith.addi %mul3A_2, %add3A_358 : i32
    %dma_wait3A_360 = arith.constant 0 : i32
    %dma_wait3A_361 = tpu.memref_slice %arg13[%dma_wait3A_360] : memref<512xf32, #tpu.memory_space<vmem>> -> memref<256xf32, #tpu.memory_space<vmem>>
    %dma_wait3A_362 = arith.constant 0 : i32
    %dma_wait3A_363 = tpu.memref_slice %arg7[%add3A_359, %dma_wait3A_362] : memref<512x256xf32, #tpu.memory_space<hbm>> -> memref<1x256xf32, #tpu.memory_space<hbm>>
    %dma_wait3A_364 = tpu.memref_squeeze %dma_wait3A_363 : memref<1x256xf32, #tpu.memory_space<hbm>> -> memref<256xf32, #tpu.memory_space<hbm>>
    %dma_wait3A_365 = arith.constant 0 : i32
    %dma_wait3A_366 = tpu.memref_slice %arg7[%add3A_359, %dma_wait3A_365] : memref<512x256xf32, #tpu.memory_space<hbm>> -> memref<1x256xf32, #tpu.memory_space<hbm>>
    %dma_wait3A_367 = tpu.memref_squeeze %dma_wait3A_366 : memref<1x256xf32, #tpu.memory_space<hbm>> -> memref<256xf32, #tpu.memory_space<hbm>>
    %dma_wait3A_368 = arith.constant 0 : i32
    %dma_wait3A_369 = tpu.memref_slice %arg13[%dma_wait3A_368] : memref<512xf32, #tpu.memory_space<vmem>> -> memref<256xf32, #tpu.memory_space<vmem>>
    tpu.wait_dma2 semaphore(%arg16 : memref<!tpu.dma_semaphore, #tpu.memory_space<semaphore_mem>>) src(%dma_wait3A_369 : memref<256xf32, #tpu.memory_space<vmem>>) dst(%dma_wait3A_367 : memref<256xf32, #tpu.memory_space<hbm>>)
    %add3A_370 = arith.constant 10 : i32
    %add3A_371 = arith.addi %mul3A_2, %add3A_370 : i32
    %dma_wait3A_372 = arith.constant 0 : i32
    %dma_wait3A_373 = tpu.memref_slice %arg13[%dma_wait3A_372] : memref<512xf32, #tpu.memory_space<vmem>> -> memref<256xf32, #tpu.memory_space<vmem>>
    %dma_wait3A_374 = arith.constant 0 : i32
    %dma_wait3A_375 = tpu.memref_slice %arg7[%add3A_371, %dma_wait3A_374] : memref<512x256xf32, #tpu.memory_space<hbm>> -> memref<1x256xf32, #tpu.memory_space<hbm>>
    %dma_wait3A_376 = tpu.memref_squeeze %dma_wait3A_375 : memref<1x256xf32, #tpu.memory_space<hbm>> -> memref<256xf32, #tpu.memory_space<hbm>>
    %dma_wait3A_377 = arith.constant 0 : i32
    %dma_wait3A_378 = tpu.memref_slice %arg7[%add3A_371, %dma_wait3A_377] : memref<512x256xf32, #tpu.memory_space<hbm>> -> memref<1x256xf32, #tpu.memory_space<hbm>>
    %dma_wait3A_379 = tpu.memref_squeeze %dma_wait3A_378 : memref<1x256xf32, #tpu.memory_space<hbm>> -> memref<256xf32, #tpu.memory_space<hbm>>
    %dma_wait3A_380 = arith.constant 0 : i32
    %dma_wait3A_381 = tpu.memref_slice %arg13[%dma_wait3A_380] : memref<512xf32, #tpu.memory_space<vmem>> -> memref<256xf32, #tpu.memory_space<vmem>>
    tpu.wait_dma2 semaphore(%arg16 : memref<!tpu.dma_semaphore, #tpu.memory_space<semaphore_mem>>) src(%dma_wait3A_381 : memref<256xf32, #tpu.memory_space<vmem>>) dst(%dma_wait3A_379 : memref<256xf32, #tpu.memory_space<hbm>>)
    %add3A_382 = arith.constant 11 : i32
    %add3A_383 = arith.addi %mul3A_2, %add3A_382 : i32
    %dma_wait3A_384 = arith.constant 0 : i32
    %dma_wait3A_385 = tpu.memref_slice %arg13[%dma_wait3A_384] : memref<512xf32, #tpu.memory_space<vmem>> -> memref<256xf32, #tpu.memory_space<vmem>>
    %dma_wait3A_386 = arith.constant 0 : i32
    %dma_wait3A_387 = tpu.memref_slice %arg7[%add3A_383, %dma_wait3A_386] : memref<512x256xf32, #tpu.memory_space<hbm>> -> memref<1x256xf32, #tpu.memory_space<hbm>>
    %dma_wait3A_388 = tpu.memref_squeeze %dma_wait3A_387 : memref<1x256xf32, #tpu.memory_space<hbm>> -> memref<256xf32, #tpu.memory_space<hbm>>
    %dma_wait3A_389 = arith.constant 0 : i32
    %dma_wait3A_390 = tpu.memref_slice %arg7[%add3A_383, %dma_wait3A_389] : memref<512x256xf32, #tpu.memory_space<hbm>> -> memref<1x256xf32, #tpu.memory_space<hbm>>
    %dma_wait3A_391 = tpu.memref_squeeze %dma_wait3A_390 : memref<1x256xf32, #tpu.memory_space<hbm>> -> memref<256xf32, #tpu.memory_space<hbm>>
    %dma_wait3A_392 = arith.constant 0 : i32
    %dma_wait3A_393 = tpu.memref_slice %arg13[%dma_wait3A_392] : memref<512xf32, #tpu.memory_space<vmem>> -> memref<256xf32, #tpu.memory_space<vmem>>
    tpu.wait_dma2 semaphore(%arg16 : memref<!tpu.dma_semaphore, #tpu.memory_space<semaphore_mem>>) src(%dma_wait3A_393 : memref<256xf32, #tpu.memory_space<vmem>>) dst(%dma_wait3A_391 : memref<256xf32, #tpu.memory_space<hbm>>)
    %add3A_394 = arith.constant 12 : i32
    %add3A_395 = arith.addi %mul3A_2, %add3A_394 : i32
    %dma_wait3A_396 = arith.constant 0 : i32
    %dma_wait3A_397 = tpu.memref_slice %arg13[%dma_wait3A_396] : memref<512xf32, #tpu.memory_space<vmem>> -> memref<256xf32, #tpu.memory_space<vmem>>
    %dma_wait3A_398 = arith.constant 0 : i32
    %dma_wait3A_399 = tpu.memref_slice %arg7[%add3A_395, %dma_wait3A_398] : memref<512x256xf32, #tpu.memory_space<hbm>> -> memref<1x256xf32, #tpu.memory_space<hbm>>
    %dma_wait3A_400 = tpu.memref_squeeze %dma_wait3A_399 : memref<1x256xf32, #tpu.memory_space<hbm>> -> memref<256xf32, #tpu.memory_space<hbm>>
    %dma_wait3A_401 = arith.constant 0 : i32
    %dma_wait3A_402 = tpu.memref_slice %arg7[%add3A_395, %dma_wait3A_401] : memref<512x256xf32, #tpu.memory_space<hbm>> -> memref<1x256xf32, #tpu.memory_space<hbm>>
    %dma_wait3A_403 = tpu.memref_squeeze %dma_wait3A_402 : memref<1x256xf32, #tpu.memory_space<hbm>> -> memref<256xf32, #tpu.memory_space<hbm>>
    %dma_wait3A_404 = arith.constant 0 : i32
    %dma_wait3A_405 = tpu.memref_slice %arg13[%dma_wait3A_404] : memref<512xf32, #tpu.memory_space<vmem>> -> memref<256xf32, #tpu.memory_space<vmem>>
    tpu.wait_dma2 semaphore(%arg16 : memref<!tpu.dma_semaphore, #tpu.memory_space<semaphore_mem>>) src(%dma_wait3A_405 : memref<256xf32, #tpu.memory_space<vmem>>) dst(%dma_wait3A_403 : memref<256xf32, #tpu.memory_space<hbm>>)
    %add3A_406 = arith.constant 13 : i32
    %add3A_407 = arith.addi %mul3A_2, %add3A_406 : i32
    %dma_wait3A_408 = arith.constant 0 : i32
    %dma_wait3A_409 = tpu.memref_slice %arg13[%dma_wait3A_408] : memref<512xf32, #tpu.memory_space<vmem>> -> memref<256xf32, #tpu.memory_space<vmem>>
    %dma_wait3A_410 = arith.constant 0 : i32
    %dma_wait3A_411 = tpu.memref_slice %arg7[%add3A_407, %dma_wait3A_410] : memref<512x256xf32, #tpu.memory_space<hbm>> -> memref<1x256xf32, #tpu.memory_space<hbm>>
    %dma_wait3A_412 = tpu.memref_squeeze %dma_wait3A_411 : memref<1x256xf32, #tpu.memory_space<hbm>> -> memref<256xf32, #tpu.memory_space<hbm>>
    %dma_wait3A_413 = arith.constant 0 : i32
    %dma_wait3A_414 = tpu.memref_slice %arg7[%add3A_407, %dma_wait3A_413] : memref<512x256xf32, #tpu.memory_space<hbm>> -> memref<1x256xf32, #tpu.memory_space<hbm>>
    %dma_wait3A_415 = tpu.memref_squeeze %dma_wait3A_414 : memref<1x256xf32, #tpu.memory_space<hbm>> -> memref<256xf32, #tpu.memory_space<hbm>>
    %dma_wait3A_416 = arith.constant 0 : i32
    %dma_wait3A_417 = tpu.memref_slice %arg13[%dma_wait3A_416] : memref<512xf32, #tpu.memory_space<vmem>> -> memref<256xf32, #tpu.memory_space<vmem>>
    tpu.wait_dma2 semaphore(%arg16 : memref<!tpu.dma_semaphore, #tpu.memory_space<semaphore_mem>>) src(%dma_wait3A_417 : memref<256xf32, #tpu.memory_space<vmem>>) dst(%dma_wait3A_415 : memref<256xf32, #tpu.memory_space<hbm>>)
    %add3A_418 = arith.constant 14 : i32
    %add3A_419 = arith.addi %mul3A_2, %add3A_418 : i32
    %dma_wait3A_420 = arith.constant 0 : i32
    %dma_wait3A_421 = tpu.memref_slice %arg13[%dma_wait3A_420] : memref<512xf32, #tpu.memory_space<vmem>> -> memref<256xf32, #tpu.memory_space<vmem>>
    %dma_wait3A_422 = arith.constant 0 : i32
    %dma_wait3A_423 = tpu.memref_slice %arg7[%add3A_419, %dma_wait3A_422] : memref<512x256xf32, #tpu.memory_space<hbm>> -> memref<1x256xf32, #tpu.memory_space<hbm>>
    %dma_wait3A_424 = tpu.memref_squeeze %dma_wait3A_423 : memref<1x256xf32, #tpu.memory_space<hbm>> -> memref<256xf32, #tpu.memory_space<hbm>>
    %dma_wait3A_425 = arith.constant 0 : i32
    %dma_wait3A_426 = tpu.memref_slice %arg7[%add3A_419, %dma_wait3A_425] : memref<512x256xf32, #tpu.memory_space<hbm>> -> memref<1x256xf32, #tpu.memory_space<hbm>>
    %dma_wait3A_427 = tpu.memref_squeeze %dma_wait3A_426 : memref<1x256xf32, #tpu.memory_space<hbm>> -> memref<256xf32, #tpu.memory_space<hbm>>
    %dma_wait3A_428 = arith.constant 0 : i32
    %dma_wait3A_429 = tpu.memref_slice %arg13[%dma_wait3A_428] : memref<512xf32, #tpu.memory_space<vmem>> -> memref<256xf32, #tpu.memory_space<vmem>>
    tpu.wait_dma2 semaphore(%arg16 : memref<!tpu.dma_semaphore, #tpu.memory_space<semaphore_mem>>) src(%dma_wait3A_429 : memref<256xf32, #tpu.memory_space<vmem>>) dst(%dma_wait3A_427 : memref<256xf32, #tpu.memory_space<hbm>>)
    %add3A_430 = arith.constant 15 : i32
    %add3A_431 = arith.addi %mul3A_2, %add3A_430 : i32
    %dma_wait3A_432 = arith.constant 0 : i32
    %dma_wait3A_433 = tpu.memref_slice %arg13[%dma_wait3A_432] : memref<512xf32, #tpu.memory_space<vmem>> -> memref<256xf32, #tpu.memory_space<vmem>>
    %dma_wait3A_434 = arith.constant 0 : i32
    %dma_wait3A_435 = tpu.memref_slice %arg7[%add3A_431, %dma_wait3A_434] : memref<512x256xf32, #tpu.memory_space<hbm>> -> memref<1x256xf32, #tpu.memory_space<hbm>>
    %dma_wait3A_436 = tpu.memref_squeeze %dma_wait3A_435 : memref<1x256xf32, #tpu.memory_space<hbm>> -> memref<256xf32, #tpu.memory_space<hbm>>
    %dma_wait3A_437 = arith.constant 0 : i32
    %dma_wait3A_438 = tpu.memref_slice %arg7[%add3A_431, %dma_wait3A_437] : memref<512x256xf32, #tpu.memory_space<hbm>> -> memref<1x256xf32, #tpu.memory_space<hbm>>
    %dma_wait3A_439 = tpu.memref_squeeze %dma_wait3A_438 : memref<1x256xf32, #tpu.memory_space<hbm>> -> memref<256xf32, #tpu.memory_space<hbm>>
    %dma_wait3A_440 = arith.constant 0 : i32
    %dma_wait3A_441 = tpu.memref_slice %arg13[%dma_wait3A_440] : memref<512xf32, #tpu.memory_space<vmem>> -> memref<256xf32, #tpu.memory_space<vmem>>
    tpu.wait_dma2 semaphore(%arg16 : memref<!tpu.dma_semaphore, #tpu.memory_space<semaphore_mem>>) src(%dma_wait3A_441 : memref<256xf32, #tpu.memory_space<vmem>>) dst(%dma_wait3A_439 : memref<256xf32, #tpu.memory_space<hbm>>)
    %jit3A = arith.constant 8 : i32
    %div3A = arith.divsi %squeeze3A, %jit3A : i32
    %sign3A = arith.constant 0 : i32
    %sign3A_442 = arith.cmpi sgt, %squeeze3A, %sign3A : i32
    %sign3A_443 = arith.extui %sign3A_442 : i1 to i32
    %sign3A_444 = arith.constant 0 : i32
    %sign3A_445 = arith.cmpi slt, %squeeze3A, %sign3A_444 : i32
    %sign3A_446 = arith.extui %sign3A_445 : i1 to i32
    %sign3A_447 = arith.subi %sign3A_443, %sign3A_446 : i32
    %sign3A_448 = arith.constant 0 : i32
    %sign3A_449 = arith.cmpi sgt, %jit3A, %sign3A_448 : i32
    %sign3A_450 = arith.extui %sign3A_449 : i1 to i32
    %sign3A_451 = arith.constant 0 : i32
    %sign3A_452 = arith.cmpi slt, %jit3A, %sign3A_451 : i32
    %sign3A_453 = arith.extui %sign3A_452 : i1 to i32
    %sign3A_454 = arith.subi %sign3A_450, %sign3A_453 : i32
    %ne3A = arith.cmpi ne, %sign3A_447, %sign3A_454 : i32
    %rem3A = arith.remsi %squeeze3A, %jit3A : i32
    %ne3A_455 = arith.constant 0 : i32
    %ne3A_456 = arith.cmpi ne, %rem3A, %ne3A_455 : i32
    %and3A = arith.andi %ne3A, %ne3A_456 : i1
    %sub3A = arith.constant 1 : i32
    %sub3A_457 = arith.subi %div3A, %sub3A : i32
    %select_n3A = arith.select %and3A, %sub3A_457, %div3A : i32
    %mul3A_458 = arith.constant 8 : i32
    %mul3A_459 = arith.muli %select_n3A, %mul3A_458 : i32
    %sub3A_460 = arith.subi %squeeze3A_25, %mul3A_459 : i32
    %add3A_461 = arith.constant 256 : i32
    %add3A_462 = arith.addi %sub3A_460, %add3A_461 : i32
    %sub3A_463 = arith.constant 1 : i32
    %sub3A_464 = arith.subi %add3A_462, %sub3A_463 : i32
    %jit3A_465 = arith.constant 256 : i32
    %div3A_466 = arith.divsi %sub3A_464, %jit3A_465 : i32
    %sign3A_467 = arith.constant 0 : i32
    %sign3A_468 = arith.cmpi sgt, %sub3A_464, %sign3A_467 : i32
    %sign3A_469 = arith.extui %sign3A_468 : i1 to i32
    %sign3A_470 = arith.constant 0 : i32
    %sign3A_471 = arith.cmpi slt, %sub3A_464, %sign3A_470 : i32
    %sign3A_472 = arith.extui %sign3A_471 : i1 to i32
    %sign3A_473 = arith.subi %sign3A_469, %sign3A_472 : i32
    %sign3A_474 = arith.constant 0 : i32
    %sign3A_475 = arith.cmpi sgt, %jit3A_465, %sign3A_474 : i32
    %sign3A_476 = arith.extui %sign3A_475 : i1 to i32
    %sign3A_477 = arith.constant 0 : i32
    %sign3A_478 = arith.cmpi slt, %jit3A_465, %sign3A_477 : i32
    %sign3A_479 = arith.extui %sign3A_478 : i1 to i32
    %sign3A_480 = arith.subi %sign3A_476, %sign3A_479 : i32
    %ne3A_481 = arith.cmpi ne, %sign3A_473, %sign3A_480 : i32
    %rem3A_482 = arith.remsi %sub3A_464, %jit3A_465 : i32
    %ne3A_483 = arith.constant 0 : i32
    %ne3A_484 = arith.cmpi ne, %rem3A_482, %ne3A_483 : i32
    %and3A_485 = arith.andi %ne3A_481, %ne3A_484 : i1
    %sub3A_486 = arith.constant 1 : i32
    %sub3A_487 = arith.subi %div3A_466, %sub3A_486 : i32
    %select_n3A_488 = arith.select %and3A_485, %sub3A_487, %div3A_466 : i32
    %max3A = arith.constant 1 : i32
    %max3A_489 = arith.maxsi %select_n3A_488, %max3A : i32
    %add3A_490 = arith.constant 0 : i32
    %add3A_491 = arith.addi %mul3A_459, %add3A_490 : i32
    %min3A = arith.constant 99744 : i32
    %min3A_492 = arith.minsi %add3A_491, %min3A : i32
    %multiple_of3A = tpu.assume_multiple %min3A_492, 8 : i32
    %dma_start3A_493 = arith.constant 0 : i32
    %dma_start3A_494 = arith.constant 0 : i32
    %dma_start3A_495 = arith.constant 0 : i32
    %dma_start3A_496 = tpu.memref_slice %arg8[%dma_start3A_493, %dma_start3A_494, %dma_start3A_495] : memref<2x264x128xf32, #tpu.memory_space<vmem>> -> memref<1x256x128xf32, #tpu.memory_space<vmem>>
    %dma_start3A_497 = tpu.memref_squeeze %dma_start3A_496 : memref<1x256x128xf32, #tpu.memory_space<vmem>> -> memref<256x128xf32, #tpu.memory_space<vmem>>
    %dma_start3A_498 = arith.constant 0 : i32
    %dma_start3A_499 = tpu.memref_slice %arg2[%multiple_of3A, %dma_start3A_498] : memref<100000x128xf32, #tpu.memory_space<hbm>> -> memref<256x128xf32, #tpu.memory_space<hbm>>
    %dma_start3A_500 = arith.constant 0 : i32
    %dma_start3A_501 = arith.constant 0 : i32
    %dma_start3A_502 = tpu.memref_slice %arg8[%dma_start3A_493, %dma_start3A_500, %dma_start3A_501] : memref<2x264x128xf32, #tpu.memory_space<vmem>> -> memref<1x256x128xf32, #tpu.memory_space<vmem>>
    %dma_start3A_503 = tpu.memref_squeeze %dma_start3A_502 : memref<1x256x128xf32, #tpu.memory_space<vmem>> -> memref<256x128xf32, #tpu.memory_space<vmem>>
    %dma_start3A_504 = arith.constant 0 : i32
    %dma_start3A_505 = tpu.memref_slice %arg2[%multiple_of3A, %dma_start3A_504] : memref<100000x128xf32, #tpu.memory_space<hbm>> -> memref<256x128xf32, #tpu.memory_space<hbm>>
    tpu.enqueue_dma source(%dma_start3A_505 : memref<256x128xf32, #tpu.memory_space<hbm>>) target(%dma_start3A_503 : memref<256x128xf32, #tpu.memory_space<vmem>>) target_semaphore(%arg14 : memref<!tpu.dma_semaphore, #tpu.memory_space<semaphore_mem>>)
    %add3A_506 = arith.constant 0 : i32
    %add3A_507 = arith.addi %mul3A_459, %add3A_506 : i32
    %min3A_508 = arith.constant 99680 : i32
    %min3A_509 = arith.minsi %add3A_507, %min3A_508 : i32
    %multiple_of3A_510 = tpu.assume_multiple %min3A_509, 8 : i32
    %dma_start3A_511 = arith.constant 0 : i32
    %dma_start3A_512 = tpu.memref_slice %arg9[%dma_start3A_511] : memref<704xi32, #tpu.memory_space<vmem>> -> memref<320xi32, #tpu.memory_space<vmem>>
    %dma_start3A_513 = tpu.memref_slice %arg3[%multiple_of3A_510] : memref<100000xi32, #tpu.memory_space<hbm>> -> memref<320xi32, #tpu.memory_space<hbm>>
    %dma_start3A_514 = arith.constant 0 : i32
    %dma_start3A_515 = tpu.memref_slice %arg9[%dma_start3A_514] : memref<704xi32, #tpu.memory_space<vmem>> -> memref<320xi32, #tpu.memory_space<vmem>>
    %dma_start3A_516 = tpu.memref_slice %arg3[%multiple_of3A_510] : memref<100000xi32, #tpu.memory_space<hbm>> -> memref<320xi32, #tpu.memory_space<hbm>>
    tpu.enqueue_dma source(%dma_start3A_516 : memref<320xi32, #tpu.memory_space<hbm>>) target(%dma_start3A_515 : memref<320xi32, #tpu.memory_space<vmem>>) target_semaphore(%arg15 : memref<!tpu.dma_semaphore, #tpu.memory_space<semaphore_mem>>)
    %while3A = arith.constant 0 : i32
    %while3A_517 = arith.constant 0 : i32
    %while3A_518 = arith.subi %max3A_489, %while3A : i32
    %while3A_519 = arith.addi %while3A, %while3A_518 : i32
    %while3A_520 = arith.constant 1 : i32
    %while3A_521 = arith.divsi %while3A_518, %while3A_520 : i32
    %while3A_522 = arith.muli %while3A_521, %while3A_520 : i32
    %while3A_523 = arith.addi %while3A, %while3A_522 : i32
    %while3A_524 = arith.constant 1 : i32
    %while3A_525:17 = scf.for %while3A_535 = %while3A to %while3A_523 step %while3A_524 iter_args(%while3A_536 = %while3A_517, %while3A_537 = %broadcast_in_dim3A_26, %while3A_538 = %broadcast_in_dim3A_26, %while3A_539 = %broadcast_in_dim3A_26, %while3A_540 = %broadcast_in_dim3A_26, %while3A_541 = %broadcast_in_dim3A_26, %while3A_542 = %broadcast_in_dim3A_26, %while3A_543 = %broadcast_in_dim3A_26, %while3A_544 = %broadcast_in_dim3A_26, %while3A_545 = %broadcast_in_dim3A_28, %while3A_546 = %broadcast_in_dim3A_28, %while3A_547 = %broadcast_in_dim3A_28, %while3A_548 = %broadcast_in_dim3A_28, %while3A_549 = %broadcast_in_dim3A_28, %while3A_550 = %broadcast_in_dim3A_28, %while3A_551 = %broadcast_in_dim3A_28, %while3A_552 = %broadcast_in_dim3A_28) -> (i32, vector<16xf32>, vector<16xf32>, vector<16xf32>, vector<16xf32>, vector<16xf32>, vector<16xf32>, vector<16xf32>, vector<16xf32>, vector<16xf32>, vector<16xf32>, vector<16xf32>, vector<16xf32>, vector<16xf32>, vector<16xf32>, vector<16xf32>, vector<16xf32>)  : i32 {
      %mul3A_553 = arith.constant 256 : i32
      %mul3A_554 = arith.muli %while3A_535, %mul3A_553 : i32
      %add3A_555 = arith.addi %mul3A_459, %mul3A_554 : i32
      %max3A_556 = arith.maxsi %squeeze3A, %add3A_555 : i32
      %add3A_557 = arith.constant 1 : i32
      %add3A_558 = arith.addi %while3A_535, %add3A_557 : i32
      %mul3A_559 = arith.constant 256 : i32
      %mul3A_560 = arith.muli %add3A_558, %mul3A_559 : i32
      %add3A_561 = arith.addi %mul3A_459, %mul3A_560 : i32
      %min3A_562 = arith.minsi %add3A_561, %squeeze3A_25 : i32
      %mul3A_563 = arith.constant 256 : i32
      %mul3A_564 = arith.muli %while3A_535, %mul3A_563 : i32
      %add3A_565 = arith.addi %mul3A_459, %mul3A_564 : i32
      %min3A_566 = arith.constant 99744 : i32
      %min3A_567 = arith.minsi %add3A_565, %min3A_566 : i32
      %multiple_of3A_568 = tpu.assume_multiple %min3A_567, 8 : i32
      %mul3A_569 = arith.constant 256 : i32
      %mul3A_570 = arith.muli %while3A_535, %mul3A_569 : i32
      %add3A_571 = arith.addi %mul3A_459, %mul3A_570 : i32
      %min3A_572 = arith.constant 99680 : i32
      %min3A_573 = arith.minsi %add3A_571, %min3A_572 : i32
      %multiple_of3A_574 = tpu.assume_multiple %min3A_573, 8 : i32
      %mul3A_575 = arith.constant 256 : i32
      %mul3A_576 = arith.muli %while3A_535, %mul3A_575 : i32
      %add3A_577 = arith.addi %mul3A_459, %mul3A_576 : i32
      %min3A_578 = arith.constant 99744 : i32
      %min3A_579 = arith.minsi %add3A_577, %min3A_578 : i32
      %multiple_of3A_580 = tpu.assume_multiple %min3A_579, 8 : i32
      %jit3A_581 = arith.constant 2 : i32
      %eq3A = arith.constant 0 : i32
      %eq3A_582 = arith.cmpi eq, %jit3A_581, %eq3A : i32
      %jit3A_583 = arith.constant 1 : i32
      %select_n3A_584 = arith.select %eq3A_582, %jit3A_583, %jit3A_581 : i32
      %rem3A_585 = arith.remsi %while3A_535, %select_n3A_584 : i32
      %ne3A_586 = arith.constant 0 : i32
      %ne3A_587 = arith.cmpi ne, %rem3A_585, %ne3A_586 : i32
      %lt3A = arith.constant 0 : i32
      %lt3A_588 = arith.cmpi slt, %rem3A_585, %lt3A : i32
      %lt3A_589 = arith.constant 0 : i32
      %lt3A_590 = arith.cmpi slt, %select_n3A_584, %lt3A_589 : i32
      %ne3A_591 = arith.xori %lt3A_588, %lt3A_590 : i1
      %and3A_592 = arith.andi %ne3A_591, %ne3A_587 : i1
      %add3A_593 = arith.addi %rem3A_585, %select_n3A_584 : i32
      %select_n3A_594 = arith.select %and3A_592, %add3A_593, %rem3A_585 : i32
      %dma_wait3A_595 = arith.constant 0 : i32
      %dma_wait3A_596 = arith.constant 0 : i32
      %dma_wait3A_597 = tpu.memref_slice %arg8[%select_n3A_594, %dma_wait3A_595, %dma_wait3A_596] : memref<2x264x128xf32, #tpu.memory_space<vmem>> -> memref<1x256x128xf32, #tpu.memory_space<vmem>>
      %dma_wait3A_598 = tpu.memref_squeeze %dma_wait3A_597 : memref<1x256x128xf32, #tpu.memory_space<vmem>> -> memref<256x128xf32, #tpu.memory_space<vmem>>
      %dma_wait3A_599 = arith.constant 0 : i32
      %dma_wait3A_600 = tpu.memref_slice %arg2[%multiple_of3A_580, %dma_wait3A_599] : memref<100000x128xf32, #tpu.memory_space<hbm>> -> memref<256x128xf32, #tpu.memory_space<hbm>>
      %dma_wait3A_601 = arith.constant 0 : i32
      %dma_wait3A_602 = arith.constant 0 : i32
      %dma_wait3A_603 = tpu.memref_slice %arg8[%select_n3A_594, %dma_wait3A_601, %dma_wait3A_602] : memref<2x264x128xf32, #tpu.memory_space<vmem>> -> memref<1x256x128xf32, #tpu.memory_space<vmem>>
      %dma_wait3A_604 = tpu.memref_squeeze %dma_wait3A_603 : memref<1x256x128xf32, #tpu.memory_space<vmem>> -> memref<256x128xf32, #tpu.memory_space<vmem>>
      %dma_wait3A_605 = arith.constant 0 : i32
      %dma_wait3A_606 = tpu.memref_slice %arg2[%multiple_of3A_580, %dma_wait3A_605] : memref<100000x128xf32, #tpu.memory_space<hbm>> -> memref<256x128xf32, #tpu.memory_space<hbm>>
      tpu.wait_dma2 semaphore(%arg14 : memref<!tpu.dma_semaphore, #tpu.memory_space<semaphore_mem>>) src(%dma_wait3A_606 : memref<256x128xf32, #tpu.memory_space<hbm>>) dst(%dma_wait3A_604 : memref<256x128xf32, #tpu.memory_space<vmem>>)
      %mul3A_607 = arith.constant 256 : i32
      %mul3A_608 = arith.muli %while3A_535, %mul3A_607 : i32
      %add3A_609 = arith.addi %mul3A_459, %mul3A_608 : i32
      %min3A_610 = arith.constant 99680 : i32
      %min3A_611 = arith.minsi %add3A_609, %min3A_610 : i32
      %multiple_of3A_612 = tpu.assume_multiple %min3A_611, 8 : i32
      %jit3A_613 = arith.constant 2 : i32
      %eq3A_614 = arith.constant 0 : i32
      %eq3A_615 = arith.cmpi eq, %jit3A_613, %eq3A_614 : i32
      %jit3A_616 = arith.constant 1 : i32
      %select_n3A_617 = arith.select %eq3A_615, %jit3A_616, %jit3A_613 : i32
      %rem3A_618 = arith.remsi %while3A_535, %select_n3A_617 : i32
      %ne3A_619 = arith.constant 0 : i32
      %ne3A_620 = arith.cmpi ne, %rem3A_618, %ne3A_619 : i32
      %lt3A_621 = arith.constant 0 : i32
      %lt3A_622 = arith.cmpi slt, %rem3A_618, %lt3A_621 : i32
      %lt3A_623 = arith.constant 0 : i32
      %lt3A_624 = arith.cmpi slt, %select_n3A_617, %lt3A_623 : i32
      %ne3A_625 = arith.xori %lt3A_622, %lt3A_624 : i1
      %and3A_626 = arith.andi %ne3A_625, %ne3A_620 : i1
      %add3A_627 = arith.addi %rem3A_618, %select_n3A_617 : i32
      %select_n3A_628 = arith.select %and3A_626, %add3A_627, %rem3A_618 : i32
      %mul3A_629 = arith.constant 320 : i32
      %mul3A_630 = arith.muli %select_n3A_628, %mul3A_629 : i32
      %dma_wait3A_631 = tpu.memref_slice %arg9[%mul3A_630] : memref<704xi32, #tpu.memory_space<vmem>> -> memref<320xi32, #tpu.memory_space<vmem>>
      %dma_wait3A_632 = tpu.memref_slice %arg3[%multiple_of3A_612] : memref<100000xi32, #tpu.memory_space<hbm>> -> memref<320xi32, #tpu.memory_space<hbm>>
      %dma_wait3A_633 = tpu.memref_slice %arg9[%mul3A_630] : memref<704xi32, #tpu.memory_space<vmem>> -> memref<320xi32, #tpu.memory_space<vmem>>
      %dma_wait3A_634 = tpu.memref_slice %arg3[%multiple_of3A_612] : memref<100000xi32, #tpu.memory_space<hbm>> -> memref<320xi32, #tpu.memory_space<hbm>>
      tpu.wait_dma2 semaphore(%arg15 : memref<!tpu.dma_semaphore, #tpu.memory_space<semaphore_mem>>) src(%dma_wait3A_634 : memref<320xi32, #tpu.memory_space<hbm>>) dst(%dma_wait3A_633 : memref<320xi32, #tpu.memory_space<vmem>>)
      %add3A_635 = arith.constant 1 : i32
      %add3A_636 = arith.addi %while3A_535, %add3A_635 : i32
      %lt3A_637 = arith.cmpi slt, %add3A_636, %max3A_489 : i32
      %convert_element_type3A_638 = arith.extui %lt3A_637 : i1 to i32
      %cond3A_639 = arith.constant 0 : i32
      %cond3A_640 = arith.cmpi ne, %convert_element_type3A_638, %cond3A_639 : i32
      scf.if %cond3A_640 {
        %add3A_770 = arith.constant 1 : i32
        %add3A_771 = arith.addi %while3A_535, %add3A_770 : i32
        %mul3A_772 = arith.constant 256 : i32
        %mul3A_773 = arith.muli %add3A_771, %mul3A_772 : i32
        %add3A_774 = arith.addi %mul3A_459, %mul3A_773 : i32
        %min3A_775 = arith.constant 99744 : i32
        %min3A_776 = arith.minsi %add3A_774, %min3A_775 : i32
        %multiple_of3A_777 = tpu.assume_multiple %min3A_776, 8 : i32
        %jit3A_778 = arith.constant 2 : i32
        %eq3A_779 = arith.constant 0 : i32
        %eq3A_780 = arith.cmpi eq, %jit3A_778, %eq3A_779 : i32
        %jit3A_781 = arith.constant 1 : i32
        %select_n3A_782 = arith.select %eq3A_780, %jit3A_781, %jit3A_778 : i32
        %rem3A_783 = arith.remsi %add3A_771, %select_n3A_782 : i32
        %ne3A_784 = arith.constant 0 : i32
        %ne3A_785 = arith.cmpi ne, %rem3A_783, %ne3A_784 : i32
        %lt3A_786 = arith.constant 0 : i32
        %lt3A_787 = arith.cmpi slt, %rem3A_783, %lt3A_786 : i32
        %lt3A_788 = arith.constant 0 : i32
        %lt3A_789 = arith.cmpi slt, %select_n3A_782, %lt3A_788 : i32
        %ne3A_790 = arith.xori %lt3A_787, %lt3A_789 : i1
        %and3A_791 = arith.andi %ne3A_790, %ne3A_785 : i1
        %add3A_792 = arith.addi %rem3A_783, %select_n3A_782 : i32
        %select_n3A_793 = arith.select %and3A_791, %add3A_792, %rem3A_783 : i32
        %dma_start3A_794 = arith.constant 0 : i32
        %dma_start3A_795 = arith.constant 0 : i32
        %dma_start3A_796 = tpu.memref_slice %arg8[%select_n3A_793, %dma_start3A_794, %dma_start3A_795] : memref<2x264x128xf32, #tpu.memory_space<vmem>> -> memref<1x256x128xf32, #tpu.memory_space<vmem>>
        %dma_start3A_797 = tpu.memref_squeeze %dma_start3A_796 : memref<1x256x128xf32, #tpu.memory_space<vmem>> -> memref<256x128xf32, #tpu.memory_space<vmem>>
        %dma_start3A_798 = arith.constant 0 : i32
        %dma_start3A_799 = tpu.memref_slice %arg2[%multiple_of3A_777, %dma_start3A_798] : memref<100000x128xf32, #tpu.memory_space<hbm>> -> memref<256x128xf32, #tpu.memory_space<hbm>>
        %dma_start3A_800 = arith.constant 0 : i32
        %dma_start3A_801 = arith.constant 0 : i32
        %dma_start3A_802 = tpu.memref_slice %arg8[%select_n3A_793, %dma_start3A_800, %dma_start3A_801] : memref<2x264x128xf32, #tpu.memory_space<vmem>> -> memref<1x256x128xf32, #tpu.memory_space<vmem>>
        %dma_start3A_803 = tpu.memref_squeeze %dma_start3A_802 : memref<1x256x128xf32, #tpu.memory_space<vmem>> -> memref<256x128xf32, #tpu.memory_space<vmem>>
        %dma_start3A_804 = arith.constant 0 : i32
        %dma_start3A_805 = tpu.memref_slice %arg2[%multiple_of3A_777, %dma_start3A_804] : memref<100000x128xf32, #tpu.memory_space<hbm>> -> memref<256x128xf32, #tpu.memory_space<hbm>>
        tpu.enqueue_dma source(%dma_start3A_805 : memref<256x128xf32, #tpu.memory_space<hbm>>) target(%dma_start3A_803 : memref<256x128xf32, #tpu.memory_space<vmem>>) target_semaphore(%arg14 : memref<!tpu.dma_semaphore, #tpu.memory_space<semaphore_mem>>)
        %add3A_806 = arith.constant 1 : i32
        %add3A_807 = arith.addi %while3A_535, %add3A_806 : i32
        %mul3A_808 = arith.constant 256 : i32
        %mul3A_809 = arith.muli %add3A_807, %mul3A_808 : i32
        %add3A_810 = arith.addi %mul3A_459, %mul3A_809 : i32
        %min3A_811 = arith.constant 99680 : i32
        %min3A_812 = arith.minsi %add3A_810, %min3A_811 : i32
        %multiple_of3A_813 = tpu.assume_multiple %min3A_812, 8 : i32
        %jit3A_814 = arith.constant 2 : i32
        %eq3A_815 = arith.constant 0 : i32
        %eq3A_816 = arith.cmpi eq, %jit3A_814, %eq3A_815 : i32
        %jit3A_817 = arith.constant 1 : i32
        %select_n3A_818 = arith.select %eq3A_816, %jit3A_817, %jit3A_814 : i32
        %rem3A_819 = arith.remsi %add3A_807, %select_n3A_818 : i32
        %ne3A_820 = arith.constant 0 : i32
        %ne3A_821 = arith.cmpi ne, %rem3A_819, %ne3A_820 : i32
        %lt3A_822 = arith.constant 0 : i32
        %lt3A_823 = arith.cmpi slt, %rem3A_819, %lt3A_822 : i32
        %lt3A_824 = arith.constant 0 : i32
        %lt3A_825 = arith.cmpi slt, %select_n3A_818, %lt3A_824 : i32
        %ne3A_826 = arith.xori %lt3A_823, %lt3A_825 : i1
        %and3A_827 = arith.andi %ne3A_826, %ne3A_821 : i1
        %add3A_828 = arith.addi %rem3A_819, %select_n3A_818 : i32
        %select_n3A_829 = arith.select %and3A_827, %add3A_828, %rem3A_819 : i32
        %mul3A_830 = arith.constant 320 : i32
        %mul3A_831 = arith.muli %select_n3A_829, %mul3A_830 : i32
        %dma_start3A_832 = tpu.memref_slice %arg9[%mul3A_831] : memref<704xi32, #tpu.memory_space<vmem>> -> memref<320xi32, #tpu.memory_space<vmem>>
        %dma_start3A_833 = tpu.memref_slice %arg3[%multiple_of3A_813] : memref<100000xi32, #tpu.memory_space<hbm>> -> memref<320xi32, #tpu.memory_space<hbm>>
        %dma_start3A_834 = tpu.memref_slice %arg9[%mul3A_831] : memref<704xi32, #tpu.memory_space<vmem>> -> memref<320xi32, #tpu.memory_space<vmem>>
        %dma_start3A_835 = tpu.memref_slice %arg3[%multiple_of3A_813] : memref<100000xi32, #tpu.memory_space<hbm>> -> memref<320xi32, #tpu.memory_space<hbm>>
        tpu.enqueue_dma source(%dma_start3A_835 : memref<320xi32, #tpu.memory_space<hbm>>) target(%dma_start3A_834 : memref<320xi32, #tpu.memory_space<vmem>>) target_semaphore(%arg15 : memref<!tpu.dma_semaphore, #tpu.memory_space<semaphore_mem>>)
      } else {
      }
      %jit3A_641 = arith.constant 2 : i32
      %eq3A_642 = arith.constant 0 : i32
      %eq3A_643 = arith.cmpi eq, %jit3A_641, %eq3A_642 : i32
      %jit3A_644 = arith.constant 1 : i32
      %select_n3A_645 = arith.select %eq3A_643, %jit3A_644, %jit3A_641 : i32
      %rem3A_646 = arith.remsi %while3A_535, %select_n3A_645 : i32
      %ne3A_647 = arith.constant 0 : i32
      %ne3A_648 = arith.cmpi ne, %rem3A_646, %ne3A_647 : i32
      %lt3A_649 = arith.constant 0 : i32
      %lt3A_650 = arith.cmpi slt, %rem3A_646, %lt3A_649 : i32
      %lt3A_651 = arith.constant 0 : i32
      %lt3A_652 = arith.cmpi slt, %select_n3A_645, %lt3A_651 : i32
      %ne3A_653 = arith.xori %lt3A_650, %lt3A_652 : i1
      %and3A_654 = arith.andi %ne3A_653, %ne3A_648 : i1
      %add3A_655 = arith.addi %rem3A_646, %select_n3A_645 : i32
      %select_n3A_656 = arith.select %and3A_654, %add3A_655, %rem3A_646 : i32
      %jit3A_657 = arith.constant 2 : i32
      %eq3A_658 = arith.constant 0 : i32
      %eq3A_659 = arith.cmpi eq, %jit3A_657, %eq3A_658 : i32
      %jit3A_660 = arith.constant 1 : i32
      %select_n3A_661 = arith.select %eq3A_659, %jit3A_660, %jit3A_657 : i32
      %rem3A_662 = arith.remsi %while3A_535, %select_n3A_661 : i32
      %ne3A_663 = arith.constant 0 : i32
      %ne3A_664 = arith.cmpi ne, %rem3A_662, %ne3A_663 : i32
      %lt3A_665 = arith.constant 0 : i32
      %lt3A_666 = arith.cmpi slt, %rem3A_662, %lt3A_665 : i32
      %lt3A_667 = arith.constant 0 : i32
      %lt3A_668 = arith.cmpi slt, %select_n3A_661, %lt3A_667 : i32
      %ne3A_669 = arith.xori %lt3A_666, %lt3A_668 : i1
      %and3A_670 = arith.andi %ne3A_669, %ne3A_664 : i1
      %add3A_671 = arith.addi %rem3A_662, %select_n3A_661 : i32
      %select_n3A_672 = arith.select %and3A_670, %add3A_671, %rem3A_662 : i32
      %mul3A_673 = arith.constant 320 : i32
      %mul3A_674 = arith.muli %select_n3A_672, %mul3A_673 : i32
      %sub3A_675 = arith.subi %max3A_556, %multiple_of3A_568 : i32
      %get3A_676 = arith.constant 0 : i32
      %get3A_677 = arith.constant 0 : i32
      %get3A_678 = tpu.memref_slice %arg8[%select_n3A_656, %get3A_676, %get3A_677] : memref<2x264x128xf32, #tpu.memory_space<vmem>> -> memref<1x264x128xf32, #tpu.memory_space<vmem>>
      %get3A_679 = tpu.memref_squeeze %get3A_678 : memref<1x264x128xf32, #tpu.memory_space<vmem>> -> memref<264x128xf32, #tpu.memory_space<vmem>>
      %get3A_680 = arith.index_cast %sub3A_675 : i32 to index
      %get3A_681 = arith.constant 0 : index
      %get3A_682 = tpu.vector_load %get3A_679[%get3A_680, %get3A_681] {strides = array<i32>} : memref<264x128xf32, #tpu.memory_space<vmem>>, vector<16xf32>,
      %get3A_683 = arith.constant 0 : i32
      %get3A_684 = arith.constant 0 : i32
      %get3A_685 = tpu.memref_slice %arg8[%select_n3A_656, %get3A_683, %get3A_684] : memref<2x264x128xf32, #tpu.memory_space<vmem>> -> memref<1x264x128xf32, #tpu.memory_space<vmem>>
      %get3A_686 = tpu.memref_squeeze %get3A_685 : memref<1x264x128xf32, #tpu.memory_space<vmem>> -> memref<264x128xf32, #tpu.memory_space<vmem>>
      %get3A_687 = arith.index_cast %sub3A_675 : i32 to index
      %get3A_688 = arith.constant 16 : index
      %get3A_689 = tpu.vector_load %get3A_686[%get3A_687, %get3A_688] {strides = array<i32>} : memref<264x128xf32, #tpu.memory_space<vmem>>, vector<16xf32>,
      %get3A_690 = arith.constant 0 : i32
      %get3A_691 = arith.constant 0 : i32
      %get3A_692 = tpu.memref_slice %arg8[%select_n3A_656, %get3A_690, %get3A_691] : memref<2x264x128xf32, #tpu.memory_space<vmem>> -> memref<1x264x128xf32, #tpu.memory_space<vmem>>
      %get3A_693 = tpu.memref_squeeze %get3A_692 : memref<1x264x128xf32, #tpu.memory_space<vmem>> -> memref<264x128xf32, #tpu.memory_space<vmem>>
      %get3A_694 = arith.index_cast %sub3A_675 : i32 to index
      %get3A_695 = arith.constant 32 : index
      %get3A_696 = tpu.vector_load %get3A_693[%get3A_694, %get3A_695] {strides = array<i32>} : memref<264x128xf32, #tpu.memory_space<vmem>>, vector<16xf32>,
      %get3A_697 = arith.constant 0 : i32
      %get3A_698 = arith.constant 0 : i32
      %get3A_699 = tpu.memref_slice %arg8[%select_n3A_656, %get3A_697, %get3A_698] : memref<2x264x128xf32, #tpu.memory_space<vmem>> -> memref<1x264x128xf32, #tpu.memory_space<vmem>>
      %get3A_700 = tpu.memref_squeeze %get3A_699 : memref<1x264x128xf32, #tpu.memory_space<vmem>> -> memref<264x128xf32, #tpu.memory_space<vmem>>
      %get3A_701 = arith.index_cast %sub3A_675 : i32 to index
      %get3A_702 = arith.constant 48 : index
      %get3A_703 = tpu.vector_load %get3A_700[%get3A_701, %get3A_702] {strides = array<i32>} : memref<264x128xf32, #tpu.memory_space<vmem>>, vector<16xf32>,
      %get3A_704 = arith.constant 0 : i32
      %get3A_705 = arith.constant 0 : i32
      %get3A_706 = tpu.memref_slice %arg8[%select_n3A_656, %get3A_704, %get3A_705] : memref<2x264x128xf32, #tpu.memory_space<vmem>> -> memref<1x264x128xf32, #tpu.memory_space<vmem>>
      %get3A_707 = tpu.memref_squeeze %get3A_706 : memref<1x264x128xf32, #tpu.memory_space<vmem>> -> memref<264x128xf32, #tpu.memory_space<vmem>>
      %get3A_708 = arith.index_cast %sub3A_675 : i32 to index
      %get3A_709 = arith.constant 64 : index
      %get3A_710 = tpu.vector_load %get3A_707[%get3A_708, %get3A_709] {strides = array<i32>} : memref<264x128xf32, #tpu.memory_space<vmem>>, vector<16xf32>,
      %get3A_711 = arith.constant 0 : i32
      %get3A_712 = arith.constant 0 : i32
      %get3A_713 = tpu.memref_slice %arg8[%select_n3A_656, %get3A_711, %get3A_712] : memref<2x264x128xf32, #tpu.memory_space<vmem>> -> memref<1x264x128xf32, #tpu.memory_space<vmem>>
      %get3A_714 = tpu.memref_squeeze %get3A_713 : memref<1x264x128xf32, #tpu.memory_space<vmem>> -> memref<264x128xf32, #tpu.memory_space<vmem>>
      %get3A_715 = arith.index_cast %sub3A_675 : i32 to index
      %get3A_716 = arith.constant 80 : index
      %get3A_717 = tpu.vector_load %get3A_714[%get3A_715, %get3A_716] {strides = array<i32>} : memref<264x128xf32, #tpu.memory_space<vmem>>, vector<16xf32>,
      %get3A_718 = arith.constant 0 : i32
      %get3A_719 = arith.constant 0 : i32
      %get3A_720 = tpu.memref_slice %arg8[%select_n3A_656, %get3A_718, %get3A_719] : memref<2x264x128xf32, #tpu.memory_space<vmem>> -> memref<1x264x128xf32, #tpu.memory_space<vmem>>
      %get3A_721 = tpu.memref_squeeze %get3A_720 : memref<1x264x128xf32, #tpu.memory_space<vmem>> -> memref<264x128xf32, #tpu.memory_space<vmem>>
      %get3A_722 = arith.index_cast %sub3A_675 : i32 to index
      %get3A_723 = arith.constant 96 : index
      %get3A_724 = tpu.vector_load %get3A_721[%get3A_722, %get3A_723] {strides = array<i32>} : memref<264x128xf32, #tpu.memory_space<vmem>>, vector<16xf32>,
      %get3A_725 = arith.constant 0 : i32
      %get3A_726 = arith.constant 0 : i32
      %get3A_727 = tpu.memref_slice %arg8[%select_n3A_656, %get3A_725, %get3A_726] : memref<2x264x128xf32, #tpu.memory_space<vmem>> -> memref<1x264x128xf32, #tpu.memory_space<vmem>>
      %get3A_728 = tpu.memref_squeeze %get3A_727 : memref<1x264x128xf32, #tpu.memory_space<vmem>> -> memref<264x128xf32, #tpu.memory_space<vmem>>
      %get3A_729 = arith.index_cast %sub3A_675 : i32 to index
      %get3A_730 = arith.constant 112 : index
      %get3A_731 = tpu.vector_load %get3A_728[%get3A_729, %get3A_730] {strides = array<i32>} : memref<264x128xf32, #tpu.memory_space<vmem>>, vector<16xf32>,
      %mul3A_732 = arith.mulf %get3A_682, %get3A_5 : vector<16xf32>
      %mul3A_733 = arith.mulf %get3A_689, %get3A_7 : vector<16xf32>
      %add3A_734 = arith.addf %mul3A_732, %mul3A_733 : vector<16xf32>
      %mul3A_735 = arith.mulf %get3A_696, %get3A_9 : vector<16xf32>
      %add3A_736 = arith.addf %add3A_734, %mul3A_735 : vector<16xf32>
      %mul3A_737 = arith.mulf %get3A_703, %get3A_11 : vector<16xf32>
      %add3A_738 = arith.addf %add3A_736, %mul3A_737 : vector<16xf32>
      %mul3A_739 = arith.mulf %get3A_710, %get3A_13 : vector<16xf32>
      %add3A_740 = arith.addf %add3A_738, %mul3A_739 : vector<16xf32>
      %mul3A_741 = arith.mulf %get3A_717, %get3A_15 : vector<16xf32>
      %add3A_742 = arith.addf %add3A_740, %mul3A_741 : vector<16xf32>
      %mul3A_743 = arith.mulf %get3A_724, %get3A_17 : vector<16xf32>
      %add3A_744 = arith.addf %add3A_742, %mul3A_743 : vector<16xf32>
      %mul3A_745 = arith.mulf %get3A_731, %get3A_19 : vector<16xf32>
      %add3A_746 = arith.addf %add3A_744, %mul3A_745 : vector<16xf32>
      %reduce_sum3A = arith.constant true
      %reduce_sum3A_747 = vector.broadcast %reduce_sum3A : i1 to vector<16xi1>
      %reduce_sum3A_748 = tpu.scan <sum>, %add3A_746 masked %reduce_sum3A_747 : vector<16xf32>, vector<16xi1> -> vector<16xf32>
      %reduce_sum3A_749 = vector.extract %reduce_sum3A_748[15] : f32 from vector<16xf32>
      %broadcast_in_dim3A_750 = vector.broadcast %reduce_sum3A_749 : f32 to vector<16xf32>
      %add3A_751 = arith.addf %broadcast_in_dim3A_750, %get3A_3 : vector<16xf32>
      %neg3A = arith.constant 0.000000e+00 : f32
      %neg3A_752 = vector.broadcast %neg3A : f32 to vector<16xf32>
      %neg3A_753 = arith.subf %neg3A_752, %add3A_751 : vector<16xf32>
      %exp3A = math.exp %neg3A_753 : vector<16xf32>
      %add3A_754 = arith.constant 1.000000e+00 : f32
      %add3A_755 = vector.broadcast %add3A_754 : f32 to vector<16xf32>
      %add3A_756 = arith.addf %add3A_755, %exp3A : vector<16xf32>
      %div3A_757 = arith.constant 1.000000e+00 : f32
      %div3A_758 = vector.broadcast %div3A_757 : f32 to vector<16xf32>
      %div3A_759 = arith.divf %div3A_758, %add3A_756 : vector<16xf32>
      %while3A_760 = arith.subi %min3A_562, %max3A_556 : i32
      %while3A_761 = arith.addi %max3A_556, %while3A_760 : i32
      %while3A_762 = arith.constant 1 : i32
      %while3A_763 = arith.divsi %while3A_760, %while3A_762 : i32
      %while3A_764 = arith.muli %while3A_763, %while3A_762 : i32
      %while3A_765 = arith.addi %max3A_556, %while3A_764 : i32
      %while3A_766 = arith.constant 1 : i32
      %while3A_767:26 = scf.for %while3A_770 = %max3A_556 to %while3A_765 step %while3A_766 iter_args(%while3A_771 = %while3A_536, %while3A_772 = %div3A_759, %while3A_773 = %get3A_682, %while3A_774 = %get3A_689, %while3A_775 = %get3A_696, %while3A_776 = %get3A_703, %while3A_777 = %get3A_710, %while3A_778 = %get3A_717, %while3A_779 = %get3A_724, %while3A_780 = %get3A_731, %while3A_781 = %while3A_537, %while3A_782 = %while3A_538, %while3A_783 = %while3A_539, %while3A_784 = %while3A_540, %while3A_785 = %while3A_541, %while3A_786 = %while3A_542, %while3A_787 = %while3A_543, %while3A_788 = %while3A_544, %while3A_789 = %while3A_545, %while3A_790 = %while3A_546, %while3A_791 = %while3A_547, %while3A_792 = %while3A_548, %while3A_793 = %while3A_549, %while3A_794 = %while3A_550, %while3A_795 = %while3A_551, %while3A_796 = %while3A_552) -> (i32, vector<16xf32>, vector<16xf32>, vector<16xf32>, vector<16xf32>, vector<16xf32>, vector<16xf32>, vector<16xf32>, vector<16xf32>, vector<16xf32>, vector<16xf32>, vector<16xf32>, vector<16xf32>, vector<16xf32>, vector<16xf32>, vector<16xf32>, vector<16xf32>, vector<16xf32>, vector<16xf32>, vector<16xf32>, vector<16xf32>, vector<16xf32>, vector<16xf32>, vector<16xf32>, vector<16xf32>, vector<16xf32>)  : i32 {
        %add3A_797 = arith.addi %mul3A_674, %while3A_770 : i32
        %sub3A_798 = arith.subi %add3A_797, %multiple_of3A_574 : i32
        %get3A_799 = arith.index_cast %sub3A_798 : i32 to index
        %get3A_800 = tpu.vector_load %arg9[%get3A_799] {strides = array<i32>} : memref<704xi32, #tpu.memory_space<vmem>>, vector<16xi32>,
        %slice3A_801 = vector.extract_strided_slice %get3A_800 {offsets = [0], sizes = [1], strides = [1]} : vector<16xi32> to vector<1xi32>
        %squeeze3A_802 = vector.extract %slice3A_801[0] : i32 from vector<1xi32>
        %slice3A_803 = vector.extract_strided_slice %get3A_800 {offsets = [1], sizes = [1], strides = [1]} : vector<16xi32> to vector<1xi32>
        %squeeze3A_804 = vector.extract %slice3A_803[0] : i32 from vector<1xi32>
        %ne3A_805 = arith.cmpi ne, %squeeze3A_804, %squeeze3A_802 : i32
        %sub3A_806 = arith.constant 1 : i32
        %sub3A_807 = arith.subi %squeeze3A_25, %sub3A_806 : i32
        %eq3A_808 = arith.cmpi eq, %while3A_770, %sub3A_807 : i32
        %or3A = arith.ori %ne3A_805, %eq3A_808 : i1
        %mul3A_809 = arith.mulf %while3A_772, %while3A_773 : vector<16xf32>
        %add3A_810 = arith.addf %while3A_781, %mul3A_809 : vector<16xf32>
        %mul3A_811 = arith.mulf %while3A_772, %while3A_774 : vector<16xf32>
        %add3A_812 = arith.addf %while3A_782, %mul3A_811 : vector<16xf32>
        %mul3A_813 = arith.mulf %while3A_772, %while3A_775 : vector<16xf32>
        %add3A_814 = arith.addf %while3A_783, %mul3A_813 : vector<16xf32>
        %mul3A_815 = arith.mulf %while3A_772, %while3A_776 : vector<16xf32>
        %add3A_816 = arith.addf %while3A_784, %mul3A_815 : vector<16xf32>
        %mul3A_817 = arith.mulf %while3A_772, %while3A_777 : vector<16xf32>
        %add3A_818 = arith.addf %while3A_785, %mul3A_817 : vector<16xf32>
        %mul3A_819 = arith.mulf %while3A_772, %while3A_778 : vector<16xf32>
        %add3A_820 = arith.addf %while3A_786, %mul3A_819 : vector<16xf32>
        %mul3A_821 = arith.mulf %while3A_772, %while3A_779 : vector<16xf32>
        %add3A_822 = arith.addf %while3A_787, %mul3A_821 : vector<16xf32>
        %mul3A_823 = arith.mulf %while3A_772, %while3A_780 : vector<16xf32>
        %add3A_824 = arith.addf %while3A_788, %mul3A_823 : vector<16xf32>
        %max3A_825 = arith.maximumf %while3A_789, %while3A_773 : vector<16xf32>
        %max3A_826 = arith.maximumf %while3A_790, %while3A_774 : vector<16xf32>
        %max3A_827 = arith.maximumf %while3A_791, %while3A_775 : vector<16xf32>
        %max3A_828 = arith.maximumf %while3A_792, %while3A_776 : vector<16xf32>
        %max3A_829 = arith.maximumf %while3A_793, %while3A_777 : vector<16xf32>
        %max3A_830 = arith.maximumf %while3A_794, %while3A_778 : vector<16xf32>
        %max3A_831 = arith.maximumf %while3A_795, %while3A_779 : vector<16xf32>
        %max3A_832 = arith.maximumf %while3A_796, %while3A_780 : vector<16xf32>
        %add3A_833 = arith.constant 1 : i32
        %add3A_834 = arith.addi %while3A_770, %add3A_833 : i32
        %sub3A_835 = arith.subi %add3A_834, %multiple_of3A_568 : i32
        %get3A_836 = arith.constant 0 : i32
        %get3A_837 = arith.constant 0 : i32
        %get3A_838 = tpu.memref_slice %arg8[%select_n3A_656, %get3A_836, %get3A_837] : memref<2x264x128xf32, #tpu.memory_space<vmem>> -> memref<1x264x128xf32, #tpu.memory_space<vmem>>
        %get3A_839 = tpu.memref_squeeze %get3A_838 : memref<1x264x128xf32, #tpu.memory_space<vmem>> -> memref<264x128xf32, #tpu.memory_space<vmem>>
        %get3A_840 = arith.index_cast %sub3A_835 : i32 to index
        %get3A_841 = arith.constant 0 : index
        %get3A_842 = tpu.vector_load %get3A_839[%get3A_840, %get3A_841] {strides = array<i32>} : memref<264x128xf32, #tpu.memory_space<vmem>>, vector<16xf32>,
        %get3A_843 = arith.constant 0 : i32
        %get3A_844 = arith.constant 0 : i32
        %get3A_845 = tpu.memref_slice %arg8[%select_n3A_656, %get3A_843, %get3A_844] : memref<2x264x128xf32, #tpu.memory_space<vmem>> -> memref<1x264x128xf32, #tpu.memory_space<vmem>>
        %get3A_846 = tpu.memref_squeeze %get3A_845 : memref<1x264x128xf32, #tpu.memory_space<vmem>> -> memref<264x128xf32, #tpu.memory_space<vmem>>
        %get3A_847 = arith.index_cast %sub3A_835 : i32 to index
        %get3A_848 = arith.constant 16 : index
        %get3A_849 = tpu.vector_load %get3A_846[%get3A_847, %get3A_848] {strides = array<i32>} : memref<264x128xf32, #tpu.memory_space<vmem>>, vector<16xf32>,
        %get3A_850 = arith.constant 0 : i32
        %get3A_851 = arith.constant 0 : i32
        %get3A_852 = tpu.memref_slice %arg8[%select_n3A_656, %get3A_850, %get3A_851] : memref<2x264x128xf32, #tpu.memory_space<vmem>> -> memref<1x264x128xf32, #tpu.memory_space<vmem>>
        %get3A_853 = tpu.memref_squeeze %get3A_852 : memref<1x264x128xf32, #tpu.memory_space<vmem>> -> memref<264x128xf32, #tpu.memory_space<vmem>>
        %get3A_854 = arith.index_cast %sub3A_835 : i32 to index
        %get3A_855 = arith.constant 32 : index
        %get3A_856 = tpu.vector_load %get3A_853[%get3A_854, %get3A_855] {strides = array<i32>} : memref<264x128xf32, #tpu.memory_space<vmem>>, vector<16xf32>,
        %get3A_857 = arith.constant 0 : i32
        %get3A_858 = arith.constant 0 : i32
        %get3A_859 = tpu.memref_slice %arg8[%select_n3A_656, %get3A_857, %get3A_858] : memref<2x264x128xf32, #tpu.memory_space<vmem>> -> memref<1x264x128xf32, #tpu.memory_space<vmem>>
        %get3A_860 = tpu.memref_squeeze %get3A_859 : memref<1x264x128xf32, #tpu.memory_space<vmem>> -> memref<264x128xf32, #tpu.memory_space<vmem>>
        %get3A_861 = arith.index_cast %sub3A_835 : i32 to index
        %get3A_862 = arith.constant 48 : index
        %get3A_863 = tpu.vector_load %get3A_860[%get3A_861, %get3A_862] {strides = array<i32>} : memref<264x128xf32, #tpu.memory_space<vmem>>, vector<16xf32>,
        %get3A_864 = arith.constant 0 : i32
        %get3A_865 = arith.constant 0 : i32
        %get3A_866 = tpu.memref_slice %arg8[%select_n3A_656, %get3A_864, %get3A_865] : memref<2x264x128xf32, #tpu.memory_space<vmem>> -> memref<1x264x128xf32, #tpu.memory_space<vmem>>
        %get3A_867 = tpu.memref_squeeze %get3A_866 : memref<1x264x128xf32, #tpu.memory_space<vmem>> -> memref<264x128xf32, #tpu.memory_space<vmem>>
        %get3A_868 = arith.index_cast %sub3A_835 : i32 to index
        %get3A_869 = arith.constant 64 : index
        %get3A_870 = tpu.vector_load %get3A_867[%get3A_868, %get3A_869] {strides = array<i32>} : memref<264x128xf32, #tpu.memory_space<vmem>>, vector<16xf32>,
        %get3A_871 = arith.constant 0 : i32
        %get3A_872 = arith.constant 0 : i32
        %get3A_873 = tpu.memref_slice %arg8[%select_n3A_656, %get3A_871, %get3A_872] : memref<2x264x128xf32, #tpu.memory_space<vmem>> -> memref<1x264x128xf32, #tpu.memory_space<vmem>>
        %get3A_874 = tpu.memref_squeeze %get3A_873 : memref<1x264x128xf32, #tpu.memory_space<vmem>> -> memref<264x128xf32, #tpu.memory_space<vmem>>
        %get3A_875 = arith.index_cast %sub3A_835 : i32 to index
        %get3A_876 = arith.constant 80 : index
        %get3A_877 = tpu.vector_load %get3A_874[%get3A_875, %get3A_876] {strides = array<i32>} : memref<264x128xf32, #tpu.memory_space<vmem>>, vector<16xf32>,
        %get3A_878 = arith.constant 0 : i32
        %get3A_879 = arith.constant 0 : i32
        %get3A_880 = tpu.memref_slice %arg8[%select_n3A_656, %get3A_878, %get3A_879] : memref<2x264x128xf32, #tpu.memory_space<vmem>> -> memref<1x264x128xf32, #tpu.memory_space<vmem>>
        %get3A_881 = tpu.memref_squeeze %get3A_880 : memref<1x264x128xf32, #tpu.memory_space<vmem>> -> memref<264x128xf32, #tpu.memory_space<vmem>>
        %get3A_882 = arith.index_cast %sub3A_835 : i32 to index
        %get3A_883 = arith.constant 96 : index
        %get3A_884 = tpu.vector_load %get3A_881[%get3A_882, %get3A_883] {strides = array<i32>} : memref<264x128xf32, #tpu.memory_space<vmem>>, vector<16xf32>,
        %get3A_885 = arith.constant 0 : i32
        %get3A_886 = arith.constant 0 : i32
        %get3A_887 = tpu.memref_slice %arg8[%select_n3A_656, %get3A_885, %get3A_886] : memref<2x264x128xf32, #tpu.memory_space<vmem>> -> memref<1x264x128xf32, #tpu.memory_space<vmem>>
        %get3A_888 = tpu.memref_squeeze %get3A_887 : memref<1x264x128xf32, #tpu.memory_space<vmem>> -> memref<264x128xf32, #tpu.memory_space<vmem>>
        %get3A_889 = arith.index_cast %sub3A_835 : i32 to index
        %get3A_890 = arith.constant 112 : index
        %get3A_891 = tpu.vector_load %get3A_888[%get3A_889, %get3A_890] {strides = array<i32>} : memref<264x128xf32, #tpu.memory_space<vmem>>, vector<16xf32>,
        %mul3A_892 = arith.mulf %get3A_842, %get3A_5 : vector<16xf32>
        %mul3A_893 = arith.mulf %get3A_849, %get3A_7 : vector<16xf32>
        %add3A_894 = arith.addf %mul3A_892, %mul3A_893 : vector<16xf32>
        %mul3A_895 = arith.mulf %get3A_856, %get3A_9 : vector<16xf32>
        %add3A_896 = arith.addf %add3A_894, %mul3A_895 : vector<16xf32>
        %mul3A_897 = arith.mulf %get3A_863, %get3A_11 : vector<16xf32>
        %add3A_898 = arith.addf %add3A_896, %mul3A_897 : vector<16xf32>
        %mul3A_899 = arith.mulf %get3A_870, %get3A_13 : vector<16xf32>
        %add3A_900 = arith.addf %add3A_898, %mul3A_899 : vector<16xf32>
        %mul3A_901 = arith.mulf %get3A_877, %get3A_15 : vector<16xf32>
        %add3A_902 = arith.addf %add3A_900, %mul3A_901 : vector<16xf32>
        %mul3A_903 = arith.mulf %get3A_884, %get3A_17 : vector<16xf32>
        %add3A_904 = arith.addf %add3A_902, %mul3A_903 : vector<16xf32>
        %mul3A_905 = arith.mulf %get3A_891, %get3A_19 : vector<16xf32>
        %add3A_906 = arith.addf %add3A_904, %mul3A_905 : vector<16xf32>
        %reduce_sum3A_907 = arith.constant true
        %reduce_sum3A_908 = vector.broadcast %reduce_sum3A_907 : i1 to vector<16xi1>
        %reduce_sum3A_909 = tpu.scan <sum>, %add3A_906 masked %reduce_sum3A_908 : vector<16xf32>, vector<16xi1> -> vector<16xf32>
        %reduce_sum3A_910 = vector.extract %reduce_sum3A_909[15] : f32 from vector<16xf32>
        %broadcast_in_dim3A_911 = vector.broadcast %reduce_sum3A_910 : f32 to vector<16xf32>
        %add3A_912 = arith.addf %broadcast_in_dim3A_911, %get3A_3 : vector<16xf32>
        %neg3A_913 = arith.constant 0.000000e+00 : f32
        %neg3A_914 = vector.broadcast %neg3A_913 : f32 to vector<16xf32>
        %neg3A_915 = arith.subf %neg3A_914, %add3A_912 : vector<16xf32>
        %exp3A_916 = math.exp %neg3A_915 : vector<16xf32>
        %add3A_917 = arith.constant 1.000000e+00 : f32
        %add3A_918 = vector.broadcast %add3A_917 : f32 to vector<16xf32>
        %add3A_919 = arith.addf %add3A_918, %exp3A_916 : vector<16xf32>
        %div3A_920 = arith.constant 1.000000e+00 : f32
        %div3A_921 = vector.broadcast %div3A_920 : f32 to vector<16xf32>
        %div3A_922 = arith.divf %div3A_921, %add3A_919 : vector<16xf32>
        %convert_element_type3A_923 = arith.extui %or3A : i1 to i32
        %cond3A_924 = arith.constant 0 : i32
        %cond3A_925 = arith.cmpi ne, %convert_element_type3A_923, %cond3A_924 : i32
        scf.if %cond3A_925 {
          %ge3A_944 = arith.constant 2 : i32
          %ge3A_945 = arith.cmpi sge, %while3A_771, %ge3A_944 : i32
          %convert_element_type3A_946 = arith.extui %ge3A_945 : i1 to i32
          %cond3A_947 = arith.constant 0 : i32
          %cond3A_948 = arith.cmpi ne, %convert_element_type3A_946, %cond3A_947 : i32
          scf.if %cond3A_948 {
            %dma_wait3A_1058 = arith.constant 0 : i32
            %dma_wait3A_1059 = tpu.memref_slice %arg13[%dma_wait3A_1058] : memref<512xf32, #tpu.memory_space<vmem>> -> memref<256xf32, #tpu.memory_space<vmem>>
            %dma_wait3A_1060 = arith.constant 0 : i32
            %dma_wait3A_1061 = tpu.memref_slice %arg7[%mul3A_2, %dma_wait3A_1060] : memref<512x256xf32, #tpu.memory_space<hbm>> -> memref<1x256xf32, #tpu.memory_space<hbm>>
            %dma_wait3A_1062 = tpu.memref_squeeze %dma_wait3A_1061 : memref<1x256xf32, #tpu.memory_space<hbm>> -> memref<256xf32, #tpu.memory_space<hbm>>
            %dma_wait3A_1063 = arith.constant 0 : i32
            %dma_wait3A_1064 = tpu.memref_slice %arg7[%mul3A_2, %dma_wait3A_1063] : memref<512x256xf32, #tpu.memory_space<hbm>> -> memref<1x256xf32, #tpu.memory_space<hbm>>
            %dma_wait3A_1065 = tpu.memref_squeeze %dma_wait3A_1064 : memref<1x256xf32, #tpu.memory_space<hbm>> -> memref<256xf32, #tpu.memory_space<hbm>>
            %dma_wait3A_1066 = arith.constant 0 : i32
            %dma_wait3A_1067 = tpu.memref_slice %arg13[%dma_wait3A_1066] : memref<512xf32, #tpu.memory_space<vmem>> -> memref<256xf32, #tpu.memory_space<vmem>>
            tpu.wait_dma2 semaphore(%arg16 : memref<!tpu.dma_semaphore, #tpu.memory_space<semaphore_mem>>) src(%dma_wait3A_1067 : memref<256xf32, #tpu.memory_space<vmem>>) dst(%dma_wait3A_1065 : memref<256xf32, #tpu.memory_space<hbm>>)
          } else {
          }
          %jit3A_949 = arith.constant 2 : i32
          %eq3A_950 = arith.constant 0 : i32
          %eq3A_951 = arith.cmpi eq, %jit3A_949, %eq3A_950 : i32
          %jit3A_952 = arith.constant 1 : i32
          %select_n3A_953 = arith.select %eq3A_951, %jit3A_952, %jit3A_949 : i32
          %rem3A_954 = arith.remsi %while3A_771, %select_n3A_953 : i32
          %ne3A_955 = arith.constant 0 : i32
          %ne3A_956 = arith.cmpi ne, %rem3A_954, %ne3A_955 : i32
          %lt3A_957 = arith.constant 0 : i32
          %lt3A_958 = arith.cmpi slt, %rem3A_954, %lt3A_957 : i32
          %lt3A_959 = arith.constant 0 : i32
          %lt3A_960 = arith.cmpi slt, %select_n3A_953, %lt3A_959 : i32
          %ne3A_961 = arith.xori %lt3A_958, %lt3A_960 : i1
          %and3A_962 = arith.andi %ne3A_961, %ne3A_956 : i1
          %add3A_963 = arith.addi %rem3A_954, %select_n3A_953 : i32
          %select_n3A_964 = arith.select %and3A_962, %add3A_963, %rem3A_954 : i32
          %mul3A_965 = arith.constant 2 : i32
          %mul3A_966 = arith.muli %select_n3A_964, %mul3A_965 : i32
          %mul3A_967 = arith.constant 128 : i32
          %mul3A_968 = arith.muli %mul3A_966, %mul3A_967 : i32
          %multiple_of3A_969 = tpu.assume_multiple %mul3A_968, 8 : i32
          %add3A_970 = arith.constant 0 : i32
          %add3A_971 = arith.addi %multiple_of3A_969, %add3A_970 : i32
          %swap3A_972 = arith.index_cast %add3A_971 : i32 to index
          %swap3A_973 = tpu.vector_load %arg13[%swap3A_972] {strides = array<i32>} : memref<512xf32, #tpu.memory_space<vmem>>, vector<16xf32>,
          tpu.vector_store %arg13[%swap3A_972], %add3A_810 {strides = array<i32>} : memref<512xf32, #tpu.memory_space<vmem>>, vector<16xf32>,
          %add3A_974 = arith.constant 128 : i32
          %add3A_975 = arith.addi %multiple_of3A_969, %add3A_974 : i32
          %add3A_976 = arith.constant 0 : i32
          %add3A_977 = arith.addi %add3A_975, %add3A_976 : i32
          %swap3A_978 = arith.index_cast %add3A_977 : i32 to index
          %swap3A_979 = tpu.vector_load %arg13[%swap3A_978] {strides = array<i32>} : memref<512xf32, #tpu.memory_space<vmem>>, vector<16xf32>,
          tpu.vector_store %arg13[%swap3A_978], %max3A_825 {strides = array<i32>} : memref<512xf32, #tpu.memory_space<vmem>>, vector<16xf32>,
          %add3A_980 = arith.constant 16 : i32
          %add3A_981 = arith.addi %multiple_of3A_969, %add3A_980 : i32
          %swap3A_982 = arith.index_cast %add3A_981 : i32 to index
          %swap3A_983 = tpu.vector_load %arg13[%swap3A_982] {strides = array<i32>} : memref<512xf32, #tpu.memory_space<vmem>>, vector<16xf32>,
          tpu.vector_store %arg13[%swap3A_982], %add3A_812 {strides = array<i32>} : memref<512xf32, #tpu.memory_space<vmem>>, vector<16xf32>,
          %add3A_984 = arith.constant 128 : i32
          %add3A_985 = arith.addi %multiple_of3A_969, %add3A_984 : i32
          %add3A_986 = arith.constant 16 : i32
          %add3A_987 = arith.addi %add3A_985, %add3A_986 : i32
          %swap3A_988 = arith.index_cast %add3A_987 : i32 to index
          %swap3A_989 = tpu.vector_load %arg13[%swap3A_988] {strides = array<i32>} : memref<512xf32, #tpu.memory_space<vmem>>, vector<16xf32>,
          tpu.vector_store %arg13[%swap3A_988], %max3A_826 {strides = array<i32>} : memref<512xf32, #tpu.memory_space<vmem>>, vector<16xf32>,
          %add3A_990 = arith.constant 32 : i32
          %add3A_991 = arith.addi %multiple_of3A_969, %add3A_990 : i32
          %swap3A_992 = arith.index_cast %add3A_991 : i32 to index
          %swap3A_993 = tpu.vector_load %arg13[%swap3A_992] {strides = array<i32>} : memref<512xf32, #tpu.memory_space<vmem>>, vector<16xf32>,
          tpu.vector_store %arg13[%swap3A_992], %add3A_814 {strides = array<i32>} : memref<512xf32, #tpu.memory_space<vmem>>, vector<16xf32>,
          %add3A_994 = arith.constant 128 : i32
          %add3A_995 = arith.addi %multiple_of3A_969, %add3A_994 : i32
          %add3A_996 = arith.constant 32 : i32
          %add3A_997 = arith.addi %add3A_995, %add3A_996 : i32
          %swap3A_998 = arith.index_cast %add3A_997 : i32 to index
          %swap3A_999 = tpu.vector_load %arg13[%swap3A_998] {strides = array<i32>} : memref<512xf32, #tpu.memory_space<vmem>>, vector<16xf32>,
          tpu.vector_store %arg13[%swap3A_998], %max3A_827 {strides = array<i32>} : memref<512xf32, #tpu.memory_space<vmem>>, vector<16xf32>,
          %add3A_1000 = arith.constant 48 : i32
          %add3A_1001 = arith.addi %multiple_of3A_969, %add3A_1000 : i32
          %swap3A_1002 = arith.index_cast %add3A_1001 : i32 to index
          %swap3A_1003 = tpu.vector_load %arg13[%swap3A_1002] {strides = array<i32>} : memref<512xf32, #tpu.memory_space<vmem>>, vector<16xf32>,
          tpu.vector_store %arg13[%swap3A_1002], %add3A_816 {strides = array<i32>} : memref<512xf32, #tpu.memory_space<vmem>>, vector<16xf32>,
          %add3A_1004 = arith.constant 128 : i32
          %add3A_1005 = arith.addi %multiple_of3A_969, %add3A_1004 : i32
          %add3A_1006 = arith.constant 48 : i32
          %add3A_1007 = arith.addi %add3A_1005, %add3A_1006 : i32
          %swap3A_1008 = arith.index_cast %add3A_1007 : i32 to index
          %swap3A_1009 = tpu.vector_load %arg13[%swap3A_1008] {strides = array<i32>} : memref<512xf32, #tpu.memory_space<vmem>>, vector<16xf32>,
          tpu.vector_store %arg13[%swap3A_1008], %max3A_828 {strides = array<i32>} : memref<512xf32, #tpu.memory_space<vmem>>, vector<16xf32>,
          %add3A_1010 = arith.constant 64 : i32
          %add3A_1011 = arith.addi %multiple_of3A_969, %add3A_1010 : i32
          %swap3A_1012 = arith.index_cast %add3A_1011 : i32 to index
          %swap3A_1013 = tpu.vector_load %arg13[%swap3A_1012] {strides = array<i32>} : memref<512xf32, #tpu.memory_space<vmem>>, vector<16xf32>,
          tpu.vector_store %arg13[%swap3A_1012], %add3A_818 {strides = array<i32>} : memref<512xf32, #tpu.memory_space<vmem>>, vector<16xf32>,
          %add3A_1014 = arith.constant 128 : i32
          %add3A_1015 = arith.addi %multiple_of3A_969, %add3A_1014 : i32
          %add3A_1016 = arith.constant 64 : i32
          %add3A_1017 = arith.addi %add3A_1015, %add3A_1016 : i32
          %swap3A_1018 = arith.index_cast %add3A_1017 : i32 to index
          %swap3A_1019 = tpu.vector_load %arg13[%swap3A_1018] {strides = array<i32>} : memref<512xf32, #tpu.memory_space<vmem>>, vector<16xf32>,
          tpu.vector_store %arg13[%swap3A_1018], %max3A_829 {strides = array<i32>} : memref<512xf32, #tpu.memory_space<vmem>>, vector<16xf32>,
          %add3A_1020 = arith.constant 80 : i32
          %add3A_1021 = arith.addi %multiple_of3A_969, %add3A_1020 : i32
          %swap3A_1022 = arith.index_cast %add3A_1021 : i32 to index
          %swap3A_1023 = tpu.vector_load %arg13[%swap3A_1022] {strides = array<i32>} : memref<512xf32, #tpu.memory_space<vmem>>, vector<16xf32>,
          tpu.vector_store %arg13[%swap3A_1022], %add3A_820 {strides = array<i32>} : memref<512xf32, #tpu.memory_space<vmem>>, vector<16xf32>,
          %add3A_1024 = arith.constant 128 : i32
          %add3A_1025 = arith.addi %multiple_of3A_969, %add3A_1024 : i32
          %add3A_1026 = arith.constant 80 : i32
          %add3A_1027 = arith.addi %add3A_1025, %add3A_1026 : i32
          %swap3A_1028 = arith.index_cast %add3A_1027 : i32 to index
          %swap3A_1029 = tpu.vector_load %arg13[%swap3A_1028] {strides = array<i32>} : memref<512xf32, #tpu.memory_space<vmem>>, vector<16xf32>,
          tpu.vector_store %arg13[%swap3A_1028], %max3A_830 {strides = array<i32>} : memref<512xf32, #tpu.memory_space<vmem>>, vector<16xf32>,
          %add3A_1030 = arith.constant 96 : i32
          %add3A_1031 = arith.addi %multiple_of3A_969, %add3A_1030 : i32
          %swap3A_1032 = arith.index_cast %add3A_1031 : i32 to index
          %swap3A_1033 = tpu.vector_load %arg13[%swap3A_1032] {strides = array<i32>} : memref<512xf32, #tpu.memory_space<vmem>>, vector<16xf32>,
          tpu.vector_store %arg13[%swap3A_1032], %add3A_822 {strides = array<i32>} : memref<512xf32, #tpu.memory_space<vmem>>, vector<16xf32>,
          %add3A_1034 = arith.constant 128 : i32
          %add3A_1035 = arith.addi %multiple_of3A_969, %add3A_1034 : i32
          %add3A_1036 = arith.constant 96 : i32
          %add3A_1037 = arith.addi %add3A_1035, %add3A_1036 : i32
          %swap3A_1038 = arith.index_cast %add3A_1037 : i32 to index
          %swap3A_1039 = tpu.vector_load %arg13[%swap3A_1038] {strides = array<i32>} : memref<512xf32, #tpu.memory_space<vmem>>, vector<16xf32>,
          tpu.vector_store %arg13[%swap3A_1038], %max3A_831 {strides = array<i32>} : memref<512xf32, #tpu.memory_space<vmem>>, vector<16xf32>,
          %add3A_1040 = arith.constant 112 : i32
          %add3A_1041 = arith.addi %multiple_of3A_969, %add3A_1040 : i32
          %swap3A_1042 = arith.index_cast %add3A_1041 : i32 to index
          %swap3A_1043 = tpu.vector_load %arg13[%swap3A_1042] {strides = array<i32>} : memref<512xf32, #tpu.memory_space<vmem>>, vector<16xf32>,
          tpu.vector_store %arg13[%swap3A_1042], %add3A_824 {strides = array<i32>} : memref<512xf32, #tpu.memory_space<vmem>>, vector<16xf32>,
          %add3A_1044 = arith.constant 128 : i32
          %add3A_1045 = arith.addi %multiple_of3A_969, %add3A_1044 : i32
          %add3A_1046 = arith.constant 112 : i32
          %add3A_1047 = arith.addi %add3A_1045, %add3A_1046 : i32
          %swap3A_1048 = arith.index_cast %add3A_1047 : i32 to index
          %swap3A_1049 = tpu.vector_load %arg13[%swap3A_1048] {strides = array<i32>} : memref<512xf32, #tpu.memory_space<vmem>>, vector<16xf32>,
          tpu.vector_store %arg13[%swap3A_1048], %max3A_832 {strides = array<i32>} : memref<512xf32, #tpu.memory_space<vmem>>, vector<16xf32>,
          %dma_start3A_1050 = tpu.memref_slice %arg13[%multiple_of3A_969] : memref<512xf32, #tpu.memory_space<vmem>> -> memref<256xf32, #tpu.memory_space<vmem>>
          %dma_start3A_1051 = arith.constant 0 : i32
          %dma_start3A_1052 = tpu.memref_slice %arg7[%squeeze3A_802, %dma_start3A_1051] : memref<512x256xf32, #tpu.memory_space<hbm>> -> memref<1x256xf32, #tpu.memory_space<hbm>>
          %dma_start3A_1053 = tpu.memref_squeeze %dma_start3A_1052 : memref<1x256xf32, #tpu.memory_space<hbm>> -> memref<256xf32, #tpu.memory_space<hbm>>
          %dma_start3A_1054 = arith.constant 0 : i32
          %dma_start3A_1055 = tpu.memref_slice %arg7[%squeeze3A_802, %dma_start3A_1054] : memref<512x256xf32, #tpu.memory_space<hbm>> -> memref<1x256xf32, #tpu.memory_space<hbm>>
          %dma_start3A_1056 = tpu.memref_squeeze %dma_start3A_1055 : memref<1x256xf32, #tpu.memory_space<hbm>> -> memref<256xf32, #tpu.memory_space<hbm>>
          %dma_start3A_1057 = tpu.memref_slice %arg13[%multiple_of3A_969] : memref<512xf32, #tpu.memory_space<vmem>> -> memref<256xf32, #tpu.memory_space<vmem>>
          tpu.enqueue_dma source(%dma_start3A_1057 : memref<256xf32, #tpu.memory_space<vmem>>) target(%dma_start3A_1056 : memref<256xf32, #tpu.memory_space<hbm>>) target_semaphore(%arg16 : memref<!tpu.dma_semaphore, #tpu.memory_space<semaphore_mem>>)
        } else {
        }
        %convert_element_type3A_926 = arith.extui %or3A : i1 to i32
        %add3A_927 = arith.addi %while3A_771, %convert_element_type3A_926 : i32
        %select_n3A_928 = arith.select %or3A, %broadcast_in_dim3A_26, %add3A_810 : vector<16xf32>
        %select_n3A_929 = arith.select %or3A, %broadcast_in_dim3A_26, %add3A_812 : vector<16xf32>
        %select_n3A_930 = arith.select %or3A, %broadcast_in_dim3A_26, %add3A_814 : vector<16xf32>
        %select_n3A_931 = arith.select %or3A, %broadcast_in_dim3A_26, %add3A_816 : vector<16xf32>
        %select_n3A_932 = arith.select %or3A, %broadcast_in_dim3A_26, %add3A_818 : vector<16xf32>
        %select_n3A_933 = arith.select %or3A, %broadcast_in_dim3A_26, %add3A_820 : vector<16xf32>
        %select_n3A_934 = arith.select %or3A, %broadcast_in_dim3A_26, %add3A_822 : vector<16xf32>
        %select_n3A_935 = arith.select %or3A, %broadcast_in_dim3A_26, %add3A_824 : vector<16xf32>
        %select_n3A_936 = arith.select %or3A, %broadcast_in_dim3A_28, %max3A_825 : vector<16xf32>
        %select_n3A_937 = arith.select %or3A, %broadcast_in_dim3A_28, %max3A_826 : vector<16xf32>
        %select_n3A_938 = arith.select %or3A, %broadcast_in_dim3A_28, %max3A_827 : vector<16xf32>
        %select_n3A_939 = arith.select %or3A, %broadcast_in_dim3A_28, %max3A_828 : vector<16xf32>
        %select_n3A_940 = arith.select %or3A, %broadcast_in_dim3A_28, %max3A_829 : vector<16xf32>
        %select_n3A_941 = arith.select %or3A, %broadcast_in_dim3A_28, %max3A_830 : vector<16xf32>
        %select_n3A_942 = arith.select %or3A, %broadcast_in_dim3A_28, %max3A_831 : vector<16xf32>
        %select_n3A_943 = arith.select %or3A, %broadcast_in_dim3A_28, %max3A_832 : vector<16xf32>
        scf.yield %add3A_927, %div3A_922, %get3A_842, %get3A_849, %get3A_856, %get3A_863, %get3A_870, %get3A_877, %get3A_884, %get3A_891, %select_n3A_928, %select_n3A_929, %select_n3A_930, %select_n3A_931, %select_n3A_932, %select_n3A_933, %select_n3A_934, %select_n3A_935, %select_n3A_936, %select_n3A_937, %select_n3A_938, %select_n3A_939, %select_n3A_940, %select_n3A_941, %select_n3A_942, %select_n3A_943 : i32, vector<16xf32>, vector<16xf32>, vector<16xf32>, vector<16xf32>, vector<16xf32>, vector<16xf32>, vector<16xf32>, vector<16xf32>, vector<16xf32>, vector<16xf32>, vector<16xf32>, vector<16xf32>, vector<16xf32>, vector<16xf32>, vector<16xf32>, vector<16xf32>, vector<16xf32>, vector<16xf32>, vector<16xf32>, vector<16xf32>, vector<16xf32>, vector<16xf32>, vector<16xf32>, vector<16xf32>, vector<16xf32>
      }
      %while3A_768 = arith.constant 1 : i32
      %while3A_769:26 = scf.for %while3A_770 = %while3A_765 to %while3A_761 step %while3A_768 iter_args(%while3A_771 = %while3A_767#0, %while3A_772 = %while3A_767#1, %while3A_773 = %while3A_767#2, %while3A_774 = %while3A_767#3, %while3A_775 = %while3A_767#4, %while3A_776 = %while3A_767#5, %while3A_777 = %while3A_767#6, %while3A_778 = %while3A_767#7, %while3A_779 = %while3A_767#8, %while3A_780 = %while3A_767#9, %while3A_781 = %while3A_767#10, %while3A_782 = %while3A_767#11, %while3A_783 = %while3A_767#12, %while3A_784 = %while3A_767#13, %while3A_785 = %while3A_767#14, %while3A_786 = %while3A_767#15, %while3A_787 = %while3A_767#16, %while3A_788 = %while3A_767#17, %while3A_789 = %while3A_767#18, %while3A_790 = %while3A_767#19, %while3A_791 = %while3A_767#20, %while3A_792 = %while3A_767#21, %while3A_793 = %while3A_767#22, %while3A_794 = %while3A_767#23, %while3A_795 = %while3A_767#24, %while3A_796 = %while3A_767#25) -> (i32, vector<16xf32>, vector<16xf32>, vector<16xf32>, vector<16xf32>, vector<16xf32>, vector<16xf32>, vector<16xf32>, vector<16xf32>, vector<16xf32>, vector<16xf32>, vector<16xf32>, vector<16xf32>, vector<16xf32>, vector<16xf32>, vector<16xf32>, vector<16xf32>, vector<16xf32>, vector<16xf32>, vector<16xf32>, vector<16xf32>, vector<16xf32>, vector<16xf32>, vector<16xf32>, vector<16xf32>, vector<16xf32>)  : i32 {
        %add3A_797 = arith.addi %mul3A_674, %while3A_770 : i32
        %sub3A_798 = arith.subi %add3A_797, %multiple_of3A_574 : i32
        %get3A_799 = arith.index_cast %sub3A_798 : i32 to index
        %get3A_800 = tpu.vector_load %arg9[%get3A_799] {strides = array<i32>} : memref<704xi32, #tpu.memory_space<vmem>>, vector<16xi32>,
        %slice3A_801 = vector.extract_strided_slice %get3A_800 {offsets = [0], sizes = [1], strides = [1]} : vector<16xi32> to vector<1xi32>
        %squeeze3A_802 = vector.extract %slice3A_801[0] : i32 from vector<1xi32>
        %slice3A_803 = vector.extract_strided_slice %get3A_800 {offsets = [1], sizes = [1], strides = [1]} : vector<16xi32> to vector<1xi32>
        %squeeze3A_804 = vector.extract %slice3A_803[0] : i32 from vector<1xi32>
        %ne3A_805 = arith.cmpi ne, %squeeze3A_804, %squeeze3A_802 : i32
        %sub3A_806 = arith.constant 1 : i32
        %sub3A_807 = arith.subi %squeeze3A_25, %sub3A_806 : i32
        %eq3A_808 = arith.cmpi eq, %while3A_770, %sub3A_807 : i32
        %or3A = arith.ori %ne3A_805, %eq3A_808 : i1
        %mul3A_809 = arith.mulf %while3A_772, %while3A_773 : vector<16xf32>
        %add3A_810 = arith.addf %while3A_781, %mul3A_809 : vector<16xf32>
        %mul3A_811 = arith.mulf %while3A_772, %while3A_774 : vector<16xf32>
        %add3A_812 = arith.addf %while3A_782, %mul3A_811 : vector<16xf32>
        %mul3A_813 = arith.mulf %while3A_772, %while3A_775 : vector<16xf32>
        %add3A_814 = arith.addf %while3A_783, %mul3A_813 : vector<16xf32>
        %mul3A_815 = arith.mulf %while3A_772, %while3A_776 : vector<16xf32>
        %add3A_816 = arith.addf %while3A_784, %mul3A_815 : vector<16xf32>
        %mul3A_817 = arith.mulf %while3A_772, %while3A_777 : vector<16xf32>
        %add3A_818 = arith.addf %while3A_785, %mul3A_817 : vector<16xf32>
        %mul3A_819 = arith.mulf %while3A_772, %while3A_778 : vector<16xf32>
        %add3A_820 = arith.addf %while3A_786, %mul3A_819 : vector<16xf32>
        %mul3A_821 = arith.mulf %while3A_772, %while3A_779 : vector<16xf32>
        %add3A_822 = arith.addf %while3A_787, %mul3A_821 : vector<16xf32>
        %mul3A_823 = arith.mulf %while3A_772, %while3A_780 : vector<16xf32>
        %add3A_824 = arith.addf %while3A_788, %mul3A_823 : vector<16xf32>
        %max3A_825 = arith.maximumf %while3A_789, %while3A_773 : vector<16xf32>
        %max3A_826 = arith.maximumf %while3A_790, %while3A_774 : vector<16xf32>
        %max3A_827 = arith.maximumf %while3A_791, %while3A_775 : vector<16xf32>
        %max3A_828 = arith.maximumf %while3A_792, %while3A_776 : vector<16xf32>
        %max3A_829 = arith.maximumf %while3A_793, %while3A_777 : vector<16xf32>
        %max3A_830 = arith.maximumf %while3A_794, %while3A_778 : vector<16xf32>
        %max3A_831 = arith.maximumf %while3A_795, %while3A_779 : vector<16xf32>
        %max3A_832 = arith.maximumf %while3A_796, %while3A_780 : vector<16xf32>
        %add3A_833 = arith.constant 1 : i32
        %add3A_834 = arith.addi %while3A_770, %add3A_833 : i32
        %sub3A_835 = arith.subi %add3A_834, %multiple_of3A_568 : i32
        %get3A_836 = arith.constant 0 : i32
        %get3A_837 = arith.constant 0 : i32
        %get3A_838 = tpu.memref_slice %arg8[%select_n3A_656, %get3A_836, %get3A_837] : memref<2x264x128xf32, #tpu.memory_space<vmem>> -> memref<1x264x128xf32, #tpu.memory_space<vmem>>
        %get3A_839 = tpu.memref_squeeze %get3A_838 : memref<1x264x128xf32, #tpu.memory_space<vmem>> -> memref<264x128xf32, #tpu.memory_space<vmem>>
        %get3A_840 = arith.index_cast %sub3A_835 : i32 to index
        %get3A_841 = arith.constant 0 : index
        %get3A_842 = tpu.vector_load %get3A_839[%get3A_840, %get3A_841] {strides = array<i32>} : memref<264x128xf32, #tpu.memory_space<vmem>>, vector<16xf32>,
        %get3A_843 = arith.constant 0 : i32
        %get3A_844 = arith.constant 0 : i32
        %get3A_845 = tpu.memref_slice %arg8[%select_n3A_656, %get3A_843, %get3A_844] : memref<2x264x128xf32, #tpu.memory_space<vmem>> -> memref<1x264x128xf32, #tpu.memory_space<vmem>>
        %get3A_846 = tpu.memref_squeeze %get3A_845 : memref<1x264x128xf32, #tpu.memory_space<vmem>> -> memref<264x128xf32, #tpu.memory_space<vmem>>
        %get3A_847 = arith.index_cast %sub3A_835 : i32 to index
        %get3A_848 = arith.constant 16 : index
        %get3A_849 = tpu.vector_load %get3A_846[%get3A_847, %get3A_848] {strides = array<i32>} : memref<264x128xf32, #tpu.memory_space<vmem>>, vector<16xf32>,
        %get3A_850 = arith.constant 0 : i32
        %get3A_851 = arith.constant 0 : i32
        %get3A_852 = tpu.memref_slice %arg8[%select_n3A_656, %get3A_850, %get3A_851] : memref<2x264x128xf32, #tpu.memory_space<vmem>> -> memref<1x264x128xf32, #tpu.memory_space<vmem>>
        %get3A_853 = tpu.memref_squeeze %get3A_852 : memref<1x264x128xf32, #tpu.memory_space<vmem>> -> memref<264x128xf32, #tpu.memory_space<vmem>>
        %get3A_854 = arith.index_cast %sub3A_835 : i32 to index
        %get3A_855 = arith.constant 32 : index
        %get3A_856 = tpu.vector_load %get3A_853[%get3A_854, %get3A_855] {strides = array<i32>} : memref<264x128xf32, #tpu.memory_space<vmem>>, vector<16xf32>,
        %get3A_857 = arith.constant 0 : i32
        %get3A_858 = arith.constant 0 : i32
        %get3A_859 = tpu.memref_slice %arg8[%select_n3A_656, %get3A_857, %get3A_858] : memref<2x264x128xf32, #tpu.memory_space<vmem>> -> memref<1x264x128xf32, #tpu.memory_space<vmem>>
        %get3A_860 = tpu.memref_squeeze %get3A_859 : memref<1x264x128xf32, #tpu.memory_space<vmem>> -> memref<264x128xf32, #tpu.memory_space<vmem>>
        %get3A_861 = arith.index_cast %sub3A_835 : i32 to index
        %get3A_862 = arith.constant 48 : index
        %get3A_863 = tpu.vector_load %get3A_860[%get3A_861, %get3A_862] {strides = array<i32>} : memref<264x128xf32, #tpu.memory_space<vmem>>, vector<16xf32>,
        %get3A_864 = arith.constant 0 : i32
        %get3A_865 = arith.constant 0 : i32
        %get3A_866 = tpu.memref_slice %arg8[%select_n3A_656, %get3A_864, %get3A_865] : memref<2x264x128xf32, #tpu.memory_space<vmem>> -> memref<1x264x128xf32, #tpu.memory_space<vmem>>
        %get3A_867 = tpu.memref_squeeze %get3A_866 : memref<1x264x128xf32, #tpu.memory_space<vmem>> -> memref<264x128xf32, #tpu.memory_space<vmem>>
        %get3A_868 = arith.index_cast %sub3A_835 : i32 to index
        %get3A_869 = arith.constant 64 : index
        %get3A_870 = tpu.vector_load %get3A_867[%get3A_868, %get3A_869] {strides = array<i32>} : memref<264x128xf32, #tpu.memory_space<vmem>>, vector<16xf32>,
        %get3A_871 = arith.constant 0 : i32
        %get3A_872 = arith.constant 0 : i32
        %get3A_873 = tpu.memref_slice %arg8[%select_n3A_656, %get3A_871, %get3A_872] : memref<2x264x128xf32, #tpu.memory_space<vmem>> -> memref<1x264x128xf32, #tpu.memory_space<vmem>>
        %get3A_874 = tpu.memref_squeeze %get3A_873 : memref<1x264x128xf32, #tpu.memory_space<vmem>> -> memref<264x128xf32, #tpu.memory_space<vmem>>
        %get3A_875 = arith.index_cast %sub3A_835 : i32 to index
        %get3A_876 = arith.constant 80 : index
        %get3A_877 = tpu.vector_load %get3A_874[%get3A_875, %get3A_876] {strides = array<i32>} : memref<264x128xf32, #tpu.memory_space<vmem>>, vector<16xf32>,
        %get3A_878 = arith.constant 0 : i32
        %get3A_879 = arith.constant 0 : i32
        %get3A_880 = tpu.memref_slice %arg8[%select_n3A_656, %get3A_878, %get3A_879] : memref<2x264x128xf32, #tpu.memory_space<vmem>> -> memref<1x264x128xf32, #tpu.memory_space<vmem>>
        %get3A_881 = tpu.memref_squeeze %get3A_880 : memref<1x264x128xf32, #tpu.memory_space<vmem>> -> memref<264x128xf32, #tpu.memory_space<vmem>>
        %get3A_882 = arith.index_cast %sub3A_835 : i32 to index
        %get3A_883 = arith.constant 96 : index
        %get3A_884 = tpu.vector_load %get3A_881[%get3A_882, %get3A_883] {strides = array<i32>} : memref<264x128xf32, #tpu.memory_space<vmem>>, vector<16xf32>,
        %get3A_885 = arith.constant 0 : i32
        %get3A_886 = arith.constant 0 : i32
        %get3A_887 = tpu.memref_slice %arg8[%select_n3A_656, %get3A_885, %get3A_886] : memref<2x264x128xf32, #tpu.memory_space<vmem>> -> memref<1x264x128xf32, #tpu.memory_space<vmem>>
        %get3A_888 = tpu.memref_squeeze %get3A_887 : memref<1x264x128xf32, #tpu.memory_space<vmem>> -> memref<264x128xf32, #tpu.memory_space<vmem>>
        %get3A_889 = arith.index_cast %sub3A_835 : i32 to index
        %get3A_890 = arith.constant 112 : index
        %get3A_891 = tpu.vector_load %get3A_888[%get3A_889, %get3A_890] {strides = array<i32>} : memref<264x128xf32, #tpu.memory_space<vmem>>, vector<16xf32>,
        %mul3A_892 = arith.mulf %get3A_842, %get3A_5 : vector<16xf32>
        %mul3A_893 = arith.mulf %get3A_849, %get3A_7 : vector<16xf32>
        %add3A_894 = arith.addf %mul3A_892, %mul3A_893 : vector<16xf32>
        %mul3A_895 = arith.mulf %get3A_856, %get3A_9 : vector<16xf32>
        %add3A_896 = arith.addf %add3A_894, %mul3A_895 : vector<16xf32>
        %mul3A_897 = arith.mulf %get3A_863, %get3A_11 : vector<16xf32>
        %add3A_898 = arith.addf %add3A_896, %mul3A_897 : vector<16xf32>
        %mul3A_899 = arith.mulf %get3A_870, %get3A_13 : vector<16xf32>
        %add3A_900 = arith.addf %add3A_898, %mul3A_899 : vector<16xf32>
        %mul3A_901 = arith.mulf %get3A_877, %get3A_15 : vector<16xf32>
        %add3A_902 = arith.addf %add3A_900, %mul3A_901 : vector<16xf32>
        %mul3A_903 = arith.mulf %get3A_884, %get3A_17 : vector<16xf32>
        %add3A_904 = arith.addf %add3A_902, %mul3A_903 : vector<16xf32>
        %mul3A_905 = arith.mulf %get3A_891, %get3A_19 : vector<16xf32>
        %add3A_906 = arith.addf %add3A_904, %mul3A_905 : vector<16xf32>
        %reduce_sum3A_907 = arith.constant true
        %reduce_sum3A_908 = vector.broadcast %reduce_sum3A_907 : i1 to vector<16xi1>
        %reduce_sum3A_909 = tpu.scan <sum>, %add3A_906 masked %reduce_sum3A_908 : vector<16xf32>, vector<16xi1> -> vector<16xf32>
        %reduce_sum3A_910 = vector.extract %reduce_sum3A_909[15] : f32 from vector<16xf32>
        %broadcast_in_dim3A_911 = vector.broadcast %reduce_sum3A_910 : f32 to vector<16xf32>
        %add3A_912 = arith.addf %broadcast_in_dim3A_911, %get3A_3 : vector<16xf32>
        %neg3A_913 = arith.constant 0.000000e+00 : f32
        %neg3A_914 = vector.broadcast %neg3A_913 : f32 to vector<16xf32>
        %neg3A_915 = arith.subf %neg3A_914, %add3A_912 : vector<16xf32>
        %exp3A_916 = math.exp %neg3A_915 : vector<16xf32>
        %add3A_917 = arith.constant 1.000000e+00 : f32
        %add3A_918 = vector.broadcast %add3A_917 : f32 to vector<16xf32>
        %add3A_919 = arith.addf %add3A_918, %exp3A_916 : vector<16xf32>
        %div3A_920 = arith.constant 1.000000e+00 : f32
        %div3A_921 = vector.broadcast %div3A_920 : f32 to vector<16xf32>
        %div3A_922 = arith.divf %div3A_921, %add3A_919 : vector<16xf32>
        %convert_element_type3A_923 = arith.extui %or3A : i1 to i32
        %cond3A_924 = arith.constant 0 : i32
        %cond3A_925 = arith.cmpi ne, %convert_element_type3A_923, %cond3A_924 : i32
        scf.if %cond3A_925 {
          %ge3A_944 = arith.constant 2 : i32
          %ge3A_945 = arith.cmpi sge, %while3A_771, %ge3A_944 : i32
          %convert_element_type3A_946 = arith.extui %ge3A_945 : i1 to i32
          %cond3A_947 = arith.constant 0 : i32
          %cond3A_948 = arith.cmpi ne, %convert_element_type3A_946, %cond3A_947 : i32
          scf.if %cond3A_948 {
            %dma_wait3A_1058 = arith.constant 0 : i32
            %dma_wait3A_1059 = tpu.memref_slice %arg13[%dma_wait3A_1058] : memref<512xf32, #tpu.memory_space<vmem>> -> memref<256xf32, #tpu.memory_space<vmem>>
            %dma_wait3A_1060 = arith.constant 0 : i32
            %dma_wait3A_1061 = tpu.memref_slice %arg7[%mul3A_2, %dma_wait3A_1060] : memref<512x256xf32, #tpu.memory_space<hbm>> -> memref<1x256xf32, #tpu.memory_space<hbm>>
            %dma_wait3A_1062 = tpu.memref_squeeze %dma_wait3A_1061 : memref<1x256xf32, #tpu.memory_space<hbm>> -> memref<256xf32, #tpu.memory_space<hbm>>
            %dma_wait3A_1063 = arith.constant 0 : i32
            %dma_wait3A_1064 = tpu.memref_slice %arg7[%mul3A_2, %dma_wait3A_1063] : memref<512x256xf32, #tpu.memory_space<hbm>> -> memref<1x256xf32, #tpu.memory_space<hbm>>
            %dma_wait3A_1065 = tpu.memref_squeeze %dma_wait3A_1064 : memref<1x256xf32, #tpu.memory_space<hbm>> -> memref<256xf32, #tpu.memory_space<hbm>>
            %dma_wait3A_1066 = arith.constant 0 : i32
            %dma_wait3A_1067 = tpu.memref_slice %arg13[%dma_wait3A_1066] : memref<512xf32, #tpu.memory_space<vmem>> -> memref<256xf32, #tpu.memory_space<vmem>>
            tpu.wait_dma2 semaphore(%arg16 : memref<!tpu.dma_semaphore, #tpu.memory_space<semaphore_mem>>) src(%dma_wait3A_1067 : memref<256xf32, #tpu.memory_space<vmem>>) dst(%dma_wait3A_1065 : memref<256xf32, #tpu.memory_space<hbm>>)
          } else {
          }
          %jit3A_949 = arith.constant 2 : i32
          %eq3A_950 = arith.constant 0 : i32
          %eq3A_951 = arith.cmpi eq, %jit3A_949, %eq3A_950 : i32
          %jit3A_952 = arith.constant 1 : i32
          %select_n3A_953 = arith.select %eq3A_951, %jit3A_952, %jit3A_949 : i32
          %rem3A_954 = arith.remsi %while3A_771, %select_n3A_953 : i32
          %ne3A_955 = arith.constant 0 : i32
          %ne3A_956 = arith.cmpi ne, %rem3A_954, %ne3A_955 : i32
          %lt3A_957 = arith.constant 0 : i32
          %lt3A_958 = arith.cmpi slt, %rem3A_954, %lt3A_957 : i32
          %lt3A_959 = arith.constant 0 : i32
          %lt3A_960 = arith.cmpi slt, %select_n3A_953, %lt3A_959 : i32
          %ne3A_961 = arith.xori %lt3A_958, %lt3A_960 : i1
          %and3A_962 = arith.andi %ne3A_961, %ne3A_956 : i1
          %add3A_963 = arith.addi %rem3A_954, %select_n3A_953 : i32
          %select_n3A_964 = arith.select %and3A_962, %add3A_963, %rem3A_954 : i32
          %mul3A_965 = arith.constant 2 : i32
          %mul3A_966 = arith.muli %select_n3A_964, %mul3A_965 : i32
          %mul3A_967 = arith.constant 128 : i32
          %mul3A_968 = arith.muli %mul3A_966, %mul3A_967 : i32
          %multiple_of3A_969 = tpu.assume_multiple %mul3A_968, 8 : i32
          %add3A_970 = arith.constant 0 : i32
          %add3A_971 = arith.addi %multiple_of3A_969, %add3A_970 : i32
          %swap3A_972 = arith.index_cast %add3A_971 : i32 to index
          %swap3A_973 = tpu.vector_load %arg13[%swap3A_972] {strides = array<i32>} : memref<512xf32, #tpu.memory_space<vmem>>, vector<16xf32>,
          tpu.vector_store %arg13[%swap3A_972], %add3A_810 {strides = array<i32>} : memref<512xf32, #tpu.memory_space<vmem>>, vector<16xf32>,
          %add3A_974 = arith.constant 128 : i32
          %add3A_975 = arith.addi %multiple_of3A_969, %add3A_974 : i32
          %add3A_976 = arith.constant 0 : i32
          %add3A_977 = arith.addi %add3A_975, %add3A_976 : i32
          %swap3A_978 = arith.index_cast %add3A_977 : i32 to index
          %swap3A_979 = tpu.vector_load %arg13[%swap3A_978] {strides = array<i32>} : memref<512xf32, #tpu.memory_space<vmem>>, vector<16xf32>,
          tpu.vector_store %arg13[%swap3A_978], %max3A_825 {strides = array<i32>} : memref<512xf32, #tpu.memory_space<vmem>>, vector<16xf32>,
          %add3A_980 = arith.constant 16 : i32
          %add3A_981 = arith.addi %multiple_of3A_969, %add3A_980 : i32
          %swap3A_982 = arith.index_cast %add3A_981 : i32 to index
          %swap3A_983 = tpu.vector_load %arg13[%swap3A_982] {strides = array<i32>} : memref<512xf32, #tpu.memory_space<vmem>>, vector<16xf32>,
          tpu.vector_store %arg13[%swap3A_982], %add3A_812 {strides = array<i32>} : memref<512xf32, #tpu.memory_space<vmem>>, vector<16xf32>,
          %add3A_984 = arith.constant 128 : i32
          %add3A_985 = arith.addi %multiple_of3A_969, %add3A_984 : i32
          %add3A_986 = arith.constant 16 : i32
          %add3A_987 = arith.addi %add3A_985, %add3A_986 : i32
          %swap3A_988 = arith.index_cast %add3A_987 : i32 to index
          %swap3A_989 = tpu.vector_load %arg13[%swap3A_988] {strides = array<i32>} : memref<512xf32, #tpu.memory_space<vmem>>, vector<16xf32>,
          tpu.vector_store %arg13[%swap3A_988], %max3A_826 {strides = array<i32>} : memref<512xf32, #tpu.memory_space<vmem>>, vector<16xf32>,
          %add3A_990 = arith.constant 32 : i32
          %add3A_991 = arith.addi %multiple_of3A_969, %add3A_990 : i32
          %swap3A_992 = arith.index_cast %add3A_991 : i32 to index
          %swap3A_993 = tpu.vector_load %arg13[%swap3A_992] {strides = array<i32>} : memref<512xf32, #tpu.memory_space<vmem>>, vector<16xf32>,
          tpu.vector_store %arg13[%swap3A_992], %add3A_814 {strides = array<i32>} : memref<512xf32, #tpu.memory_space<vmem>>, vector<16xf32>,
          %add3A_994 = arith.constant 128 : i32
          %add3A_995 = arith.addi %multiple_of3A_969, %add3A_994 : i32
          %add3A_996 = arith.constant 32 : i32
          %add3A_997 = arith.addi %add3A_995, %add3A_996 : i32
          %swap3A_998 = arith.index_cast %add3A_997 : i32 to index
          %swap3A_999 = tpu.vector_load %arg13[%swap3A_998] {strides = array<i32>} : memref<512xf32, #tpu.memory_space<vmem>>, vector<16xf32>,
          tpu.vector_store %arg13[%swap3A_998], %max3A_827 {strides = array<i32>} : memref<512xf32, #tpu.memory_space<vmem>>, vector<16xf32>,
          %add3A_1000 = arith.constant 48 : i32
          %add3A_1001 = arith.addi %multiple_of3A_969, %add3A_1000 : i32
          %swap3A_1002 = arith.index_cast %add3A_1001 : i32 to index
          %swap3A_1003 = tpu.vector_load %arg13[%swap3A_1002] {strides = array<i32>} : memref<512xf32, #tpu.memory_space<vmem>>, vector<16xf32>,
          tpu.vector_store %arg13[%swap3A_1002], %add3A_816 {strides = array<i32>} : memref<512xf32, #tpu.memory_space<vmem>>, vector<16xf32>,
          %add3A_1004 = arith.constant 128 : i32
          %add3A_1005 = arith.addi %multiple_of3A_969, %add3A_1004 : i32
          %add3A_1006 = arith.constant 48 : i32
          %add3A_1007 = arith.addi %add3A_1005, %add3A_1006 : i32
          %swap3A_1008 = arith.index_cast %add3A_1007 : i32 to index
          %swap3A_1009 = tpu.vector_load %arg13[%swap3A_1008] {strides = array<i32>} : memref<512xf32, #tpu.memory_space<vmem>>, vector<16xf32>,
          tpu.vector_store %arg13[%swap3A_1008], %max3A_828 {strides = array<i32>} : memref<512xf32, #tpu.memory_space<vmem>>, vector<16xf32>,
          %add3A_1010 = arith.constant 64 : i32
          %add3A_1011 = arith.addi %multiple_of3A_969, %add3A_1010 : i32
          %swap3A_1012 = arith.index_cast %add3A_1011 : i32 to index
          %swap3A_1013 = tpu.vector_load %arg13[%swap3A_1012] {strides = array<i32>} : memref<512xf32, #tpu.memory_space<vmem>>, vector<16xf32>,
          tpu.vector_store %arg13[%swap3A_1012], %add3A_818 {strides = array<i32>} : memref<512xf32, #tpu.memory_space<vmem>>, vector<16xf32>,
          %add3A_1014 = arith.constant 128 : i32
          %add3A_1015 = arith.addi %multiple_of3A_969, %add3A_1014 : i32
          %add3A_1016 = arith.constant 64 : i32
          %add3A_1017 = arith.addi %add3A_1015, %add3A_1016 : i32
          %swap3A_1018 = arith.index_cast %add3A_1017 : i32 to index
          %swap3A_1019 = tpu.vector_load %arg13[%swap3A_1018] {strides = array<i32>} : memref<512xf32, #tpu.memory_space<vmem>>, vector<16xf32>,
          tpu.vector_store %arg13[%swap3A_1018], %max3A_829 {strides = array<i32>} : memref<512xf32, #tpu.memory_space<vmem>>, vector<16xf32>,
          %add3A_1020 = arith.constant 80 : i32
          %add3A_1021 = arith.addi %multiple_of3A_969, %add3A_1020 : i32
          %swap3A_1022 = arith.index_cast %add3A_1021 : i32 to index
          %swap3A_1023 = tpu.vector_load %arg13[%swap3A_1022] {strides = array<i32>} : memref<512xf32, #tpu.memory_space<vmem>>, vector<16xf32>,
          tpu.vector_store %arg13[%swap3A_1022], %add3A_820 {strides = array<i32>} : memref<512xf32, #tpu.memory_space<vmem>>, vector<16xf32>,
          %add3A_1024 = arith.constant 128 : i32
          %add3A_1025 = arith.addi %multiple_of3A_969, %add3A_1024 : i32
          %add3A_1026 = arith.constant 80 : i32
          %add3A_1027 = arith.addi %add3A_1025, %add3A_1026 : i32
          %swap3A_1028 = arith.index_cast %add3A_1027 : i32 to index
          %swap3A_1029 = tpu.vector_load %arg13[%swap3A_1028] {strides = array<i32>} : memref<512xf32, #tpu.memory_space<vmem>>, vector<16xf32>,
          tpu.vector_store %arg13[%swap3A_1028], %max3A_830 {strides = array<i32>} : memref<512xf32, #tpu.memory_space<vmem>>, vector<16xf32>,
          %add3A_1030 = arith.constant 96 : i32
          %add3A_1031 = arith.addi %multiple_of3A_969, %add3A_1030 : i32
          %swap3A_1032 = arith.index_cast %add3A_1031 : i32 to index
          %swap3A_1033 = tpu.vector_load %arg13[%swap3A_1032] {strides = array<i32>} : memref<512xf32, #tpu.memory_space<vmem>>, vector<16xf32>,
          tpu.vector_store %arg13[%swap3A_1032], %add3A_822 {strides = array<i32>} : memref<512xf32, #tpu.memory_space<vmem>>, vector<16xf32>,
          %add3A_1034 = arith.constant 128 : i32
          %add3A_1035 = arith.addi %multiple_of3A_969, %add3A_1034 : i32
          %add3A_1036 = arith.constant 96 : i32
          %add3A_1037 = arith.addi %add3A_1035, %add3A_1036 : i32
          %swap3A_1038 = arith.index_cast %add3A_1037 : i32 to index
          %swap3A_1039 = tpu.vector_load %arg13[%swap3A_1038] {strides = array<i32>} : memref<512xf32, #tpu.memory_space<vmem>>, vector<16xf32>,
          tpu.vector_store %arg13[%swap3A_1038], %max3A_831 {strides = array<i32>} : memref<512xf32, #tpu.memory_space<vmem>>, vector<16xf32>,
          %add3A_1040 = arith.constant 112 : i32
          %add3A_1041 = arith.addi %multiple_of3A_969, %add3A_1040 : i32
          %swap3A_1042 = arith.index_cast %add3A_1041 : i32 to index
          %swap3A_1043 = tpu.vector_load %arg13[%swap3A_1042] {strides = array<i32>} : memref<512xf32, #tpu.memory_space<vmem>>, vector<16xf32>,
          tpu.vector_store %arg13[%swap3A_1042], %add3A_824 {strides = array<i32>} : memref<512xf32, #tpu.memory_space<vmem>>, vector<16xf32>,
          %add3A_1044 = arith.constant 128 : i32
          %add3A_1045 = arith.addi %multiple_of3A_969, %add3A_1044 : i32
          %add3A_1046 = arith.constant 112 : i32
          %add3A_1047 = arith.addi %add3A_1045, %add3A_1046 : i32
          %swap3A_1048 = arith.index_cast %add3A_1047 : i32 to index
          %swap3A_1049 = tpu.vector_load %arg13[%swap3A_1048] {strides = array<i32>} : memref<512xf32, #tpu.memory_space<vmem>>, vector<16xf32>,
          tpu.vector_store %arg13[%swap3A_1048], %max3A_832 {strides = array<i32>} : memref<512xf32, #tpu.memory_space<vmem>>, vector<16xf32>,
          %dma_start3A_1050 = tpu.memref_slice %arg13[%multiple_of3A_969] : memref<512xf32, #tpu.memory_space<vmem>> -> memref<256xf32, #tpu.memory_space<vmem>>
          %dma_start3A_1051 = arith.constant 0 : i32
          %dma_start3A_1052 = tpu.memref_slice %arg7[%squeeze3A_802, %dma_start3A_1051] : memref<512x256xf32, #tpu.memory_space<hbm>> -> memref<1x256xf32, #tpu.memory_space<hbm>>
          %dma_start3A_1053 = tpu.memref_squeeze %dma_start3A_1052 : memref<1x256xf32, #tpu.memory_space<hbm>> -> memref<256xf32, #tpu.memory_space<hbm>>
          %dma_start3A_1054 = arith.constant 0 : i32
          %dma_start3A_1055 = tpu.memref_slice %arg7[%squeeze3A_802, %dma_start3A_1054] : memref<512x256xf32, #tpu.memory_space<hbm>> -> memref<1x256xf32, #tpu.memory_space<hbm>>
          %dma_start3A_1056 = tpu.memref_squeeze %dma_start3A_1055 : memref<1x256xf32, #tpu.memory_space<hbm>> -> memref<256xf32, #tpu.memory_space<hbm>>
          %dma_start3A_1057 = tpu.memref_slice %arg13[%multiple_of3A_969] : memref<512xf32, #tpu.memory_space<vmem>> -> memref<256xf32, #tpu.memory_space<vmem>>
          tpu.enqueue_dma source(%dma_start3A_1057 : memref<256xf32, #tpu.memory_space<vmem>>) target(%dma_start3A_1056 : memref<256xf32, #tpu.memory_space<hbm>>) target_semaphore(%arg16 : memref<!tpu.dma_semaphore, #tpu.memory_space<semaphore_mem>>)
        } else {
        }
        %convert_element_type3A_926 = arith.extui %or3A : i1 to i32
        %add3A_927 = arith.addi %while3A_771, %convert_element_type3A_926 : i32
        %select_n3A_928 = arith.select %or3A, %broadcast_in_dim3A_26, %add3A_810 : vector<16xf32>
        %select_n3A_929 = arith.select %or3A, %broadcast_in_dim3A_26, %add3A_812 : vector<16xf32>
        %select_n3A_930 = arith.select %or3A, %broadcast_in_dim3A_26, %add3A_814 : vector<16xf32>
        %select_n3A_931 = arith.select %or3A, %broadcast_in_dim3A_26, %add3A_816 : vector<16xf32>
        %select_n3A_932 = arith.select %or3A, %broadcast_in_dim3A_26, %add3A_818 : vector<16xf32>
        %select_n3A_933 = arith.select %or3A, %broadcast_in_dim3A_26, %add3A_820 : vector<16xf32>
        %select_n3A_934 = arith.select %or3A, %broadcast_in_dim3A_26, %add3A_822 : vector<16xf32>
        %select_n3A_935 = arith.select %or3A, %broadcast_in_dim3A_26, %add3A_824 : vector<16xf32>
        %select_n3A_936 = arith.select %or3A, %broadcast_in_dim3A_28, %max3A_825 : vector<16xf32>
        %select_n3A_937 = arith.select %or3A, %broadcast_in_dim3A_28, %max3A_826 : vector<16xf32>
        %select_n3A_938 = arith.select %or3A, %broadcast_in_dim3A_28, %max3A_827 : vector<16xf32>
        %select_n3A_939 = arith.select %or3A, %broadcast_in_dim3A_28, %max3A_828 : vector<16xf32>
        %select_n3A_940 = arith.select %or3A, %broadcast_in_dim3A_28, %max3A_829 : vector<16xf32>
        %select_n3A_941 = arith.select %or3A, %broadcast_in_dim3A_28, %max3A_830 : vector<16xf32>
        %select_n3A_942 = arith.select %or3A, %broadcast_in_dim3A_28, %max3A_831 : vector<16xf32>
        %select_n3A_943 = arith.select %or3A, %broadcast_in_dim3A_28, %max3A_832 : vector<16xf32>
        scf.yield %add3A_927, %div3A_922, %get3A_842, %get3A_849, %get3A_856, %get3A_863, %get3A_870, %get3A_877, %get3A_884, %get3A_891, %select_n3A_928, %select_n3A_929, %select_n3A_930, %select_n3A_931, %select_n3A_932, %select_n3A_933, %select_n3A_934, %select_n3A_935, %select_n3A_936, %select_n3A_937, %select_n3A_938, %select_n3A_939, %select_n3A_940, %select_n3A_941, %select_n3A_942, %select_n3A_943 : i32, vector<16xf32>, vector<16xf32>, vector<16xf32>, vector<16xf32>, vector<16xf32>, vector<16xf32>, vector<16xf32>, vector<16xf32>, vector<16xf32>, vector<16xf32>, vector<16xf32>, vector<16xf32>, vector<16xf32>, vector<16xf32>, vector<16xf32>, vector<16xf32>, vector<16xf32>, vector<16xf32>, vector<16xf32>, vector<16xf32>, vector<16xf32>, vector<16xf32>, vector<16xf32>, vector<16xf32>, vector<16xf32>
      }
      scf.yield %while3A_769#0, %while3A_769#10, %while3A_769#11, %while3A_769#12, %while3A_769#13, %while3A_769#14, %while3A_769#15, %while3A_769#16, %while3A_769#17, %while3A_769#18, %while3A_769#19, %while3A_769#20, %while3A_769#21, %while3A_769#22, %while3A_769#23, %while3A_769#24, %while3A_769#25 : i32, vector<16xf32>, vector<16xf32>, vector<16xf32>, vector<16xf32>, vector<16xf32>, vector<16xf32>, vector<16xf32>, vector<16xf32>, vector<16xf32>, vector<16xf32>, vector<16xf32>, vector<16xf32>, vector<16xf32>, vector<16xf32>, vector<16xf32>, vector<16xf32>
    }
    %while3A_526 = arith.constant 1 : i32
    %while3A_527:17 = scf.for %while3A_535 = %while3A_523 to %while3A_519 step %while3A_526 iter_args(%while3A_536 = %while3A_525#0, %while3A_537 = %while3A_525#1, %while3A_538 = %while3A_525#2, %while3A_539 = %while3A_525#3, %while3A_540 = %while3A_525#4, %while3A_541 = %while3A_525#5, %while3A_542 = %while3A_525#6, %while3A_543 = %while3A_525#7, %while3A_544 = %while3A_525#8, %while3A_545 = %while3A_525#9, %while3A_546 = %while3A_525#10, %while3A_547 = %while3A_525#11, %while3A_548 = %while3A_525#12, %while3A_549 = %while3A_525#13, %while3A_550 = %while3A_525#14, %while3A_551 = %while3A_525#15, %while3A_552 = %while3A_525#16) -> (i32, vector<16xf32>, vector<16xf32>, vector<16xf32>, vector<16xf32>, vector<16xf32>, vector<16xf32>, vector<16xf32>, vector<16xf32>, vector<16xf32>, vector<16xf32>, vector<16xf32>, vector<16xf32>, vector<16xf32>, vector<16xf32>, vector<16xf32>, vector<16xf32>)  : i32 {
      %mul3A_553 = arith.constant 256 : i32
      %mul3A_554 = arith.muli %while3A_535, %mul3A_553 : i32
      %add3A_555 = arith.addi %mul3A_459, %mul3A_554 : i32
      %max3A_556 = arith.maxsi %squeeze3A, %add3A_555 : i32
      %add3A_557 = arith.constant 1 : i32
      %add3A_558 = arith.addi %while3A_535, %add3A_557 : i32
      %mul3A_559 = arith.constant 256 : i32
      %mul3A_560 = arith.muli %add3A_558, %mul3A_559 : i32
      %add3A_561 = arith.addi %mul3A_459, %mul3A_560 : i32
      %min3A_562 = arith.minsi %add3A_561, %squeeze3A_25 : i32
      %mul3A_563 = arith.constant 256 : i32
      %mul3A_564 = arith.muli %while3A_535, %mul3A_563 : i32
      %add3A_565 = arith.addi %mul3A_459, %mul3A_564 : i32
      %min3A_566 = arith.constant 99744 : i32
      %min3A_567 = arith.minsi %add3A_565, %min3A_566 : i32
      %multiple_of3A_568 = tpu.assume_multiple %min3A_567, 8 : i32
      %mul3A_569 = arith.constant 256 : i32
      %mul3A_570 = arith.muli %while3A_535, %mul3A_569 : i32
      %add3A_571 = arith.addi %mul3A_459, %mul3A_570 : i32
      %min3A_572 = arith.constant 99680 : i32
      %min3A_573 = arith.minsi %add3A_571, %min3A_572 : i32
      %multiple_of3A_574 = tpu.assume_multiple %min3A_573, 8 : i32
      %mul3A_575 = arith.constant 256 : i32
      %mul3A_576 = arith.muli %while3A_535, %mul3A_575 : i32
      %add3A_577 = arith.addi %mul3A_459, %mul3A_576 : i32
      %min3A_578 = arith.constant 99744 : i32
      %min3A_579 = arith.minsi %add3A_577, %min3A_578 : i32
      %multiple_of3A_580 = tpu.assume_multiple %min3A_579, 8 : i32
      %jit3A_581 = arith.constant 2 : i32
      %eq3A = arith.constant 0 : i32
      %eq3A_582 = arith.cmpi eq, %jit3A_581, %eq3A : i32
      %jit3A_583 = arith.constant 1 : i32
      %select_n3A_584 = arith.select %eq3A_582, %jit3A_583, %jit3A_581 : i32
      %rem3A_585 = arith.remsi %while3A_535, %select_n3A_584 : i32
      %ne3A_586 = arith.constant 0 : i32
      %ne3A_587 = arith.cmpi ne, %rem3A_585, %ne3A_586 : i32
      %lt3A = arith.constant 0 : i32
      %lt3A_588 = arith.cmpi slt, %rem3A_585, %lt3A : i32
      %lt3A_589 = arith.constant 0 : i32
      %lt3A_590 = arith.cmpi slt, %select_n3A_584, %lt3A_589 : i32
      %ne3A_591 = arith.xori %lt3A_588, %lt3A_590 : i1
      %and3A_592 = arith.andi %ne3A_591, %ne3A_587 : i1
      %add3A_593 = arith.addi %rem3A_585, %select_n3A_584 : i32
      %select_n3A_594 = arith.select %and3A_592, %add3A_593, %rem3A_585 : i32
      %dma_wait3A_595 = arith.constant 0 : i32
      %dma_wait3A_596 = arith.constant 0 : i32
      %dma_wait3A_597 = tpu.memref_slice %arg8[%select_n3A_594, %dma_wait3A_595, %dma_wait3A_596] : memref<2x264x128xf32, #tpu.memory_space<vmem>> -> memref<1x256x128xf32, #tpu.memory_space<vmem>>
      %dma_wait3A_598 = tpu.memref_squeeze %dma_wait3A_597 : memref<1x256x128xf32, #tpu.memory_space<vmem>> -> memref<256x128xf32, #tpu.memory_space<vmem>>
      %dma_wait3A_599 = arith.constant 0 : i32
      %dma_wait3A_600 = tpu.memref_slice %arg2[%multiple_of3A_580, %dma_wait3A_599] : memref<100000x128xf32, #tpu.memory_space<hbm>> -> memref<256x128xf32, #tpu.memory_space<hbm>>
      %dma_wait3A_601 = arith.constant 0 : i32
      %dma_wait3A_602 = arith.constant 0 : i32
      %dma_wait3A_603 = tpu.memref_slice %arg8[%select_n3A_594, %dma_wait3A_601, %dma_wait3A_602] : memref<2x264x128xf32, #tpu.memory_space<vmem>> -> memref<1x256x128xf32, #tpu.memory_space<vmem>>
      %dma_wait3A_604 = tpu.memref_squeeze %dma_wait3A_603 : memref<1x256x128xf32, #tpu.memory_space<vmem>> -> memref<256x128xf32, #tpu.memory_space<vmem>>
      %dma_wait3A_605 = arith.constant 0 : i32
      %dma_wait3A_606 = tpu.memref_slice %arg2[%multiple_of3A_580, %dma_wait3A_605] : memref<100000x128xf32, #tpu.memory_space<hbm>> -> memref<256x128xf32, #tpu.memory_space<hbm>>
      tpu.wait_dma2 semaphore(%arg14 : memref<!tpu.dma_semaphore, #tpu.memory_space<semaphore_mem>>) src(%dma_wait3A_606 : memref<256x128xf32, #tpu.memory_space<hbm>>) dst(%dma_wait3A_604 : memref<256x128xf32, #tpu.memory_space<vmem>>)
      %mul3A_607 = arith.constant 256 : i32
      %mul3A_608 = arith.muli %while3A_535, %mul3A_607 : i32
      %add3A_609 = arith.addi %mul3A_459, %mul3A_608 : i32
      %min3A_610 = arith.constant 99680 : i32
      %min3A_611 = arith.minsi %add3A_609, %min3A_610 : i32
      %multiple_of3A_612 = tpu.assume_multiple %min3A_611, 8 : i32
      %jit3A_613 = arith.constant 2 : i32
      %eq3A_614 = arith.constant 0 : i32
      %eq3A_615 = arith.cmpi eq, %jit3A_613, %eq3A_614 : i32
      %jit3A_616 = arith.constant 1 : i32
      %select_n3A_617 = arith.select %eq3A_615, %jit3A_616, %jit3A_613 : i32
      %rem3A_618 = arith.remsi %while3A_535, %select_n3A_617 : i32
      %ne3A_619 = arith.constant 0 : i32
      %ne3A_620 = arith.cmpi ne, %rem3A_618, %ne3A_619 : i32
      %lt3A_621 = arith.constant 0 : i32
      %lt3A_622 = arith.cmpi slt, %rem3A_618, %lt3A_621 : i32
      %lt3A_623 = arith.constant 0 : i32
      %lt3A_624 = arith.cmpi slt, %select_n3A_617, %lt3A_623 : i32
      %ne3A_625 = arith.xori %lt3A_622, %lt3A_624 : i1
      %and3A_626 = arith.andi %ne3A_625, %ne3A_620 : i1
      %add3A_627 = arith.addi %rem3A_618, %select_n3A_617 : i32
      %select_n3A_628 = arith.select %and3A_626, %add3A_627, %rem3A_618 : i32
      %mul3A_629 = arith.constant 320 : i32
      %mul3A_630 = arith.muli %select_n3A_628, %mul3A_629 : i32
      %dma_wait3A_631 = tpu.memref_slice %arg9[%mul3A_630] : memref<704xi32, #tpu.memory_space<vmem>> -> memref<320xi32, #tpu.memory_space<vmem>>
      %dma_wait3A_632 = tpu.memref_slice %arg3[%multiple_of3A_612] : memref<100000xi32, #tpu.memory_space<hbm>> -> memref<320xi32, #tpu.memory_space<hbm>>
      %dma_wait3A_633 = tpu.memref_slice %arg9[%mul3A_630] : memref<704xi32, #tpu.memory_space<vmem>> -> memref<320xi32, #tpu.memory_space<vmem>>
      %dma_wait3A_634 = tpu.memref_slice %arg3[%multiple_of3A_612] : memref<100000xi32, #tpu.memory_space<hbm>> -> memref<320xi32, #tpu.memory_space<hbm>>
      tpu.wait_dma2 semaphore(%arg15 : memref<!tpu.dma_semaphore, #tpu.memory_space<semaphore_mem>>) src(%dma_wait3A_634 : memref<320xi32, #tpu.memory_space<hbm>>) dst(%dma_wait3A_633 : memref<320xi32, #tpu.memory_space<vmem>>)
      %add3A_635 = arith.constant 1 : i32
      %add3A_636 = arith.addi %while3A_535, %add3A_635 : i32
      %lt3A_637 = arith.cmpi slt, %add3A_636, %max3A_489 : i32
      %convert_element_type3A_638 = arith.extui %lt3A_637 : i1 to i32
      %cond3A_639 = arith.constant 0 : i32
      %cond3A_640 = arith.cmpi ne, %convert_element_type3A_638, %cond3A_639 : i32
      scf.if %cond3A_640 {
        %add3A_770 = arith.constant 1 : i32
        %add3A_771 = arith.addi %while3A_535, %add3A_770 : i32
        %mul3A_772 = arith.constant 256 : i32
        %mul3A_773 = arith.muli %add3A_771, %mul3A_772 : i32
        %add3A_774 = arith.addi %mul3A_459, %mul3A_773 : i32
        %min3A_775 = arith.constant 99744 : i32
        %min3A_776 = arith.minsi %add3A_774, %min3A_775 : i32
        %multiple_of3A_777 = tpu.assume_multiple %min3A_776, 8 : i32
        %jit3A_778 = arith.constant 2 : i32
        %eq3A_779 = arith.constant 0 : i32
        %eq3A_780 = arith.cmpi eq, %jit3A_778, %eq3A_779 : i32
        %jit3A_781 = arith.constant 1 : i32
        %select_n3A_782 = arith.select %eq3A_780, %jit3A_781, %jit3A_778 : i32
        %rem3A_783 = arith.remsi %add3A_771, %select_n3A_782 : i32
        %ne3A_784 = arith.constant 0 : i32
        %ne3A_785 = arith.cmpi ne, %rem3A_783, %ne3A_784 : i32
        %lt3A_786 = arith.constant 0 : i32
        %lt3A_787 = arith.cmpi slt, %rem3A_783, %lt3A_786 : i32
        %lt3A_788 = arith.constant 0 : i32
        %lt3A_789 = arith.cmpi slt, %select_n3A_782, %lt3A_788 : i32
        %ne3A_790 = arith.xori %lt3A_787, %lt3A_789 : i1
        %and3A_791 = arith.andi %ne3A_790, %ne3A_785 : i1
        %add3A_792 = arith.addi %rem3A_783, %select_n3A_782 : i32
        %select_n3A_793 = arith.select %and3A_791, %add3A_792, %rem3A_783 : i32
        %dma_start3A_794 = arith.constant 0 : i32
        %dma_start3A_795 = arith.constant 0 : i32
        %dma_start3A_796 = tpu.memref_slice %arg8[%select_n3A_793, %dma_start3A_794, %dma_start3A_795] : memref<2x264x128xf32, #tpu.memory_space<vmem>> -> memref<1x256x128xf32, #tpu.memory_space<vmem>>
        %dma_start3A_797 = tpu.memref_squeeze %dma_start3A_796 : memref<1x256x128xf32, #tpu.memory_space<vmem>> -> memref<256x128xf32, #tpu.memory_space<vmem>>
        %dma_start3A_798 = arith.constant 0 : i32
        %dma_start3A_799 = tpu.memref_slice %arg2[%multiple_of3A_777, %dma_start3A_798] : memref<100000x128xf32, #tpu.memory_space<hbm>> -> memref<256x128xf32, #tpu.memory_space<hbm>>
        %dma_start3A_800 = arith.constant 0 : i32
        %dma_start3A_801 = arith.constant 0 : i32
        %dma_start3A_802 = tpu.memref_slice %arg8[%select_n3A_793, %dma_start3A_800, %dma_start3A_801] : memref<2x264x128xf32, #tpu.memory_space<vmem>> -> memref<1x256x128xf32, #tpu.memory_space<vmem>>
        %dma_start3A_803 = tpu.memref_squeeze %dma_start3A_802 : memref<1x256x128xf32, #tpu.memory_space<vmem>> -> memref<256x128xf32, #tpu.memory_space<vmem>>
        %dma_start3A_804 = arith.constant 0 : i32
        %dma_start3A_805 = tpu.memref_slice %arg2[%multiple_of3A_777, %dma_start3A_804] : memref<100000x128xf32, #tpu.memory_space<hbm>> -> memref<256x128xf32, #tpu.memory_space<hbm>>
        tpu.enqueue_dma source(%dma_start3A_805 : memref<256x128xf32, #tpu.memory_space<hbm>>) target(%dma_start3A_803 : memref<256x128xf32, #tpu.memory_space<vmem>>) target_semaphore(%arg14 : memref<!tpu.dma_semaphore, #tpu.memory_space<semaphore_mem>>)
        %add3A_806 = arith.constant 1 : i32
        %add3A_807 = arith.addi %while3A_535, %add3A_806 : i32
        %mul3A_808 = arith.constant 256 : i32
        %mul3A_809 = arith.muli %add3A_807, %mul3A_808 : i32
        %add3A_810 = arith.addi %mul3A_459, %mul3A_809 : i32
        %min3A_811 = arith.constant 99680 : i32
        %min3A_812 = arith.minsi %add3A_810, %min3A_811 : i32
        %multiple_of3A_813 = tpu.assume_multiple %min3A_812, 8 : i32
        %jit3A_814 = arith.constant 2 : i32
        %eq3A_815 = arith.constant 0 : i32
        %eq3A_816 = arith.cmpi eq, %jit3A_814, %eq3A_815 : i32
        %jit3A_817 = arith.constant 1 : i32
        %select_n3A_818 = arith.select %eq3A_816, %jit3A_817, %jit3A_814 : i32
        %rem3A_819 = arith.remsi %add3A_807, %select_n3A_818 : i32
        %ne3A_820 = arith.constant 0 : i32
        %ne3A_821 = arith.cmpi ne, %rem3A_819, %ne3A_820 : i32
        %lt3A_822 = arith.constant 0 : i32
        %lt3A_823 = arith.cmpi slt, %rem3A_819, %lt3A_822 : i32
        %lt3A_824 = arith.constant 0 : i32
        %lt3A_825 = arith.cmpi slt, %select_n3A_818, %lt3A_824 : i32
        %ne3A_826 = arith.xori %lt3A_823, %lt3A_825 : i1
        %and3A_827 = arith.andi %ne3A_826, %ne3A_821 : i1
        %add3A_828 = arith.addi %rem3A_819, %select_n3A_818 : i32
        %select_n3A_829 = arith.select %and3A_827, %add3A_828, %rem3A_819 : i32
        %mul3A_830 = arith.constant 320 : i32
        %mul3A_831 = arith.muli %select_n3A_829, %mul3A_830 : i32
        %dma_start3A_832 = tpu.memref_slice %arg9[%mul3A_831] : memref<704xi32, #tpu.memory_space<vmem>> -> memref<320xi32, #tpu.memory_space<vmem>>
        %dma_start3A_833 = tpu.memref_slice %arg3[%multiple_of3A_813] : memref<100000xi32, #tpu.memory_space<hbm>> -> memref<320xi32, #tpu.memory_space<hbm>>
        %dma_start3A_834 = tpu.memref_slice %arg9[%mul3A_831] : memref<704xi32, #tpu.memory_space<vmem>> -> memref<320xi32, #tpu.memory_space<vmem>>
        %dma_start3A_835 = tpu.memref_slice %arg3[%multiple_of3A_813] : memref<100000xi32, #tpu.memory_space<hbm>> -> memref<320xi32, #tpu.memory_space<hbm>>
        tpu.enqueue_dma source(%dma_start3A_835 : memref<320xi32, #tpu.memory_space<hbm>>) target(%dma_start3A_834 : memref<320xi32, #tpu.memory_space<vmem>>) target_semaphore(%arg15 : memref<!tpu.dma_semaphore, #tpu.memory_space<semaphore_mem>>)
      } else {
      }
      %jit3A_641 = arith.constant 2 : i32
      %eq3A_642 = arith.constant 0 : i32
      %eq3A_643 = arith.cmpi eq, %jit3A_641, %eq3A_642 : i32
      %jit3A_644 = arith.constant 1 : i32
      %select_n3A_645 = arith.select %eq3A_643, %jit3A_644, %jit3A_641 : i32
      %rem3A_646 = arith.remsi %while3A_535, %select_n3A_645 : i32
      %ne3A_647 = arith.constant 0 : i32
      %ne3A_648 = arith.cmpi ne, %rem3A_646, %ne3A_647 : i32
      %lt3A_649 = arith.constant 0 : i32
      %lt3A_650 = arith.cmpi slt, %rem3A_646, %lt3A_649 : i32
      %lt3A_651 = arith.constant 0 : i32
      %lt3A_652 = arith.cmpi slt, %select_n3A_645, %lt3A_651 : i32
      %ne3A_653 = arith.xori %lt3A_650, %lt3A_652 : i1
      %and3A_654 = arith.andi %ne3A_653, %ne3A_648 : i1
      %add3A_655 = arith.addi %rem3A_646, %select_n3A_645 : i32
      %select_n3A_656 = arith.select %and3A_654, %add3A_655, %rem3A_646 : i32
      %jit3A_657 = arith.constant 2 : i32
      %eq3A_658 = arith.constant 0 : i32
      %eq3A_659 = arith.cmpi eq, %jit3A_657, %eq3A_658 : i32
      %jit3A_660 = arith.constant 1 : i32
      %select_n3A_661 = arith.select %eq3A_659, %jit3A_660, %jit3A_657 : i32
      %rem3A_662 = arith.remsi %while3A_535, %select_n3A_661 : i32
      %ne3A_663 = arith.constant 0 : i32
      %ne3A_664 = arith.cmpi ne, %rem3A_662, %ne3A_663 : i32
      %lt3A_665 = arith.constant 0 : i32
      %lt3A_666 = arith.cmpi slt, %rem3A_662, %lt3A_665 : i32
      %lt3A_667 = arith.constant 0 : i32
      %lt3A_668 = arith.cmpi slt, %select_n3A_661, %lt3A_667 : i32
      %ne3A_669 = arith.xori %lt3A_666, %lt3A_668 : i1
      %and3A_670 = arith.andi %ne3A_669, %ne3A_664 : i1
      %add3A_671 = arith.addi %rem3A_662, %select_n3A_661 : i32
      %select_n3A_672 = arith.select %and3A_670, %add3A_671, %rem3A_662 : i32
      %mul3A_673 = arith.constant 320 : i32
      %mul3A_674 = arith.muli %select_n3A_672, %mul3A_673 : i32
      %sub3A_675 = arith.subi %max3A_556, %multiple_of3A_568 : i32
      %get3A_676 = arith.constant 0 : i32
      %get3A_677 = arith.constant 0 : i32
      %get3A_678 = tpu.memref_slice %arg8[%select_n3A_656, %get3A_676, %get3A_677] : memref<2x264x128xf32, #tpu.memory_space<vmem>> -> memref<1x264x128xf32, #tpu.memory_space<vmem>>
      %get3A_679 = tpu.memref_squeeze %get3A_678 : memref<1x264x128xf32, #tpu.memory_space<vmem>> -> memref<264x128xf32, #tpu.memory_space<vmem>>
      %get3A_680 = arith.index_cast %sub3A_675 : i32 to index
      %get3A_681 = arith.constant 0 : index
      %get3A_682 = tpu.vector_load %get3A_679[%get3A_680, %get3A_681] {strides = array<i32>} : memref<264x128xf32, #tpu.memory_space<vmem>>, vector<16xf32>,
      %get3A_683 = arith.constant 0 : i32
      %get3A_684 = arith.constant 0 : i32
      %get3A_685 = tpu.memref_slice %arg8[%select_n3A_656, %get3A_683, %get3A_684] : memref<2x264x128xf32, #tpu.memory_space<vmem>> -> memref<1x264x128xf32, #tpu.memory_space<vmem>>
      %get3A_686 = tpu.memref_squeeze %get3A_685 : memref<1x264x128xf32, #tpu.memory_space<vmem>> -> memref<264x128xf32, #tpu.memory_space<vmem>>
      %get3A_687 = arith.index_cast %sub3A_675 : i32 to index
      %get3A_688 = arith.constant 16 : index
      %get3A_689 = tpu.vector_load %get3A_686[%get3A_687, %get3A_688] {strides = array<i32>} : memref<264x128xf32, #tpu.memory_space<vmem>>, vector<16xf32>,
      %get3A_690 = arith.constant 0 : i32
      %get3A_691 = arith.constant 0 : i32
      %get3A_692 = tpu.memref_slice %arg8[%select_n3A_656, %get3A_690, %get3A_691] : memref<2x264x128xf32, #tpu.memory_space<vmem>> -> memref<1x264x128xf32, #tpu.memory_space<vmem>>
      %get3A_693 = tpu.memref_squeeze %get3A_692 : memref<1x264x128xf32, #tpu.memory_space<vmem>> -> memref<264x128xf32, #tpu.memory_space<vmem>>
      %get3A_694 = arith.index_cast %sub3A_675 : i32 to index
      %get3A_695 = arith.constant 32 : index
      %get3A_696 = tpu.vector_load %get3A_693[%get3A_694, %get3A_695] {strides = array<i32>} : memref<264x128xf32, #tpu.memory_space<vmem>>, vector<16xf32>,
      %get3A_697 = arith.constant 0 : i32
      %get3A_698 = arith.constant 0 : i32
      %get3A_699 = tpu.memref_slice %arg8[%select_n3A_656, %get3A_697, %get3A_698] : memref<2x264x128xf32, #tpu.memory_space<vmem>> -> memref<1x264x128xf32, #tpu.memory_space<vmem>>
      %get3A_700 = tpu.memref_squeeze %get3A_699 : memref<1x264x128xf32, #tpu.memory_space<vmem>> -> memref<264x128xf32, #tpu.memory_space<vmem>>
      %get3A_701 = arith.index_cast %sub3A_675 : i32 to index
      %get3A_702 = arith.constant 48 : index
      %get3A_703 = tpu.vector_load %get3A_700[%get3A_701, %get3A_702] {strides = array<i32>} : memref<264x128xf32, #tpu.memory_space<vmem>>, vector<16xf32>,
      %get3A_704 = arith.constant 0 : i32
      %get3A_705 = arith.constant 0 : i32
      %get3A_706 = tpu.memref_slice %arg8[%select_n3A_656, %get3A_704, %get3A_705] : memref<2x264x128xf32, #tpu.memory_space<vmem>> -> memref<1x264x128xf32, #tpu.memory_space<vmem>>
      %get3A_707 = tpu.memref_squeeze %get3A_706 : memref<1x264x128xf32, #tpu.memory_space<vmem>> -> memref<264x128xf32, #tpu.memory_space<vmem>>
      %get3A_708 = arith.index_cast %sub3A_675 : i32 to index
      %get3A_709 = arith.constant 64 : index
      %get3A_710 = tpu.vector_load %get3A_707[%get3A_708, %get3A_709] {strides = array<i32>} : memref<264x128xf32, #tpu.memory_space<vmem>>, vector<16xf32>,
      %get3A_711 = arith.constant 0 : i32
      %get3A_712 = arith.constant 0 : i32
      %get3A_713 = tpu.memref_slice %arg8[%select_n3A_656, %get3A_711, %get3A_712] : memref<2x264x128xf32, #tpu.memory_space<vmem>> -> memref<1x264x128xf32, #tpu.memory_space<vmem>>
      %get3A_714 = tpu.memref_squeeze %get3A_713 : memref<1x264x128xf32, #tpu.memory_space<vmem>> -> memref<264x128xf32, #tpu.memory_space<vmem>>
      %get3A_715 = arith.index_cast %sub3A_675 : i32 to index
      %get3A_716 = arith.constant 80 : index
      %get3A_717 = tpu.vector_load %get3A_714[%get3A_715, %get3A_716] {strides = array<i32>} : memref<264x128xf32, #tpu.memory_space<vmem>>, vector<16xf32>,
      %get3A_718 = arith.constant 0 : i32
      %get3A_719 = arith.constant 0 : i32
      %get3A_720 = tpu.memref_slice %arg8[%select_n3A_656, %get3A_718, %get3A_719] : memref<2x264x128xf32, #tpu.memory_space<vmem>> -> memref<1x264x128xf32, #tpu.memory_space<vmem>>
      %get3A_721 = tpu.memref_squeeze %get3A_720 : memref<1x264x128xf32, #tpu.memory_space<vmem>> -> memref<264x128xf32, #tpu.memory_space<vmem>>
      %get3A_722 = arith.index_cast %sub3A_675 : i32 to index
      %get3A_723 = arith.constant 96 : index
      %get3A_724 = tpu.vector_load %get3A_721[%get3A_722, %get3A_723] {strides = array<i32>} : memref<264x128xf32, #tpu.memory_space<vmem>>, vector<16xf32>,
      %get3A_725 = arith.constant 0 : i32
      %get3A_726 = arith.constant 0 : i32
      %get3A_727 = tpu.memref_slice %arg8[%select_n3A_656, %get3A_725, %get3A_726] : memref<2x264x128xf32, #tpu.memory_space<vmem>> -> memref<1x264x128xf32, #tpu.memory_space<vmem>>
      %get3A_728 = tpu.memref_squeeze %get3A_727 : memref<1x264x128xf32, #tpu.memory_space<vmem>> -> memref<264x128xf32, #tpu.memory_space<vmem>>
      %get3A_729 = arith.index_cast %sub3A_675 : i32 to index
      %get3A_730 = arith.constant 112 : index
      %get3A_731 = tpu.vector_load %get3A_728[%get3A_729, %get3A_730] {strides = array<i32>} : memref<264x128xf32, #tpu.memory_space<vmem>>, vector<16xf32>,
      %mul3A_732 = arith.mulf %get3A_682, %get3A_5 : vector<16xf32>
      %mul3A_733 = arith.mulf %get3A_689, %get3A_7 : vector<16xf32>
      %add3A_734 = arith.addf %mul3A_732, %mul3A_733 : vector<16xf32>
      %mul3A_735 = arith.mulf %get3A_696, %get3A_9 : vector<16xf32>
      %add3A_736 = arith.addf %add3A_734, %mul3A_735 : vector<16xf32>
      %mul3A_737 = arith.mulf %get3A_703, %get3A_11 : vector<16xf32>
      %add3A_738 = arith.addf %add3A_736, %mul3A_737 : vector<16xf32>
      %mul3A_739 = arith.mulf %get3A_710, %get3A_13 : vector<16xf32>
      %add3A_740 = arith.addf %add3A_738, %mul3A_739 : vector<16xf32>
      %mul3A_741 = arith.mulf %get3A_717, %get3A_15 : vector<16xf32>
      %add3A_742 = arith.addf %add3A_740, %mul3A_741 : vector<16xf32>
      %mul3A_743 = arith.mulf %get3A_724, %get3A_17 : vector<16xf32>
      %add3A_744 = arith.addf %add3A_742, %mul3A_743 : vector<16xf32>
      %mul3A_745 = arith.mulf %get3A_731, %get3A_19 : vector<16xf32>
      %add3A_746 = arith.addf %add3A_744, %mul3A_745 : vector<16xf32>
      %reduce_sum3A = arith.constant true
      %reduce_sum3A_747 = vector.broadcast %reduce_sum3A : i1 to vector<16xi1>
      %reduce_sum3A_748 = tpu.scan <sum>, %add3A_746 masked %reduce_sum3A_747 : vector<16xf32>, vector<16xi1> -> vector<16xf32>
      %reduce_sum3A_749 = vector.extract %reduce_sum3A_748[15] : f32 from vector<16xf32>
      %broadcast_in_dim3A_750 = vector.broadcast %reduce_sum3A_749 : f32 to vector<16xf32>
      %add3A_751 = arith.addf %broadcast_in_dim3A_750, %get3A_3 : vector<16xf32>
      %neg3A = arith.constant 0.000000e+00 : f32
      %neg3A_752 = vector.broadcast %neg3A : f32 to vector<16xf32>
      %neg3A_753 = arith.subf %neg3A_752, %add3A_751 : vector<16xf32>
      %exp3A = math.exp %neg3A_753 : vector<16xf32>
      %add3A_754 = arith.constant 1.000000e+00 : f32
      %add3A_755 = vector.broadcast %add3A_754 : f32 to vector<16xf32>
      %add3A_756 = arith.addf %add3A_755, %exp3A : vector<16xf32>
      %div3A_757 = arith.constant 1.000000e+00 : f32
      %div3A_758 = vector.broadcast %div3A_757 : f32 to vector<16xf32>
      %div3A_759 = arith.divf %div3A_758, %add3A_756 : vector<16xf32>
      %while3A_760 = arith.subi %min3A_562, %max3A_556 : i32
      %while3A_761 = arith.addi %max3A_556, %while3A_760 : i32
      %while3A_762 = arith.constant 1 : i32
      %while3A_763 = arith.divsi %while3A_760, %while3A_762 : i32
      %while3A_764 = arith.muli %while3A_763, %while3A_762 : i32
      %while3A_765 = arith.addi %max3A_556, %while3A_764 : i32
      %while3A_766 = arith.constant 1 : i32
      %while3A_767:26 = scf.for %while3A_770 = %max3A_556 to %while3A_765 step %while3A_766 iter_args(%while3A_771 = %while3A_536, %while3A_772 = %div3A_759, %while3A_773 = %get3A_682, %while3A_774 = %get3A_689, %while3A_775 = %get3A_696, %while3A_776 = %get3A_703, %while3A_777 = %get3A_710, %while3A_778 = %get3A_717, %while3A_779 = %get3A_724, %while3A_780 = %get3A_731, %while3A_781 = %while3A_537, %while3A_782 = %while3A_538, %while3A_783 = %while3A_539, %while3A_784 = %while3A_540, %while3A_785 = %while3A_541, %while3A_786 = %while3A_542, %while3A_787 = %while3A_543, %while3A_788 = %while3A_544, %while3A_789 = %while3A_545, %while3A_790 = %while3A_546, %while3A_791 = %while3A_547, %while3A_792 = %while3A_548, %while3A_793 = %while3A_549, %while3A_794 = %while3A_550, %while3A_795 = %while3A_551, %while3A_796 = %while3A_552) -> (i32, vector<16xf32>, vector<16xf32>, vector<16xf32>, vector<16xf32>, vector<16xf32>, vector<16xf32>, vector<16xf32>, vector<16xf32>, vector<16xf32>, vector<16xf32>, vector<16xf32>, vector<16xf32>, vector<16xf32>, vector<16xf32>, vector<16xf32>, vector<16xf32>, vector<16xf32>, vector<16xf32>, vector<16xf32>, vector<16xf32>, vector<16xf32>, vector<16xf32>, vector<16xf32>, vector<16xf32>, vector<16xf32>)  : i32 {
        %add3A_797 = arith.addi %mul3A_674, %while3A_770 : i32
        %sub3A_798 = arith.subi %add3A_797, %multiple_of3A_574 : i32
        %get3A_799 = arith.index_cast %sub3A_798 : i32 to index
        %get3A_800 = tpu.vector_load %arg9[%get3A_799] {strides = array<i32>} : memref<704xi32, #tpu.memory_space<vmem>>, vector<16xi32>,
        %slice3A_801 = vector.extract_strided_slice %get3A_800 {offsets = [0], sizes = [1], strides = [1]} : vector<16xi32> to vector<1xi32>
        %squeeze3A_802 = vector.extract %slice3A_801[0] : i32 from vector<1xi32>
        %slice3A_803 = vector.extract_strided_slice %get3A_800 {offsets = [1], sizes = [1], strides = [1]} : vector<16xi32> to vector<1xi32>
        %squeeze3A_804 = vector.extract %slice3A_803[0] : i32 from vector<1xi32>
        %ne3A_805 = arith.cmpi ne, %squeeze3A_804, %squeeze3A_802 : i32
        %sub3A_806 = arith.constant 1 : i32
        %sub3A_807 = arith.subi %squeeze3A_25, %sub3A_806 : i32
        %eq3A_808 = arith.cmpi eq, %while3A_770, %sub3A_807 : i32
        %or3A = arith.ori %ne3A_805, %eq3A_808 : i1
        %mul3A_809 = arith.mulf %while3A_772, %while3A_773 : vector<16xf32>
        %add3A_810 = arith.addf %while3A_781, %mul3A_809 : vector<16xf32>
        %mul3A_811 = arith.mulf %while3A_772, %while3A_774 : vector<16xf32>
        %add3A_812 = arith.addf %while3A_782, %mul3A_811 : vector<16xf32>
        %mul3A_813 = arith.mulf %while3A_772, %while3A_775 : vector<16xf32>
        %add3A_814 = arith.addf %while3A_783, %mul3A_813 : vector<16xf32>
        %mul3A_815 = arith.mulf %while3A_772, %while3A_776 : vector<16xf32>
        %add3A_816 = arith.addf %while3A_784, %mul3A_815 : vector<16xf32>
        %mul3A_817 = arith.mulf %while3A_772, %while3A_777 : vector<16xf32>
        %add3A_818 = arith.addf %while3A_785, %mul3A_817 : vector<16xf32>
        %mul3A_819 = arith.mulf %while3A_772, %while3A_778 : vector<16xf32>
        %add3A_820 = arith.addf %while3A_786, %mul3A_819 : vector<16xf32>
        %mul3A_821 = arith.mulf %while3A_772, %while3A_779 : vector<16xf32>
        %add3A_822 = arith.addf %while3A_787, %mul3A_821 : vector<16xf32>
        %mul3A_823 = arith.mulf %while3A_772, %while3A_780 : vector<16xf32>
        %add3A_824 = arith.addf %while3A_788, %mul3A_823 : vector<16xf32>
        %max3A_825 = arith.maximumf %while3A_789, %while3A_773 : vector<16xf32>
        %max3A_826 = arith.maximumf %while3A_790, %while3A_774 : vector<16xf32>
        %max3A_827 = arith.maximumf %while3A_791, %while3A_775 : vector<16xf32>
        %max3A_828 = arith.maximumf %while3A_792, %while3A_776 : vector<16xf32>
        %max3A_829 = arith.maximumf %while3A_793, %while3A_777 : vector<16xf32>
        %max3A_830 = arith.maximumf %while3A_794, %while3A_778 : vector<16xf32>
        %max3A_831 = arith.maximumf %while3A_795, %while3A_779 : vector<16xf32>
        %max3A_832 = arith.maximumf %while3A_796, %while3A_780 : vector<16xf32>
        %add3A_833 = arith.constant 1 : i32
        %add3A_834 = arith.addi %while3A_770, %add3A_833 : i32
        %sub3A_835 = arith.subi %add3A_834, %multiple_of3A_568 : i32
        %get3A_836 = arith.constant 0 : i32
        %get3A_837 = arith.constant 0 : i32
        %get3A_838 = tpu.memref_slice %arg8[%select_n3A_656, %get3A_836, %get3A_837] : memref<2x264x128xf32, #tpu.memory_space<vmem>> -> memref<1x264x128xf32, #tpu.memory_space<vmem>>
        %get3A_839 = tpu.memref_squeeze %get3A_838 : memref<1x264x128xf32, #tpu.memory_space<vmem>> -> memref<264x128xf32, #tpu.memory_space<vmem>>
        %get3A_840 = arith.index_cast %sub3A_835 : i32 to index
        %get3A_841 = arith.constant 0 : index
        %get3A_842 = tpu.vector_load %get3A_839[%get3A_840, %get3A_841] {strides = array<i32>} : memref<264x128xf32, #tpu.memory_space<vmem>>, vector<16xf32>,
        %get3A_843 = arith.constant 0 : i32
        %get3A_844 = arith.constant 0 : i32
        %get3A_845 = tpu.memref_slice %arg8[%select_n3A_656, %get3A_843, %get3A_844] : memref<2x264x128xf32, #tpu.memory_space<vmem>> -> memref<1x264x128xf32, #tpu.memory_space<vmem>>
        %get3A_846 = tpu.memref_squeeze %get3A_845 : memref<1x264x128xf32, #tpu.memory_space<vmem>> -> memref<264x128xf32, #tpu.memory_space<vmem>>
        %get3A_847 = arith.index_cast %sub3A_835 : i32 to index
        %get3A_848 = arith.constant 16 : index
        %get3A_849 = tpu.vector_load %get3A_846[%get3A_847, %get3A_848] {strides = array<i32>} : memref<264x128xf32, #tpu.memory_space<vmem>>, vector<16xf32>,
        %get3A_850 = arith.constant 0 : i32
        %get3A_851 = arith.constant 0 : i32
        %get3A_852 = tpu.memref_slice %arg8[%select_n3A_656, %get3A_850, %get3A_851] : memref<2x264x128xf32, #tpu.memory_space<vmem>> -> memref<1x264x128xf32, #tpu.memory_space<vmem>>
        %get3A_853 = tpu.memref_squeeze %get3A_852 : memref<1x264x128xf32, #tpu.memory_space<vmem>> -> memref<264x128xf32, #tpu.memory_space<vmem>>
        %get3A_854 = arith.index_cast %sub3A_835 : i32 to index
        %get3A_855 = arith.constant 32 : index
        %get3A_856 = tpu.vector_load %get3A_853[%get3A_854, %get3A_855] {strides = array<i32>} : memref<264x128xf32, #tpu.memory_space<vmem>>, vector<16xf32>,
        %get3A_857 = arith.constant 0 : i32
        %get3A_858 = arith.constant 0 : i32
        %get3A_859 = tpu.memref_slice %arg8[%select_n3A_656, %get3A_857, %get3A_858] : memref<2x264x128xf32, #tpu.memory_space<vmem>> -> memref<1x264x128xf32, #tpu.memory_space<vmem>>
        %get3A_860 = tpu.memref_squeeze %get3A_859 : memref<1x264x128xf32, #tpu.memory_space<vmem>> -> memref<264x128xf32, #tpu.memory_space<vmem>>
        %get3A_861 = arith.index_cast %sub3A_835 : i32 to index
        %get3A_862 = arith.constant 48 : index
        %get3A_863 = tpu.vector_load %get3A_860[%get3A_861, %get3A_862] {strides = array<i32>} : memref<264x128xf32, #tpu.memory_space<vmem>>, vector<16xf32>,
        %get3A_864 = arith.constant 0 : i32
        %get3A_865 = arith.constant 0 : i32
        %get3A_866 = tpu.memref_slice %arg8[%select_n3A_656, %get3A_864, %get3A_865] : memref<2x264x128xf32, #tpu.memory_space<vmem>> -> memref<1x264x128xf32, #tpu.memory_space<vmem>>
        %get3A_867 = tpu.memref_squeeze %get3A_866 : memref<1x264x128xf32, #tpu.memory_space<vmem>> -> memref<264x128xf32, #tpu.memory_space<vmem>>
        %get3A_868 = arith.index_cast %sub3A_835 : i32 to index
        %get3A_869 = arith.constant 64 : index
        %get3A_870 = tpu.vector_load %get3A_867[%get3A_868, %get3A_869] {strides = array<i32>} : memref<264x128xf32, #tpu.memory_space<vmem>>, vector<16xf32>,
        %get3A_871 = arith.constant 0 : i32
        %get3A_872 = arith.constant 0 : i32
        %get3A_873 = tpu.memref_slice %arg8[%select_n3A_656, %get3A_871, %get3A_872] : memref<2x264x128xf32, #tpu.memory_space<vmem>> -> memref<1x264x128xf32, #tpu.memory_space<vmem>>
        %get3A_874 = tpu.memref_squeeze %get3A_873 : memref<1x264x128xf32, #tpu.memory_space<vmem>> -> memref<264x128xf32, #tpu.memory_space<vmem>>
        %get3A_875 = arith.index_cast %sub3A_835 : i32 to index
        %get3A_876 = arith.constant 80 : index
        %get3A_877 = tpu.vector_load %get3A_874[%get3A_875, %get3A_876] {strides = array<i32>} : memref<264x128xf32, #tpu.memory_space<vmem>>, vector<16xf32>,
        %get3A_878 = arith.constant 0 : i32
        %get3A_879 = arith.constant 0 : i32
        %get3A_880 = tpu.memref_slice %arg8[%select_n3A_656, %get3A_878, %get3A_879] : memref<2x264x128xf32, #tpu.memory_space<vmem>> -> memref<1x264x128xf32, #tpu.memory_space<vmem>>
        %get3A_881 = tpu.memref_squeeze %get3A_880 : memref<1x264x128xf32, #tpu.memory_space<vmem>> -> memref<264x128xf32, #tpu.memory_space<vmem>>
        %get3A_882 = arith.index_cast %sub3A_835 : i32 to index
        %get3A_883 = arith.constant 96 : index
        %get3A_884 = tpu.vector_load %get3A_881[%get3A_882, %get3A_883] {strides = array<i32>} : memref<264x128xf32, #tpu.memory_space<vmem>>, vector<16xf32>,
        %get3A_885 = arith.constant 0 : i32
        %get3A_886 = arith.constant 0 : i32
        %get3A_887 = tpu.memref_slice %arg8[%select_n3A_656, %get3A_885, %get3A_886] : memref<2x264x128xf32, #tpu.memory_space<vmem>> -> memref<1x264x128xf32, #tpu.memory_space<vmem>>
        %get3A_888 = tpu.memref_squeeze %get3A_887 : memref<1x264x128xf32, #tpu.memory_space<vmem>> -> memref<264x128xf32, #tpu.memory_space<vmem>>
        %get3A_889 = arith.index_cast %sub3A_835 : i32 to index
        %get3A_890 = arith.constant 112 : index
        %get3A_891 = tpu.vector_load %get3A_888[%get3A_889, %get3A_890] {strides = array<i32>} : memref<264x128xf32, #tpu.memory_space<vmem>>, vector<16xf32>,
        %mul3A_892 = arith.mulf %get3A_842, %get3A_5 : vector<16xf32>
        %mul3A_893 = arith.mulf %get3A_849, %get3A_7 : vector<16xf32>
        %add3A_894 = arith.addf %mul3A_892, %mul3A_893 : vector<16xf32>
        %mul3A_895 = arith.mulf %get3A_856, %get3A_9 : vector<16xf32>
        %add3A_896 = arith.addf %add3A_894, %mul3A_895 : vector<16xf32>
        %mul3A_897 = arith.mulf %get3A_863, %get3A_11 : vector<16xf32>
        %add3A_898 = arith.addf %add3A_896, %mul3A_897 : vector<16xf32>
        %mul3A_899 = arith.mulf %get3A_870, %get3A_13 : vector<16xf32>
        %add3A_900 = arith.addf %add3A_898, %mul3A_899 : vector<16xf32>
        %mul3A_901 = arith.mulf %get3A_877, %get3A_15 : vector<16xf32>
        %add3A_902 = arith.addf %add3A_900, %mul3A_901 : vector<16xf32>
        %mul3A_903 = arith.mulf %get3A_884, %get3A_17 : vector<16xf32>
        %add3A_904 = arith.addf %add3A_902, %mul3A_903 : vector<16xf32>
        %mul3A_905 = arith.mulf %get3A_891, %get3A_19 : vector<16xf32>
        %add3A_906 = arith.addf %add3A_904, %mul3A_905 : vector<16xf32>
        %reduce_sum3A_907 = arith.constant true
        %reduce_sum3A_908 = vector.broadcast %reduce_sum3A_907 : i1 to vector<16xi1>
        %reduce_sum3A_909 = tpu.scan <sum>, %add3A_906 masked %reduce_sum3A_908 : vector<16xf32>, vector<16xi1> -> vector<16xf32>
        %reduce_sum3A_910 = vector.extract %reduce_sum3A_909[15] : f32 from vector<16xf32>
        %broadcast_in_dim3A_911 = vector.broadcast %reduce_sum3A_910 : f32 to vector<16xf32>
        %add3A_912 = arith.addf %broadcast_in_dim3A_911, %get3A_3 : vector<16xf32>
        %neg3A_913 = arith.constant 0.000000e+00 : f32
        %neg3A_914 = vector.broadcast %neg3A_913 : f32 to vector<16xf32>
        %neg3A_915 = arith.subf %neg3A_914, %add3A_912 : vector<16xf32>
        %exp3A_916 = math.exp %neg3A_915 : vector<16xf32>
        %add3A_917 = arith.constant 1.000000e+00 : f32
        %add3A_918 = vector.broadcast %add3A_917 : f32 to vector<16xf32>
        %add3A_919 = arith.addf %add3A_918, %exp3A_916 : vector<16xf32>
        %div3A_920 = arith.constant 1.000000e+00 : f32
        %div3A_921 = vector.broadcast %div3A_920 : f32 to vector<16xf32>
        %div3A_922 = arith.divf %div3A_921, %add3A_919 : vector<16xf32>
        %convert_element_type3A_923 = arith.extui %or3A : i1 to i32
        %cond3A_924 = arith.constant 0 : i32
        %cond3A_925 = arith.cmpi ne, %convert_element_type3A_923, %cond3A_924 : i32
        scf.if %cond3A_925 {
          %ge3A_944 = arith.constant 2 : i32
          %ge3A_945 = arith.cmpi sge, %while3A_771, %ge3A_944 : i32
          %convert_element_type3A_946 = arith.extui %ge3A_945 : i1 to i32
          %cond3A_947 = arith.constant 0 : i32
          %cond3A_948 = arith.cmpi ne, %convert_element_type3A_946, %cond3A_947 : i32
          scf.if %cond3A_948 {
            %dma_wait3A_1058 = arith.constant 0 : i32
            %dma_wait3A_1059 = tpu.memref_slice %arg13[%dma_wait3A_1058] : memref<512xf32, #tpu.memory_space<vmem>> -> memref<256xf32, #tpu.memory_space<vmem>>
            %dma_wait3A_1060 = arith.constant 0 : i32
            %dma_wait3A_1061 = tpu.memref_slice %arg7[%mul3A_2, %dma_wait3A_1060] : memref<512x256xf32, #tpu.memory_space<hbm>> -> memref<1x256xf32, #tpu.memory_space<hbm>>
            %dma_wait3A_1062 = tpu.memref_squeeze %dma_wait3A_1061 : memref<1x256xf32, #tpu.memory_space<hbm>> -> memref<256xf32, #tpu.memory_space<hbm>>
            %dma_wait3A_1063 = arith.constant 0 : i32
            %dma_wait3A_1064 = tpu.memref_slice %arg7[%mul3A_2, %dma_wait3A_1063] : memref<512x256xf32, #tpu.memory_space<hbm>> -> memref<1x256xf32, #tpu.memory_space<hbm>>
            %dma_wait3A_1065 = tpu.memref_squeeze %dma_wait3A_1064 : memref<1x256xf32, #tpu.memory_space<hbm>> -> memref<256xf32, #tpu.memory_space<hbm>>
            %dma_wait3A_1066 = arith.constant 0 : i32
            %dma_wait3A_1067 = tpu.memref_slice %arg13[%dma_wait3A_1066] : memref<512xf32, #tpu.memory_space<vmem>> -> memref<256xf32, #tpu.memory_space<vmem>>
            tpu.wait_dma2 semaphore(%arg16 : memref<!tpu.dma_semaphore, #tpu.memory_space<semaphore_mem>>) src(%dma_wait3A_1067 : memref<256xf32, #tpu.memory_space<vmem>>) dst(%dma_wait3A_1065 : memref<256xf32, #tpu.memory_space<hbm>>)
          } else {
          }
          %jit3A_949 = arith.constant 2 : i32
          %eq3A_950 = arith.constant 0 : i32
          %eq3A_951 = arith.cmpi eq, %jit3A_949, %eq3A_950 : i32
          %jit3A_952 = arith.constant 1 : i32
          %select_n3A_953 = arith.select %eq3A_951, %jit3A_952, %jit3A_949 : i32
          %rem3A_954 = arith.remsi %while3A_771, %select_n3A_953 : i32
          %ne3A_955 = arith.constant 0 : i32
          %ne3A_956 = arith.cmpi ne, %rem3A_954, %ne3A_955 : i32
          %lt3A_957 = arith.constant 0 : i32
          %lt3A_958 = arith.cmpi slt, %rem3A_954, %lt3A_957 : i32
          %lt3A_959 = arith.constant 0 : i32
          %lt3A_960 = arith.cmpi slt, %select_n3A_953, %lt3A_959 : i32
          %ne3A_961 = arith.xori %lt3A_958, %lt3A_960 : i1
          %and3A_962 = arith.andi %ne3A_961, %ne3A_956 : i1
          %add3A_963 = arith.addi %rem3A_954, %select_n3A_953 : i32
          %select_n3A_964 = arith.select %and3A_962, %add3A_963, %rem3A_954 : i32
          %mul3A_965 = arith.constant 2 : i32
          %mul3A_966 = arith.muli %select_n3A_964, %mul3A_965 : i32
          %mul3A_967 = arith.constant 128 : i32
          %mul3A_968 = arith.muli %mul3A_966, %mul3A_967 : i32
          %multiple_of3A_969 = tpu.assume_multiple %mul3A_968, 8 : i32
          %add3A_970 = arith.constant 0 : i32
          %add3A_971 = arith.addi %multiple_of3A_969, %add3A_970 : i32
          %swap3A_972 = arith.index_cast %add3A_971 : i32 to index
          %swap3A_973 = tpu.vector_load %arg13[%swap3A_972] {strides = array<i32>} : memref<512xf32, #tpu.memory_space<vmem>>, vector<16xf32>,
          tpu.vector_store %arg13[%swap3A_972], %add3A_810 {strides = array<i32>} : memref<512xf32, #tpu.memory_space<vmem>>, vector<16xf32>,
          %add3A_974 = arith.constant 128 : i32
          %add3A_975 = arith.addi %multiple_of3A_969, %add3A_974 : i32
          %add3A_976 = arith.constant 0 : i32
          %add3A_977 = arith.addi %add3A_975, %add3A_976 : i32
          %swap3A_978 = arith.index_cast %add3A_977 : i32 to index
          %swap3A_979 = tpu.vector_load %arg13[%swap3A_978] {strides = array<i32>} : memref<512xf32, #tpu.memory_space<vmem>>, vector<16xf32>,
          tpu.vector_store %arg13[%swap3A_978], %max3A_825 {strides = array<i32>} : memref<512xf32, #tpu.memory_space<vmem>>, vector<16xf32>,
          %add3A_980 = arith.constant 16 : i32
          %add3A_981 = arith.addi %multiple_of3A_969, %add3A_980 : i32
          %swap3A_982 = arith.index_cast %add3A_981 : i32 to index
          %swap3A_983 = tpu.vector_load %arg13[%swap3A_982] {strides = array<i32>} : memref<512xf32, #tpu.memory_space<vmem>>, vector<16xf32>,
          tpu.vector_store %arg13[%swap3A_982], %add3A_812 {strides = array<i32>} : memref<512xf32, #tpu.memory_space<vmem>>, vector<16xf32>,
          %add3A_984 = arith.constant 128 : i32
          %add3A_985 = arith.addi %multiple_of3A_969, %add3A_984 : i32
          %add3A_986 = arith.constant 16 : i32
          %add3A_987 = arith.addi %add3A_985, %add3A_986 : i32
          %swap3A_988 = arith.index_cast %add3A_987 : i32 to index
          %swap3A_989 = tpu.vector_load %arg13[%swap3A_988] {strides = array<i32>} : memref<512xf32, #tpu.memory_space<vmem>>, vector<16xf32>,
          tpu.vector_store %arg13[%swap3A_988], %max3A_826 {strides = array<i32>} : memref<512xf32, #tpu.memory_space<vmem>>, vector<16xf32>,
          %add3A_990 = arith.constant 32 : i32
          %add3A_991 = arith.addi %multiple_of3A_969, %add3A_990 : i32
          %swap3A_992 = arith.index_cast %add3A_991 : i32 to index
          %swap3A_993 = tpu.vector_load %arg13[%swap3A_992] {strides = array<i32>} : memref<512xf32, #tpu.memory_space<vmem>>, vector<16xf32>,
          tpu.vector_store %arg13[%swap3A_992], %add3A_814 {strides = array<i32>} : memref<512xf32, #tpu.memory_space<vmem>>, vector<16xf32>,
          %add3A_994 = arith.constant 128 : i32
          %add3A_995 = arith.addi %multiple_of3A_969, %add3A_994 : i32
          %add3A_996 = arith.constant 32 : i32
          %add3A_997 = arith.addi %add3A_995, %add3A_996 : i32
          %swap3A_998 = arith.index_cast %add3A_997 : i32 to index
          %swap3A_999 = tpu.vector_load %arg13[%swap3A_998] {strides = array<i32>} : memref<512xf32, #tpu.memory_space<vmem>>, vector<16xf32>,
          tpu.vector_store %arg13[%swap3A_998], %max3A_827 {strides = array<i32>} : memref<512xf32, #tpu.memory_space<vmem>>, vector<16xf32>,
          %add3A_1000 = arith.constant 48 : i32
          %add3A_1001 = arith.addi %multiple_of3A_969, %add3A_1000 : i32
          %swap3A_1002 = arith.index_cast %add3A_1001 : i32 to index
          %swap3A_1003 = tpu.vector_load %arg13[%swap3A_1002] {strides = array<i32>} : memref<512xf32, #tpu.memory_space<vmem>>, vector<16xf32>,
          tpu.vector_store %arg13[%swap3A_1002], %add3A_816 {strides = array<i32>} : memref<512xf32, #tpu.memory_space<vmem>>, vector<16xf32>,
          %add3A_1004 = arith.constant 128 : i32
          %add3A_1005 = arith.addi %multiple_of3A_969, %add3A_1004 : i32
          %add3A_1006 = arith.constant 48 : i32
          %add3A_1007 = arith.addi %add3A_1005, %add3A_1006 : i32
          %swap3A_1008 = arith.index_cast %add3A_1007 : i32 to index
          %swap3A_1009 = tpu.vector_load %arg13[%swap3A_1008] {strides = array<i32>} : memref<512xf32, #tpu.memory_space<vmem>>, vector<16xf32>,
          tpu.vector_store %arg13[%swap3A_1008], %max3A_828 {strides = array<i32>} : memref<512xf32, #tpu.memory_space<vmem>>, vector<16xf32>,
          %add3A_1010 = arith.constant 64 : i32
          %add3A_1011 = arith.addi %multiple_of3A_969, %add3A_1010 : i32
          %swap3A_1012 = arith.index_cast %add3A_1011 : i32 to index
          %swap3A_1013 = tpu.vector_load %arg13[%swap3A_1012] {strides = array<i32>} : memref<512xf32, #tpu.memory_space<vmem>>, vector<16xf32>,
          tpu.vector_store %arg13[%swap3A_1012], %add3A_818 {strides = array<i32>} : memref<512xf32, #tpu.memory_space<vmem>>, vector<16xf32>,
          %add3A_1014 = arith.constant 128 : i32
          %add3A_1015 = arith.addi %multiple_of3A_969, %add3A_1014 : i32
          %add3A_1016 = arith.constant 64 : i32
          %add3A_1017 = arith.addi %add3A_1015, %add3A_1016 : i32
          %swap3A_1018 = arith.index_cast %add3A_1017 : i32 to index
          %swap3A_1019 = tpu.vector_load %arg13[%swap3A_1018] {strides = array<i32>} : memref<512xf32, #tpu.memory_space<vmem>>, vector<16xf32>,
          tpu.vector_store %arg13[%swap3A_1018], %max3A_829 {strides = array<i32>} : memref<512xf32, #tpu.memory_space<vmem>>, vector<16xf32>,
          %add3A_1020 = arith.constant 80 : i32
          %add3A_1021 = arith.addi %multiple_of3A_969, %add3A_1020 : i32
          %swap3A_1022 = arith.index_cast %add3A_1021 : i32 to index
          %swap3A_1023 = tpu.vector_load %arg13[%swap3A_1022] {strides = array<i32>} : memref<512xf32, #tpu.memory_space<vmem>>, vector<16xf32>,
          tpu.vector_store %arg13[%swap3A_1022], %add3A_820 {strides = array<i32>} : memref<512xf32, #tpu.memory_space<vmem>>, vector<16xf32>,
          %add3A_1024 = arith.constant 128 : i32
          %add3A_1025 = arith.addi %multiple_of3A_969, %add3A_1024 : i32
          %add3A_1026 = arith.constant 80 : i32
          %add3A_1027 = arith.addi %add3A_1025, %add3A_1026 : i32
          %swap3A_1028 = arith.index_cast %add3A_1027 : i32 to index
          %swap3A_1029 = tpu.vector_load %arg13[%swap3A_1028] {strides = array<i32>} : memref<512xf32, #tpu.memory_space<vmem>>, vector<16xf32>,
          tpu.vector_store %arg13[%swap3A_1028], %max3A_830 {strides = array<i32>} : memref<512xf32, #tpu.memory_space<vmem>>, vector<16xf32>,
          %add3A_1030 = arith.constant 96 : i32
          %add3A_1031 = arith.addi %multiple_of3A_969, %add3A_1030 : i32
          %swap3A_1032 = arith.index_cast %add3A_1031 : i32 to index
          %swap3A_1033 = tpu.vector_load %arg13[%swap3A_1032] {strides = array<i32>} : memref<512xf32, #tpu.memory_space<vmem>>, vector<16xf32>,
          tpu.vector_store %arg13[%swap3A_1032], %add3A_822 {strides = array<i32>} : memref<512xf32, #tpu.memory_space<vmem>>, vector<16xf32>,
          %add3A_1034 = arith.constant 128 : i32
          %add3A_1035 = arith.addi %multiple_of3A_969, %add3A_1034 : i32
          %add3A_1036 = arith.constant 96 : i32
          %add3A_1037 = arith.addi %add3A_1035, %add3A_1036 : i32
          %swap3A_1038 = arith.index_cast %add3A_1037 : i32 to index
          %swap3A_1039 = tpu.vector_load %arg13[%swap3A_1038] {strides = array<i32>} : memref<512xf32, #tpu.memory_space<vmem>>, vector<16xf32>,
          tpu.vector_store %arg13[%swap3A_1038], %max3A_831 {strides = array<i32>} : memref<512xf32, #tpu.memory_space<vmem>>, vector<16xf32>,
          %add3A_1040 = arith.constant 112 : i32
          %add3A_1041 = arith.addi %multiple_of3A_969, %add3A_1040 : i32
          %swap3A_1042 = arith.index_cast %add3A_1041 : i32 to index
          %swap3A_1043 = tpu.vector_load %arg13[%swap3A_1042] {strides = array<i32>} : memref<512xf32, #tpu.memory_space<vmem>>, vector<16xf32>,
          tpu.vector_store %arg13[%swap3A_1042], %add3A_824 {strides = array<i32>} : memref<512xf32, #tpu.memory_space<vmem>>, vector<16xf32>,
          %add3A_1044 = arith.constant 128 : i32
          %add3A_1045 = arith.addi %multiple_of3A_969, %add3A_1044 : i32
          %add3A_1046 = arith.constant 112 : i32
          %add3A_1047 = arith.addi %add3A_1045, %add3A_1046 : i32
          %swap3A_1048 = arith.index_cast %add3A_1047 : i32 to index
          %swap3A_1049 = tpu.vector_load %arg13[%swap3A_1048] {strides = array<i32>} : memref<512xf32, #tpu.memory_space<vmem>>, vector<16xf32>,
          tpu.vector_store %arg13[%swap3A_1048], %max3A_832 {strides = array<i32>} : memref<512xf32, #tpu.memory_space<vmem>>, vector<16xf32>,
          %dma_start3A_1050 = tpu.memref_slice %arg13[%multiple_of3A_969] : memref<512xf32, #tpu.memory_space<vmem>> -> memref<256xf32, #tpu.memory_space<vmem>>
          %dma_start3A_1051 = arith.constant 0 : i32
          %dma_start3A_1052 = tpu.memref_slice %arg7[%squeeze3A_802, %dma_start3A_1051] : memref<512x256xf32, #tpu.memory_space<hbm>> -> memref<1x256xf32, #tpu.memory_space<hbm>>
          %dma_start3A_1053 = tpu.memref_squeeze %dma_start3A_1052 : memref<1x256xf32, #tpu.memory_space<hbm>> -> memref<256xf32, #tpu.memory_space<hbm>>
          %dma_start3A_1054 = arith.constant 0 : i32
          %dma_start3A_1055 = tpu.memref_slice %arg7[%squeeze3A_802, %dma_start3A_1054] : memref<512x256xf32, #tpu.memory_space<hbm>> -> memref<1x256xf32, #tpu.memory_space<hbm>>
          %dma_start3A_1056 = tpu.memref_squeeze %dma_start3A_1055 : memref<1x256xf32, #tpu.memory_space<hbm>> -> memref<256xf32, #tpu.memory_space<hbm>>
          %dma_start3A_1057 = tpu.memref_slice %arg13[%multiple_of3A_969] : memref<512xf32, #tpu.memory_space<vmem>> -> memref<256xf32, #tpu.memory_space<vmem>>
          tpu.enqueue_dma source(%dma_start3A_1057 : memref<256xf32, #tpu.memory_space<vmem>>) target(%dma_start3A_1056 : memref<256xf32, #tpu.memory_space<hbm>>) target_semaphore(%arg16 : memref<!tpu.dma_semaphore, #tpu.memory_space<semaphore_mem>>)
        } else {
        }
        %convert_element_type3A_926 = arith.extui %or3A : i1 to i32
        %add3A_927 = arith.addi %while3A_771, %convert_element_type3A_926 : i32
        %select_n3A_928 = arith.select %or3A, %broadcast_in_dim3A_26, %add3A_810 : vector<16xf32>
        %select_n3A_929 = arith.select %or3A, %broadcast_in_dim3A_26, %add3A_812 : vector<16xf32>
        %select_n3A_930 = arith.select %or3A, %broadcast_in_dim3A_26, %add3A_814 : vector<16xf32>
        %select_n3A_931 = arith.select %or3A, %broadcast_in_dim3A_26, %add3A_816 : vector<16xf32>
        %select_n3A_932 = arith.select %or3A, %broadcast_in_dim3A_26, %add3A_818 : vector<16xf32>
        %select_n3A_933 = arith.select %or3A, %broadcast_in_dim3A_26, %add3A_820 : vector<16xf32>
        %select_n3A_934 = arith.select %or3A, %broadcast_in_dim3A_26, %add3A_822 : vector<16xf32>
        %select_n3A_935 = arith.select %or3A, %broadcast_in_dim3A_26, %add3A_824 : vector<16xf32>
        %select_n3A_936 = arith.select %or3A, %broadcast_in_dim3A_28, %max3A_825 : vector<16xf32>
        %select_n3A_937 = arith.select %or3A, %broadcast_in_dim3A_28, %max3A_826 : vector<16xf32>
        %select_n3A_938 = arith.select %or3A, %broadcast_in_dim3A_28, %max3A_827 : vector<16xf32>
        %select_n3A_939 = arith.select %or3A, %broadcast_in_dim3A_28, %max3A_828 : vector<16xf32>
        %select_n3A_940 = arith.select %or3A, %broadcast_in_dim3A_28, %max3A_829 : vector<16xf32>
        %select_n3A_941 = arith.select %or3A, %broadcast_in_dim3A_28, %max3A_830 : vector<16xf32>
        %select_n3A_942 = arith.select %or3A, %broadcast_in_dim3A_28, %max3A_831 : vector<16xf32>
        %select_n3A_943 = arith.select %or3A, %broadcast_in_dim3A_28, %max3A_832 : vector<16xf32>
        scf.yield %add3A_927, %div3A_922, %get3A_842, %get3A_849, %get3A_856, %get3A_863, %get3A_870, %get3A_877, %get3A_884, %get3A_891, %select_n3A_928, %select_n3A_929, %select_n3A_930, %select_n3A_931, %select_n3A_932, %select_n3A_933, %select_n3A_934, %select_n3A_935, %select_n3A_936, %select_n3A_937, %select_n3A_938, %select_n3A_939, %select_n3A_940, %select_n3A_941, %select_n3A_942, %select_n3A_943 : i32, vector<16xf32>, vector<16xf32>, vector<16xf32>, vector<16xf32>, vector<16xf32>, vector<16xf32>, vector<16xf32>, vector<16xf32>, vector<16xf32>, vector<16xf32>, vector<16xf32>, vector<16xf32>, vector<16xf32>, vector<16xf32>, vector<16xf32>, vector<16xf32>, vector<16xf32>, vector<16xf32>, vector<16xf32>, vector<16xf32>, vector<16xf32>, vector<16xf32>, vector<16xf32>, vector<16xf32>, vector<16xf32>
      }
      %while3A_768 = arith.constant 1 : i32
      %while3A_769:26 = scf.for %while3A_770 = %while3A_765 to %while3A_761 step %while3A_768 iter_args(%while3A_771 = %while3A_767#0, %while3A_772 = %while3A_767#1, %while3A_773 = %while3A_767#2, %while3A_774 = %while3A_767#3, %while3A_775 = %while3A_767#4, %while3A_776 = %while3A_767#5, %while3A_777 = %while3A_767#6, %while3A_778 = %while3A_767#7, %while3A_779 = %while3A_767#8, %while3A_780 = %while3A_767#9, %while3A_781 = %while3A_767#10, %while3A_782 = %while3A_767#11, %while3A_783 = %while3A_767#12, %while3A_784 = %while3A_767#13, %while3A_785 = %while3A_767#14, %while3A_786 = %while3A_767#15, %while3A_787 = %while3A_767#16, %while3A_788 = %while3A_767#17, %while3A_789 = %while3A_767#18, %while3A_790 = %while3A_767#19, %while3A_791 = %while3A_767#20, %while3A_792 = %while3A_767#21, %while3A_793 = %while3A_767#22, %while3A_794 = %while3A_767#23, %while3A_795 = %while3A_767#24, %while3A_796 = %while3A_767#25) -> (i32, vector<16xf32>, vector<16xf32>, vector<16xf32>, vector<16xf32>, vector<16xf32>, vector<16xf32>, vector<16xf32>, vector<16xf32>, vector<16xf32>, vector<16xf32>, vector<16xf32>, vector<16xf32>, vector<16xf32>, vector<16xf32>, vector<16xf32>, vector<16xf32>, vector<16xf32>, vector<16xf32>, vector<16xf32>, vector<16xf32>, vector<16xf32>, vector<16xf32>, vector<16xf32>, vector<16xf32>, vector<16xf32>)  : i32 {
        %add3A_797 = arith.addi %mul3A_674, %while3A_770 : i32
        %sub3A_798 = arith.subi %add3A_797, %multiple_of3A_574 : i32
        %get3A_799 = arith.index_cast %sub3A_798 : i32 to index
        %get3A_800 = tpu.vector_load %arg9[%get3A_799] {strides = array<i32>} : memref<704xi32, #tpu.memory_space<vmem>>, vector<16xi32>,
        %slice3A_801 = vector.extract_strided_slice %get3A_800 {offsets = [0], sizes = [1], strides = [1]} : vector<16xi32> to vector<1xi32>
        %squeeze3A_802 = vector.extract %slice3A_801[0] : i32 from vector<1xi32>
        %slice3A_803 = vector.extract_strided_slice %get3A_800 {offsets = [1], sizes = [1], strides = [1]} : vector<16xi32> to vector<1xi32>
        %squeeze3A_804 = vector.extract %slice3A_803[0] : i32 from vector<1xi32>
        %ne3A_805 = arith.cmpi ne, %squeeze3A_804, %squeeze3A_802 : i32
        %sub3A_806 = arith.constant 1 : i32
        %sub3A_807 = arith.subi %squeeze3A_25, %sub3A_806 : i32
        %eq3A_808 = arith.cmpi eq, %while3A_770, %sub3A_807 : i32
        %or3A = arith.ori %ne3A_805, %eq3A_808 : i1
        %mul3A_809 = arith.mulf %while3A_772, %while3A_773 : vector<16xf32>
        %add3A_810 = arith.addf %while3A_781, %mul3A_809 : vector<16xf32>
        %mul3A_811 = arith.mulf %while3A_772, %while3A_774 : vector<16xf32>
        %add3A_812 = arith.addf %while3A_782, %mul3A_811 : vector<16xf32>
        %mul3A_813 = arith.mulf %while3A_772, %while3A_775 : vector<16xf32>
        %add3A_814 = arith.addf %while3A_783, %mul3A_813 : vector<16xf32>
        %mul3A_815 = arith.mulf %while3A_772, %while3A_776 : vector<16xf32>
        %add3A_816 = arith.addf %while3A_784, %mul3A_815 : vector<16xf32>
        %mul3A_817 = arith.mulf %while3A_772, %while3A_777 : vector<16xf32>
        %add3A_818 = arith.addf %while3A_785, %mul3A_817 : vector<16xf32>
        %mul3A_819 = arith.mulf %while3A_772, %while3A_778 : vector<16xf32>
        %add3A_820 = arith.addf %while3A_786, %mul3A_819 : vector<16xf32>
        %mul3A_821 = arith.mulf %while3A_772, %while3A_779 : vector<16xf32>
        %add3A_822 = arith.addf %while3A_787, %mul3A_821 : vector<16xf32>
        %mul3A_823 = arith.mulf %while3A_772, %while3A_780 : vector<16xf32>
        %add3A_824 = arith.addf %while3A_788, %mul3A_823 : vector<16xf32>
        %max3A_825 = arith.maximumf %while3A_789, %while3A_773 : vector<16xf32>
        %max3A_826 = arith.maximumf %while3A_790, %while3A_774 : vector<16xf32>
        %max3A_827 = arith.maximumf %while3A_791, %while3A_775 : vector<16xf32>
        %max3A_828 = arith.maximumf %while3A_792, %while3A_776 : vector<16xf32>
        %max3A_829 = arith.maximumf %while3A_793, %while3A_777 : vector<16xf32>
        %max3A_830 = arith.maximumf %while3A_794, %while3A_778 : vector<16xf32>
        %max3A_831 = arith.maximumf %while3A_795, %while3A_779 : vector<16xf32>
        %max3A_832 = arith.maximumf %while3A_796, %while3A_780 : vector<16xf32>
        %add3A_833 = arith.constant 1 : i32
        %add3A_834 = arith.addi %while3A_770, %add3A_833 : i32
        %sub3A_835 = arith.subi %add3A_834, %multiple_of3A_568 : i32
        %get3A_836 = arith.constant 0 : i32
        %get3A_837 = arith.constant 0 : i32
        %get3A_838 = tpu.memref_slice %arg8[%select_n3A_656, %get3A_836, %get3A_837] : memref<2x264x128xf32, #tpu.memory_space<vmem>> -> memref<1x264x128xf32, #tpu.memory_space<vmem>>
        %get3A_839 = tpu.memref_squeeze %get3A_838 : memref<1x264x128xf32, #tpu.memory_space<vmem>> -> memref<264x128xf32, #tpu.memory_space<vmem>>
        %get3A_840 = arith.index_cast %sub3A_835 : i32 to index
        %get3A_841 = arith.constant 0 : index
        %get3A_842 = tpu.vector_load %get3A_839[%get3A_840, %get3A_841] {strides = array<i32>} : memref<264x128xf32, #tpu.memory_space<vmem>>, vector<16xf32>,
        %get3A_843 = arith.constant 0 : i32
        %get3A_844 = arith.constant 0 : i32
        %get3A_845 = tpu.memref_slice %arg8[%select_n3A_656, %get3A_843, %get3A_844] : memref<2x264x128xf32, #tpu.memory_space<vmem>> -> memref<1x264x128xf32, #tpu.memory_space<vmem>>
        %get3A_846 = tpu.memref_squeeze %get3A_845 : memref<1x264x128xf32, #tpu.memory_space<vmem>> -> memref<264x128xf32, #tpu.memory_space<vmem>>
        %get3A_847 = arith.index_cast %sub3A_835 : i32 to index
        %get3A_848 = arith.constant 16 : index
        %get3A_849 = tpu.vector_load %get3A_846[%get3A_847, %get3A_848] {strides = array<i32>} : memref<264x128xf32, #tpu.memory_space<vmem>>, vector<16xf32>,
        %get3A_850 = arith.constant 0 : i32
        %get3A_851 = arith.constant 0 : i32
        %get3A_852 = tpu.memref_slice %arg8[%select_n3A_656, %get3A_850, %get3A_851] : memref<2x264x128xf32, #tpu.memory_space<vmem>> -> memref<1x264x128xf32, #tpu.memory_space<vmem>>
        %get3A_853 = tpu.memref_squeeze %get3A_852 : memref<1x264x128xf32, #tpu.memory_space<vmem>> -> memref<264x128xf32, #tpu.memory_space<vmem>>
        %get3A_854 = arith.index_cast %sub3A_835 : i32 to index
        %get3A_855 = arith.constant 32 : index
        %get3A_856 = tpu.vector_load %get3A_853[%get3A_854, %get3A_855] {strides = array<i32>} : memref<264x128xf32, #tpu.memory_space<vmem>>, vector<16xf32>,
        %get3A_857 = arith.constant 0 : i32
        %get3A_858 = arith.constant 0 : i32
        %get3A_859 = tpu.memref_slice %arg8[%select_n3A_656, %get3A_857, %get3A_858] : memref<2x264x128xf32, #tpu.memory_space<vmem>> -> memref<1x264x128xf32, #tpu.memory_space<vmem>>
        %get3A_860 = tpu.memref_squeeze %get3A_859 : memref<1x264x128xf32, #tpu.memory_space<vmem>> -> memref<264x128xf32, #tpu.memory_space<vmem>>
        %get3A_861 = arith.index_cast %sub3A_835 : i32 to index
        %get3A_862 = arith.constant 48 : index
        %get3A_863 = tpu.vector_load %get3A_860[%get3A_861, %get3A_862] {strides = array<i32>} : memref<264x128xf32, #tpu.memory_space<vmem>>, vector<16xf32>,
        %get3A_864 = arith.constant 0 : i32
        %get3A_865 = arith.constant 0 : i32
        %get3A_866 = tpu.memref_slice %arg8[%select_n3A_656, %get3A_864, %get3A_865] : memref<2x264x128xf32, #tpu.memory_space<vmem>> -> memref<1x264x128xf32, #tpu.memory_space<vmem>>
        %get3A_867 = tpu.memref_squeeze %get3A_866 : memref<1x264x128xf32, #tpu.memory_space<vmem>> -> memref<264x128xf32, #tpu.memory_space<vmem>>
        %get3A_868 = arith.index_cast %sub3A_835 : i32 to index
        %get3A_869 = arith.constant 64 : index
        %get3A_870 = tpu.vector_load %get3A_867[%get3A_868, %get3A_869] {strides = array<i32>} : memref<264x128xf32, #tpu.memory_space<vmem>>, vector<16xf32>,
        %get3A_871 = arith.constant 0 : i32
        %get3A_872 = arith.constant 0 : i32
        %get3A_873 = tpu.memref_slice %arg8[%select_n3A_656, %get3A_871, %get3A_872] : memref<2x264x128xf32, #tpu.memory_space<vmem>> -> memref<1x264x128xf32, #tpu.memory_space<vmem>>
        %get3A_874 = tpu.memref_squeeze %get3A_873 : memref<1x264x128xf32, #tpu.memory_space<vmem>> -> memref<264x128xf32, #tpu.memory_space<vmem>>
        %get3A_875 = arith.index_cast %sub3A_835 : i32 to index
        %get3A_876 = arith.constant 80 : index
        %get3A_877 = tpu.vector_load %get3A_874[%get3A_875, %get3A_876] {strides = array<i32>} : memref<264x128xf32, #tpu.memory_space<vmem>>, vector<16xf32>,
        %get3A_878 = arith.constant 0 : i32
        %get3A_879 = arith.constant 0 : i32
        %get3A_880 = tpu.memref_slice %arg8[%select_n3A_656, %get3A_878, %get3A_879] : memref<2x264x128xf32, #tpu.memory_space<vmem>> -> memref<1x264x128xf32, #tpu.memory_space<vmem>>
        %get3A_881 = tpu.memref_squeeze %get3A_880 : memref<1x264x128xf32, #tpu.memory_space<vmem>> -> memref<264x128xf32, #tpu.memory_space<vmem>>
        %get3A_882 = arith.index_cast %sub3A_835 : i32 to index
        %get3A_883 = arith.constant 96 : index
        %get3A_884 = tpu.vector_load %get3A_881[%get3A_882, %get3A_883] {strides = array<i32>} : memref<264x128xf32, #tpu.memory_space<vmem>>, vector<16xf32>,
        %get3A_885 = arith.constant 0 : i32
        %get3A_886 = arith.constant 0 : i32
        %get3A_887 = tpu.memref_slice %arg8[%select_n3A_656, %get3A_885, %get3A_886] : memref<2x264x128xf32, #tpu.memory_space<vmem>> -> memref<1x264x128xf32, #tpu.memory_space<vmem>>
        %get3A_888 = tpu.memref_squeeze %get3A_887 : memref<1x264x128xf32, #tpu.memory_space<vmem>> -> memref<264x128xf32, #tpu.memory_space<vmem>>
        %get3A_889 = arith.index_cast %sub3A_835 : i32 to index
        %get3A_890 = arith.constant 112 : index
        %get3A_891 = tpu.vector_load %get3A_888[%get3A_889, %get3A_890] {strides = array<i32>} : memref<264x128xf32, #tpu.memory_space<vmem>>, vector<16xf32>,
        %mul3A_892 = arith.mulf %get3A_842, %get3A_5 : vector<16xf32>
        %mul3A_893 = arith.mulf %get3A_849, %get3A_7 : vector<16xf32>
        %add3A_894 = arith.addf %mul3A_892, %mul3A_893 : vector<16xf32>
        %mul3A_895 = arith.mulf %get3A_856, %get3A_9 : vector<16xf32>
        %add3A_896 = arith.addf %add3A_894, %mul3A_895 : vector<16xf32>
        %mul3A_897 = arith.mulf %get3A_863, %get3A_11 : vector<16xf32>
        %add3A_898 = arith.addf %add3A_896, %mul3A_897 : vector<16xf32>
        %mul3A_899 = arith.mulf %get3A_870, %get3A_13 : vector<16xf32>
        %add3A_900 = arith.addf %add3A_898, %mul3A_899 : vector<16xf32>
        %mul3A_901 = arith.mulf %get3A_877, %get3A_15 : vector<16xf32>
        %add3A_902 = arith.addf %add3A_900, %mul3A_901 : vector<16xf32>
        %mul3A_903 = arith.mulf %get3A_884, %get3A_17 : vector<16xf32>
        %add3A_904 = arith.addf %add3A_902, %mul3A_903 : vector<16xf32>
        %mul3A_905 = arith.mulf %get3A_891, %get3A_19 : vector<16xf32>
        %add3A_906 = arith.addf %add3A_904, %mul3A_905 : vector<16xf32>
        %reduce_sum3A_907 = arith.constant true
        %reduce_sum3A_908 = vector.broadcast %reduce_sum3A_907 : i1 to vector<16xi1>
        %reduce_sum3A_909 = tpu.scan <sum>, %add3A_906 masked %reduce_sum3A_908 : vector<16xf32>, vector<16xi1> -> vector<16xf32>
        %reduce_sum3A_910 = vector.extract %reduce_sum3A_909[15] : f32 from vector<16xf32>
        %broadcast_in_dim3A_911 = vector.broadcast %reduce_sum3A_910 : f32 to vector<16xf32>
        %add3A_912 = arith.addf %broadcast_in_dim3A_911, %get3A_3 : vector<16xf32>
        %neg3A_913 = arith.constant 0.000000e+00 : f32
        %neg3A_914 = vector.broadcast %neg3A_913 : f32 to vector<16xf32>
        %neg3A_915 = arith.subf %neg3A_914, %add3A_912 : vector<16xf32>
        %exp3A_916 = math.exp %neg3A_915 : vector<16xf32>
        %add3A_917 = arith.constant 1.000000e+00 : f32
        %add3A_918 = vector.broadcast %add3A_917 : f32 to vector<16xf32>
        %add3A_919 = arith.addf %add3A_918, %exp3A_916 : vector<16xf32>
        %div3A_920 = arith.constant 1.000000e+00 : f32
        %div3A_921 = vector.broadcast %div3A_920 : f32 to vector<16xf32>
        %div3A_922 = arith.divf %div3A_921, %add3A_919 : vector<16xf32>
        %convert_element_type3A_923 = arith.extui %or3A : i1 to i32
        %cond3A_924 = arith.constant 0 : i32
        %cond3A_925 = arith.cmpi ne, %convert_element_type3A_923, %cond3A_924 : i32
        scf.if %cond3A_925 {
          %ge3A_944 = arith.constant 2 : i32
          %ge3A_945 = arith.cmpi sge, %while3A_771, %ge3A_944 : i32
          %convert_element_type3A_946 = arith.extui %ge3A_945 : i1 to i32
          %cond3A_947 = arith.constant 0 : i32
          %cond3A_948 = arith.cmpi ne, %convert_element_type3A_946, %cond3A_947 : i32
          scf.if %cond3A_948 {
            %dma_wait3A_1058 = arith.constant 0 : i32
            %dma_wait3A_1059 = tpu.memref_slice %arg13[%dma_wait3A_1058] : memref<512xf32, #tpu.memory_space<vmem>> -> memref<256xf32, #tpu.memory_space<vmem>>
            %dma_wait3A_1060 = arith.constant 0 : i32
            %dma_wait3A_1061 = tpu.memref_slice %arg7[%mul3A_2, %dma_wait3A_1060] : memref<512x256xf32, #tpu.memory_space<hbm>> -> memref<1x256xf32, #tpu.memory_space<hbm>>
            %dma_wait3A_1062 = tpu.memref_squeeze %dma_wait3A_1061 : memref<1x256xf32, #tpu.memory_space<hbm>> -> memref<256xf32, #tpu.memory_space<hbm>>
            %dma_wait3A_1063 = arith.constant 0 : i32
            %dma_wait3A_1064 = tpu.memref_slice %arg7[%mul3A_2, %dma_wait3A_1063] : memref<512x256xf32, #tpu.memory_space<hbm>> -> memref<1x256xf32, #tpu.memory_space<hbm>>
            %dma_wait3A_1065 = tpu.memref_squeeze %dma_wait3A_1064 : memref<1x256xf32, #tpu.memory_space<hbm>> -> memref<256xf32, #tpu.memory_space<hbm>>
            %dma_wait3A_1066 = arith.constant 0 : i32
            %dma_wait3A_1067 = tpu.memref_slice %arg13[%dma_wait3A_1066] : memref<512xf32, #tpu.memory_space<vmem>> -> memref<256xf32, #tpu.memory_space<vmem>>
            tpu.wait_dma2 semaphore(%arg16 : memref<!tpu.dma_semaphore, #tpu.memory_space<semaphore_mem>>) src(%dma_wait3A_1067 : memref<256xf32, #tpu.memory_space<vmem>>) dst(%dma_wait3A_1065 : memref<256xf32, #tpu.memory_space<hbm>>)
          } else {
          }
          %jit3A_949 = arith.constant 2 : i32
          %eq3A_950 = arith.constant 0 : i32
          %eq3A_951 = arith.cmpi eq, %jit3A_949, %eq3A_950 : i32
          %jit3A_952 = arith.constant 1 : i32
          %select_n3A_953 = arith.select %eq3A_951, %jit3A_952, %jit3A_949 : i32
          %rem3A_954 = arith.remsi %while3A_771, %select_n3A_953 : i32
          %ne3A_955 = arith.constant 0 : i32
          %ne3A_956 = arith.cmpi ne, %rem3A_954, %ne3A_955 : i32
          %lt3A_957 = arith.constant 0 : i32
          %lt3A_958 = arith.cmpi slt, %rem3A_954, %lt3A_957 : i32
          %lt3A_959 = arith.constant 0 : i32
          %lt3A_960 = arith.cmpi slt, %select_n3A_953, %lt3A_959 : i32
          %ne3A_961 = arith.xori %lt3A_958, %lt3A_960 : i1
          %and3A_962 = arith.andi %ne3A_961, %ne3A_956 : i1
          %add3A_963 = arith.addi %rem3A_954, %select_n3A_953 : i32
          %select_n3A_964 = arith.select %and3A_962, %add3A_963, %rem3A_954 : i32
          %mul3A_965 = arith.constant 2 : i32
          %mul3A_966 = arith.muli %select_n3A_964, %mul3A_965 : i32
          %mul3A_967 = arith.constant 128 : i32
          %mul3A_968 = arith.muli %mul3A_966, %mul3A_967 : i32
          %multiple_of3A_969 = tpu.assume_multiple %mul3A_968, 8 : i32
          %add3A_970 = arith.constant 0 : i32
          %add3A_971 = arith.addi %multiple_of3A_969, %add3A_970 : i32
          %swap3A_972 = arith.index_cast %add3A_971 : i32 to index
          %swap3A_973 = tpu.vector_load %arg13[%swap3A_972] {strides = array<i32>} : memref<512xf32, #tpu.memory_space<vmem>>, vector<16xf32>,
          tpu.vector_store %arg13[%swap3A_972], %add3A_810 {strides = array<i32>} : memref<512xf32, #tpu.memory_space<vmem>>, vector<16xf32>,
          %add3A_974 = arith.constant 128 : i32
          %add3A_975 = arith.addi %multiple_of3A_969, %add3A_974 : i32
          %add3A_976 = arith.constant 0 : i32
          %add3A_977 = arith.addi %add3A_975, %add3A_976 : i32
          %swap3A_978 = arith.index_cast %add3A_977 : i32 to index
          %swap3A_979 = tpu.vector_load %arg13[%swap3A_978] {strides = array<i32>} : memref<512xf32, #tpu.memory_space<vmem>>, vector<16xf32>,
          tpu.vector_store %arg13[%swap3A_978], %max3A_825 {strides = array<i32>} : memref<512xf32, #tpu.memory_space<vmem>>, vector<16xf32>,
          %add3A_980 = arith.constant 16 : i32
          %add3A_981 = arith.addi %multiple_of3A_969, %add3A_980 : i32
          %swap3A_982 = arith.index_cast %add3A_981 : i32 to index
          %swap3A_983 = tpu.vector_load %arg13[%swap3A_982] {strides = array<i32>} : memref<512xf32, #tpu.memory_space<vmem>>, vector<16xf32>,
          tpu.vector_store %arg13[%swap3A_982], %add3A_812 {strides = array<i32>} : memref<512xf32, #tpu.memory_space<vmem>>, vector<16xf32>,
          %add3A_984 = arith.constant 128 : i32
          %add3A_985 = arith.addi %multiple_of3A_969, %add3A_984 : i32
          %add3A_986 = arith.constant 16 : i32
          %add3A_987 = arith.addi %add3A_985, %add3A_986 : i32
          %swap3A_988 = arith.index_cast %add3A_987 : i32 to index
          %swap3A_989 = tpu.vector_load %arg13[%swap3A_988] {strides = array<i32>} : memref<512xf32, #tpu.memory_space<vmem>>, vector<16xf32>,
          tpu.vector_store %arg13[%swap3A_988], %max3A_826 {strides = array<i32>} : memref<512xf32, #tpu.memory_space<vmem>>, vector<16xf32>,
          %add3A_990 = arith.constant 32 : i32
          %add3A_991 = arith.addi %multiple_of3A_969, %add3A_990 : i32
          %swap3A_992 = arith.index_cast %add3A_991 : i32 to index
          %swap3A_993 = tpu.vector_load %arg13[%swap3A_992] {strides = array<i32>} : memref<512xf32, #tpu.memory_space<vmem>>, vector<16xf32>,
          tpu.vector_store %arg13[%swap3A_992], %add3A_814 {strides = array<i32>} : memref<512xf32, #tpu.memory_space<vmem>>, vector<16xf32>,
          %add3A_994 = arith.constant 128 : i32
          %add3A_995 = arith.addi %multiple_of3A_969, %add3A_994 : i32
          %add3A_996 = arith.constant 32 : i32
          %add3A_997 = arith.addi %add3A_995, %add3A_996 : i32
          %swap3A_998 = arith.index_cast %add3A_997 : i32 to index
          %swap3A_999 = tpu.vector_load %arg13[%swap3A_998] {strides = array<i32>} : memref<512xf32, #tpu.memory_space<vmem>>, vector<16xf32>,
          tpu.vector_store %arg13[%swap3A_998], %max3A_827 {strides = array<i32>} : memref<512xf32, #tpu.memory_space<vmem>>, vector<16xf32>,
          %add3A_1000 = arith.constant 48 : i32
          %add3A_1001 = arith.addi %multiple_of3A_969, %add3A_1000 : i32
          %swap3A_1002 = arith.index_cast %add3A_1001 : i32 to index
          %swap3A_1003 = tpu.vector_load %arg13[%swap3A_1002] {strides = array<i32>} : memref<512xf32, #tpu.memory_space<vmem>>, vector<16xf32>,
          tpu.vector_store %arg13[%swap3A_1002], %add3A_816 {strides = array<i32>} : memref<512xf32, #tpu.memory_space<vmem>>, vector<16xf32>,
          %add3A_1004 = arith.constant 128 : i32
          %add3A_1005 = arith.addi %multiple_of3A_969, %add3A_1004 : i32
          %add3A_1006 = arith.constant 48 : i32
          %add3A_1007 = arith.addi %add3A_1005, %add3A_1006 : i32
          %swap3A_1008 = arith.index_cast %add3A_1007 : i32 to index
          %swap3A_1009 = tpu.vector_load %arg13[%swap3A_1008] {strides = array<i32>} : memref<512xf32, #tpu.memory_space<vmem>>, vector<16xf32>,
          tpu.vector_store %arg13[%swap3A_1008], %max3A_828 {strides = array<i32>} : memref<512xf32, #tpu.memory_space<vmem>>, vector<16xf32>,
          %add3A_1010 = arith.constant 64 : i32
          %add3A_1011 = arith.addi %multiple_of3A_969, %add3A_1010 : i32
          %swap3A_1012 = arith.index_cast %add3A_1011 : i32 to index
          %swap3A_1013 = tpu.vector_load %arg13[%swap3A_1012] {strides = array<i32>} : memref<512xf32, #tpu.memory_space<vmem>>, vector<16xf32>,
          tpu.vector_store %arg13[%swap3A_1012], %add3A_818 {strides = array<i32>} : memref<512xf32, #tpu.memory_space<vmem>>, vector<16xf32>,
          %add3A_1014 = arith.constant 128 : i32
          %add3A_1015 = arith.addi %multiple_of3A_969, %add3A_1014 : i32
          %add3A_1016 = arith.constant 64 : i32
          %add3A_1017 = arith.addi %add3A_1015, %add3A_1016 : i32
          %swap3A_1018 = arith.index_cast %add3A_1017 : i32 to index
          %swap3A_1019 = tpu.vector_load %arg13[%swap3A_1018] {strides = array<i32>} : memref<512xf32, #tpu.memory_space<vmem>>, vector<16xf32>,
          tpu.vector_store %arg13[%swap3A_1018], %max3A_829 {strides = array<i32>} : memref<512xf32, #tpu.memory_space<vmem>>, vector<16xf32>,
          %add3A_1020 = arith.constant 80 : i32
          %add3A_1021 = arith.addi %multiple_of3A_969, %add3A_1020 : i32
          %swap3A_1022 = arith.index_cast %add3A_1021 : i32 to index
          %swap3A_1023 = tpu.vector_load %arg13[%swap3A_1022] {strides = array<i32>} : memref<512xf32, #tpu.memory_space<vmem>>, vector<16xf32>,
          tpu.vector_store %arg13[%swap3A_1022], %add3A_820 {strides = array<i32>} : memref<512xf32, #tpu.memory_space<vmem>>, vector<16xf32>,
          %add3A_1024 = arith.constant 128 : i32
          %add3A_1025 = arith.addi %multiple_of3A_969, %add3A_1024 : i32
          %add3A_1026 = arith.constant 80 : i32
          %add3A_1027 = arith.addi %add3A_1025, %add3A_1026 : i32
          %swap3A_1028 = arith.index_cast %add3A_1027 : i32 to index
          %swap3A_1029 = tpu.vector_load %arg13[%swap3A_1028] {strides = array<i32>} : memref<512xf32, #tpu.memory_space<vmem>>, vector<16xf32>,
          tpu.vector_store %arg13[%swap3A_1028], %max3A_830 {strides = array<i32>} : memref<512xf32, #tpu.memory_space<vmem>>, vector<16xf32>,
          %add3A_1030 = arith.constant 96 : i32
          %add3A_1031 = arith.addi %multiple_of3A_969, %add3A_1030 : i32
          %swap3A_1032 = arith.index_cast %add3A_1031 : i32 to index
          %swap3A_1033 = tpu.vector_load %arg13[%swap3A_1032] {strides = array<i32>} : memref<512xf32, #tpu.memory_space<vmem>>, vector<16xf32>,
          tpu.vector_store %arg13[%swap3A_1032], %add3A_822 {strides = array<i32>} : memref<512xf32, #tpu.memory_space<vmem>>, vector<16xf32>,
          %add3A_1034 = arith.constant 128 : i32
          %add3A_1035 = arith.addi %multiple_of3A_969, %add3A_1034 : i32
          %add3A_1036 = arith.constant 96 : i32
          %add3A_1037 = arith.addi %add3A_1035, %add3A_1036 : i32
          %swap3A_1038 = arith.index_cast %add3A_1037 : i32 to index
          %swap3A_1039 = tpu.vector_load %arg13[%swap3A_1038] {strides = array<i32>} : memref<512xf32, #tpu.memory_space<vmem>>, vector<16xf32>,
          tpu.vector_store %arg13[%swap3A_1038], %max3A_831 {strides = array<i32>} : memref<512xf32, #tpu.memory_space<vmem>>, vector<16xf32>,
          %add3A_1040 = arith.constant 112 : i32
          %add3A_1041 = arith.addi %multiple_of3A_969, %add3A_1040 : i32
          %swap3A_1042 = arith.index_cast %add3A_1041 : i32 to index
          %swap3A_1043 = tpu.vector_load %arg13[%swap3A_1042] {strides = array<i32>} : memref<512xf32, #tpu.memory_space<vmem>>, vector<16xf32>,
          tpu.vector_store %arg13[%swap3A_1042], %add3A_824 {strides = array<i32>} : memref<512xf32, #tpu.memory_space<vmem>>, vector<16xf32>,
          %add3A_1044 = arith.constant 128 : i32
          %add3A_1045 = arith.addi %multiple_of3A_969, %add3A_1044 : i32
          %add3A_1046 = arith.constant 112 : i32
          %add3A_1047 = arith.addi %add3A_1045, %add3A_1046 : i32
          %swap3A_1048 = arith.index_cast %add3A_1047 : i32 to index
          %swap3A_1049 = tpu.vector_load %arg13[%swap3A_1048] {strides = array<i32>} : memref<512xf32, #tpu.memory_space<vmem>>, vector<16xf32>,
          tpu.vector_store %arg13[%swap3A_1048], %max3A_832 {strides = array<i32>} : memref<512xf32, #tpu.memory_space<vmem>>, vector<16xf32>,
          %dma_start3A_1050 = tpu.memref_slice %arg13[%multiple_of3A_969] : memref<512xf32, #tpu.memory_space<vmem>> -> memref<256xf32, #tpu.memory_space<vmem>>
          %dma_start3A_1051 = arith.constant 0 : i32
          %dma_start3A_1052 = tpu.memref_slice %arg7[%squeeze3A_802, %dma_start3A_1051] : memref<512x256xf32, #tpu.memory_space<hbm>> -> memref<1x256xf32, #tpu.memory_space<hbm>>
          %dma_start3A_1053 = tpu.memref_squeeze %dma_start3A_1052 : memref<1x256xf32, #tpu.memory_space<hbm>> -> memref<256xf32, #tpu.memory_space<hbm>>
          %dma_start3A_1054 = arith.constant 0 : i32
          %dma_start3A_1055 = tpu.memref_slice %arg7[%squeeze3A_802, %dma_start3A_1054] : memref<512x256xf32, #tpu.memory_space<hbm>> -> memref<1x256xf32, #tpu.memory_space<hbm>>
          %dma_start3A_1056 = tpu.memref_squeeze %dma_start3A_1055 : memref<1x256xf32, #tpu.memory_space<hbm>> -> memref<256xf32, #tpu.memory_space<hbm>>
          %dma_start3A_1057 = tpu.memref_slice %arg13[%multiple_of3A_969] : memref<512xf32, #tpu.memory_space<vmem>> -> memref<256xf32, #tpu.memory_space<vmem>>
          tpu.enqueue_dma source(%dma_start3A_1057 : memref<256xf32, #tpu.memory_space<vmem>>) target(%dma_start3A_1056 : memref<256xf32, #tpu.memory_space<hbm>>) target_semaphore(%arg16 : memref<!tpu.dma_semaphore, #tpu.memory_space<semaphore_mem>>)
        } else {
        }
        %convert_element_type3A_926 = arith.extui %or3A : i1 to i32
        %add3A_927 = arith.addi %while3A_771, %convert_element_type3A_926 : i32
        %select_n3A_928 = arith.select %or3A, %broadcast_in_dim3A_26, %add3A_810 : vector<16xf32>
        %select_n3A_929 = arith.select %or3A, %broadcast_in_dim3A_26, %add3A_812 : vector<16xf32>
        %select_n3A_930 = arith.select %or3A, %broadcast_in_dim3A_26, %add3A_814 : vector<16xf32>
        %select_n3A_931 = arith.select %or3A, %broadcast_in_dim3A_26, %add3A_816 : vector<16xf32>
        %select_n3A_932 = arith.select %or3A, %broadcast_in_dim3A_26, %add3A_818 : vector<16xf32>
        %select_n3A_933 = arith.select %or3A, %broadcast_in_dim3A_26, %add3A_820 : vector<16xf32>
        %select_n3A_934 = arith.select %or3A, %broadcast_in_dim3A_26, %add3A_822 : vector<16xf32>
        %select_n3A_935 = arith.select %or3A, %broadcast_in_dim3A_26, %add3A_824 : vector<16xf32>
        %select_n3A_936 = arith.select %or3A, %broadcast_in_dim3A_28, %max3A_825 : vector<16xf32>
        %select_n3A_937 = arith.select %or3A, %broadcast_in_dim3A_28, %max3A_826 : vector<16xf32>
        %select_n3A_938 = arith.select %or3A, %broadcast_in_dim3A_28, %max3A_827 : vector<16xf32>
        %select_n3A_939 = arith.select %or3A, %broadcast_in_dim3A_28, %max3A_828 : vector<16xf32>
        %select_n3A_940 = arith.select %or3A, %broadcast_in_dim3A_28, %max3A_829 : vector<16xf32>
        %select_n3A_941 = arith.select %or3A, %broadcast_in_dim3A_28, %max3A_830 : vector<16xf32>
        %select_n3A_942 = arith.select %or3A, %broadcast_in_dim3A_28, %max3A_831 : vector<16xf32>
        %select_n3A_943 = arith.select %or3A, %broadcast_in_dim3A_28, %max3A_832 : vector<16xf32>
        scf.yield %add3A_927, %div3A_922, %get3A_842, %get3A_849, %get3A_856, %get3A_863, %get3A_870, %get3A_877, %get3A_884, %get3A_891, %select_n3A_928, %select_n3A_929, %select_n3A_930, %select_n3A_931, %select_n3A_932, %select_n3A_933, %select_n3A_934, %select_n3A_935, %select_n3A_936, %select_n3A_937, %select_n3A_938, %select_n3A_939, %select_n3A_940, %select_n3A_941, %select_n3A_942, %select_n3A_943 : i32, vector<16xf32>, vector<16xf32>, vector<16xf32>, vector<16xf32>, vector<16xf32>, vector<16xf32>, vector<16xf32>, vector<16xf32>, vector<16xf32>, vector<16xf32>, vector<16xf32>, vector<16xf32>, vector<16xf32>, vector<16xf32>, vector<16xf32>, vector<16xf32>, vector<16xf32>, vector<16xf32>, vector<16xf32>, vector<16xf32>, vector<16xf32>, vector<16xf32>, vector<16xf32>, vector<16xf32>, vector<16xf32>
      }
      scf.yield %while3A_769#0, %while3A_769#10, %while3A_769#11, %while3A_769#12, %while3A_769#13, %while3A_769#14, %while3A_769#15, %while3A_769#16, %while3A_769#17, %while3A_769#18, %while3A_769#19, %while3A_769#20, %while3A_769#21, %while3A_769#22, %while3A_769#23, %while3A_769#24, %while3A_769#25 : i32, vector<16xf32>, vector<16xf32>, vector<16xf32>, vector<16xf32>, vector<16xf32>, vector<16xf32>, vector<16xf32>, vector<16xf32>, vector<16xf32>, vector<16xf32>, vector<16xf32>, vector<16xf32>, vector<16xf32>, vector<16xf32>, vector<16xf32>, vector<16xf32>
    }
    %ge3A = arith.constant 2 : i32
    %ge3A_528 = arith.cmpi sge, %while3A_527#0, %ge3A : i32
    %convert_element_type3A = arith.extui %ge3A_528 : i1 to i32
    %cond3A = arith.constant 0 : i32
    %cond3A_529 = arith.cmpi ne, %convert_element_type3A, %cond3A : i32
    scf.if %cond3A_529 {
      %dma_wait3A_535 = arith.constant 0 : i32
      %dma_wait3A_536 = tpu.memref_slice %arg13[%dma_wait3A_535] : memref<512xf32, #tpu.memory_space<vmem>> -> memref<256xf32, #tpu.memory_space<vmem>>
      %dma_wait3A_537 = arith.constant 0 : i32
      %dma_wait3A_538 = tpu.memref_slice %arg7[%mul3A_2, %dma_wait3A_537] : memref<512x256xf32, #tpu.memory_space<hbm>> -> memref<1x256xf32, #tpu.memory_space<hbm>>
      %dma_wait3A_539 = tpu.memref_squeeze %dma_wait3A_538 : memref<1x256xf32, #tpu.memory_space<hbm>> -> memref<256xf32, #tpu.memory_space<hbm>>
      %dma_wait3A_540 = arith.constant 0 : i32
      %dma_wait3A_541 = tpu.memref_slice %arg7[%mul3A_2, %dma_wait3A_540] : memref<512x256xf32, #tpu.memory_space<hbm>> -> memref<1x256xf32, #tpu.memory_space<hbm>>
      %dma_wait3A_542 = tpu.memref_squeeze %dma_wait3A_541 : memref<1x256xf32, #tpu.memory_space<hbm>> -> memref<256xf32, #tpu.memory_space<hbm>>
      %dma_wait3A_543 = arith.constant 0 : i32
      %dma_wait3A_544 = tpu.memref_slice %arg13[%dma_wait3A_543] : memref<512xf32, #tpu.memory_space<vmem>> -> memref<256xf32, #tpu.memory_space<vmem>>
      tpu.wait_dma2 semaphore(%arg16 : memref<!tpu.dma_semaphore, #tpu.memory_space<semaphore_mem>>) src(%dma_wait3A_544 : memref<256xf32, #tpu.memory_space<vmem>>) dst(%dma_wait3A_542 : memref<256xf32, #tpu.memory_space<hbm>>)
    } else {
    }
    %ge3A_530 = arith.constant 1 : i32
    %ge3A_531 = arith.cmpi sge, %while3A_527#0, %ge3A_530 : i32
    %convert_element_type3A_532 = arith.extui %ge3A_531 : i1 to i32
    %cond3A_533 = arith.constant 0 : i32
    %cond3A_534 = arith.cmpi ne, %convert_element_type3A_532, %cond3A_533 : i32
    scf.if %cond3A_534 {
      %dma_wait3A_535 = arith.constant 0 : i32
      %dma_wait3A_536 = tpu.memref_slice %arg13[%dma_wait3A_535] : memref<512xf32, #tpu.memory_space<vmem>> -> memref<256xf32, #tpu.memory_space<vmem>>
      %dma_wait3A_537 = arith.constant 0 : i32
      %dma_wait3A_538 = tpu.memref_slice %arg7[%mul3A_2, %dma_wait3A_537] : memref<512x256xf32, #tpu.memory_space<hbm>> -> memref<1x256xf32, #tpu.memory_space<hbm>>
      %dma_wait3A_539 = tpu.memref_squeeze %dma_wait3A_538 : memref<1x256xf32, #tpu.memory_space<hbm>> -> memref<256xf32, #tpu.memory_space<hbm>>
      %dma_wait3A_540 = arith.constant 0 : i32
      %dma_wait3A_541 = tpu.memref_slice %arg7[%mul3A_2, %dma_wait3A_540] : memref<512x256xf32, #tpu.memory_space<hbm>> -> memref<1x256xf32, #tpu.memory_space<hbm>>
      %dma_wait3A_542 = tpu.memref_squeeze %dma_wait3A_541 : memref<1x256xf32, #tpu.memory_space<hbm>> -> memref<256xf32, #tpu.memory_space<hbm>>
      %dma_wait3A_543 = arith.constant 0 : i32
      %dma_wait3A_544 = tpu.memref_slice %arg13[%dma_wait3A_543] : memref<512xf32, #tpu.memory_space<vmem>> -> memref<256xf32, #tpu.memory_space<vmem>>
      tpu.wait_dma2 semaphore(%arg16 : memref<!tpu.dma_semaphore, #tpu.memory_space<semaphore_mem>>) src(%dma_wait3A_544 : memref<256xf32, #tpu.memory_space<vmem>>) dst(%dma_wait3A_542 : memref<256xf32, #tpu.memory_space<hbm>>)
    } else {
    }
    return
  }
}

</mosaic_0001>

<sc_bundles>
// kernel: kernel.3.cloned.1.call-start
scs
__scs_entry_jumppad:
0x0: {  	(pc) =	sbr.rel $0x88, $3  }
0x1: {  	(tag) =	ssettag $0x0;
	lr =	simm.s32 $0x1  }
0x2: {  	[smem:$0x3F9D] =	sst lr;
	_ =	strace $0xD0000000  }
0x3: {  	_ = 	snop  }
0x4: {  	_ = 	snop  }
0x5: {  	_ = 	snop  }
0x6: {  	_ = 	snop  }
0x7: {  	_ = 	snop  }
__scs_overlays_trampoline_lowered:
0x8: {  	[smem:$0x3FAC] =	sst s0  }
0x9: {  	[smem:$0x3FAD] =	sst s1  }
0xa: {  	[smem:$0x3FAE] =	sst s2  }
0xb: {  	[smem:$0x3FAF] =	sst s3  }
0xc: {  	[smem:$0x3FB0] =	sst s4  }
0xd: {  	[smem:$0x3FB1] =	sst s5  }
0xe: {  	[smem:$0x3FB2] =	sst s6  }
0xf: {  	[smem:$0x3FB3] =	sst s7  }
0x10: {  	[smem:$0x3FB4] =	sst s8  }
0x11: {  	[smem:$0x3FB5] =	sst s9;
	s0 =	simm.s32 @!p0 $0x0  }
0x12: {  	s1 =	sld [smem:$0x3F9B];
	s0 =	simm.s32 @p0 $0x1  }
0x13: {  	[smem:$0x3FB6] =	sst s0;
	s0 =	simm.s32 @!p1 $0x0  }
0x14: {  	s2 =	sld [smem:$0x3F9A];
	s0 =	simm.s32 @p1 $0x1  }
0x15: {  	[smem:$0x3FB7] =	sst s0;
	s0 =	simm.s32 @!p2 $0x0  }
0x16: {  	s3 =	sld [smem:$0x3FDB];
	s0 =	simm.s32 @p2 $0x1  }
0x17: {  	s4 =	simm.s32 $0x1BF5;
	[smem:$0x3FB9] =	sst s0  }
0x18: {  	s0 =	sld [smem:$0x3F9C];
	_ =	swait.ge [sflag:s4], $0x0  }
0x19: {  	s7 =	sld [smem:$0x3F9D]  }
0x1a: {  	s8 =	sadd.s32 $0xFFFFE003, lr  }
0x1b: {  	s9 =	sadd.s32 $0xFFFFFEF7, lr;
	s5 =	simm.s32 $0xFFFFFFFF;
	p2 =	slt.u32 s8, $0xFFFFF086  }
0x1c: {  	p1 =	slt.u32 s9, $0xF7A;
	s5 =	simm.s32 @!p2 $0x0  }
0x1d: {  	s5 =	simm.s32 @p1 $0x1;
	p0 =	seq.s32 s7, s2  }
0x1e: {  	s7 =	smul.u32 @!p0 $0xF7A, s2;
	p2 =	seq.s32 @!p0 s5, $0x0  }
0x1f: {  	s9 =	smul.u32 $0xF7A, s1;
	s8 =	simm.s32 @!p0 $0x1BF5;
	p2 =	por !p2, p0  }
0x20: {  	[sflag:s8] =	ssyncset.s32 @!p0 $0xFFFFF086;
	s6 =	sadd.s32 @!p0 s3, s7;
	s7 =	simm.s32 @!p0 $0x108  }
0x21: {  	s3 =	sadd.s32 s3, s9;
	s6 =	sadd.s32 @!p0 $0x88, s6;
	s7 =	simm.s32 @p2 $0x1082  }
0x22: {  	[simem:s7], [sflag:s8] =	dma.local @!p0 [hbm:s6], $0xF7A  }
0x23: {  	s9 =	sor.u32 $0xD0000000, s2;
	s6 =	simm.s32 $0x108;
	_ =	swait.ge @!p0 [sflag:s8], $0x0  }
0x24: {  	s3 =	sadd.s32 $0x88, s3;
	s6 =	simm.s32 @!p1 $0x1082;
	[sflag:s4] =	ssyncset.s32 $0xFFFFF086  }
0x25: {  	[simem:s6], [sflag:s4] =	dma.local [hbm:s3], $0xF7A  }
0x26: {  	[smem:$0x3F9D] =	sst s1;
	(tag) =	ssettag s2;
	_ =	strace s9  }
0x27: {  	s1 =	sld [smem:$0x3FAD]  }
0x28: {  	s2 =	sld [smem:$0x3FAE]  }
0x29: {  	s4 =	sld [smem:$0x3FB0]  }
0x2a: {  	p0 =	seq.s32 s5, $0x0;
	s5 =	sld [smem:$0x3FB1]  }
0x2b: {  	s6 =	sld [smem:$0x3FB2]  }
0x2c: {  	s7 =	sld [smem:$0x3FB3]  }
0x2d: {  	s3 =	simm.s32 $0x108;
	s8 =	sld [smem:$0x3FB4]  }
0x2e: {  	s3 =	simm.s32 @!p0 $0x1082;
	s9 =	sld [smem:$0x3FB5]  }
0x2f: {  	lr =	sadd.s32 s0, s3;
	s0 =	sld [smem:$0x3FAC]  }
0x30: {  	s3 =	sld [smem:$0x3FAF]  }
0x31: {  	[smem:$0x3FB8] =	sst s10  }
0x32: {  	s10 =	sld [smem:$0x3FB6];
	_ =	sdelay $0x3  }
0x33: {  	p0 =	seq.s32 s10, $0x1;
	s10 =	sld [smem:$0x3FB8];
	_ =	sdelay $0x3  }
0x34: {  	[smem:$0x3FB8] =	sst s10  }
0x35: {  	s10 =	sld [smem:$0x3FB7];
	_ =	sdelay $0x3  }
0x36: {  	p1 =	seq.s32 s10, $0x1;
	s10 =	sld [smem:$0x3FB8];
	_ =	sdelay $0x3  }
0x37: {  	[smem:$0x3FB8] =	sst s10  }
0x38: {  	s10 =	sld [smem:$0x3FB9]  }
0x39: {  	_ = 	snop;
	(pc) =	sbr.ind lr, $3  }
0x3a: {  	_ = 	snop  }
0x3b: {  	_ = 	snop  }
0x3c: {  	p2 =	seq.s32 s10, $0x1;
	s10 =	sld [smem:$0x3FB8]  }
0x3d: {  	_ =	shalt  }
0x3e: {  	_ =	shalt  }
0x3f: {  	_ =	shalt  }
0x40: {  	_ =	shalt  }
0x41: {  	_ =	shalt  }
0x42: {  	_ =	shalt  }
0x43: {  	_ =	shalt  }
0x44: {  	_ =	shalt  }
0x45: {  	_ =	shalt  }
0x46: {  	_ =	shalt  }
0x47: {  	_ =	shalt  }
0x48: {  	_ =	shalt  }
0x49: {  	_ =	shalt  }
0x4a: {  	_ =	shalt  }
0x4b: {  	_ =	shalt  }
0x4c: {  	_ =	shalt  }
0x4d: {  	_ =	shalt  }
0x4e: {  	_ =	shalt  }
0x4f: {  	_ =	shalt  }
0x50: {  	_ =	shalt  }
0x51: {  	_ =	shalt  }
0x52: {  	_ =	shalt  }
0x53: {  	_ =	shalt  }
0x54: {  	_ =	shalt  }
0x55: {  	_ =	shalt  }
0x56: {  	_ =	shalt  }
0x57: {  	_ =	shalt  }
0x58: {  	_ =	shalt  }
0x59: {  	_ =	shalt  }
0x5a: {  	_ =	shalt  }
0x5b: {  	_ =	shalt  }
0x5c: {  	_ =	shalt  }
0x5d: {  	_ =	shalt  }
0x5e: {  	_ =	shalt  }
0x5f: {  	_ =	shalt  }
0x60: {  	_ =	shalt  }
0x61: {  	_ =	shalt  }
0x62: {  	_ =	shalt  }
0x63: {  	_ =	shalt  }
0x64: {  	_ =	shalt  }
0x65: {  	_ =	shalt  }
0x66: {  	_ =	shalt  }
0x67: {  	_ =	shalt  }
0x68: {  	_ =	shalt  }
0x69: {  	_ =	shalt  }
0x6a: {  	_ =	shalt  }
0x6b: {  	_ =	shalt  }
0x6c: {  	_ =	shalt  }
0x6d: {  	_ =	shalt  }
0x6e: {  	_ =	shalt  }
0x6f: {  	_ =	shalt  }
0x70: {  	_ =	shalt  }
0x71: {  	_ =	shalt  }
0x72: {  	_ =	shalt  }
0x73: {  	_ =	shalt  }
0x74: {  	_ =	shalt  }
0x75: {  	_ =	shalt  }
0x76: {  	_ =	shalt  }
0x77: {  	_ =	shalt  }
0x78: {  	_ =	shalt  }
0x79: {  	_ =	shalt  }
0x7a: {  	_ =	shalt  }
0x7b: {  	_ =	shalt  }
0x7c: {  	_ =	shalt  }
0x7d: {  	_ =	shalt  }
0x7e: {  	_ =	shalt  }
0x7f: {  	_ =	shalt  }
0x80: {  	_ =	shalt  }
0x81: {  	_ =	shalt  }
0x82: {  	_ =	shalt  }
0x83: {  	_ =	shalt  }
0x84: {  	_ =	shalt  }
0x85: {  	_ =	shalt  }
0x86: {  	_ =	shalt  }
0x87: {  	_ =	shalt  }
.Lfunc_end0:
.L_simem_size_0:
called_computation_lowered:
.L_overlay_start_0:
0x88: {  	s2 =	sld [smem:$0x3FD9]  }
0x89: {  	s3 =	sld [smem:$0x3FFE];
	_ =	sdelay $0x1  }
0x8a: {  	s1 =	srdreg.scid  }
0x8b: {  	s0 =	sand.u32 $0x1, s1  }
0x8c: {  	s17 =	sshll.u32 s0, $0xA;
	s2 =	sadd.s32 s3, s2  }
0x8d: {  	s2 =	sadd.s32 s2, s17  }
0x8e: {  	[smem:$0x3FC4] =	sst s2  }
0x8f: {  	_ = 	snop  }
0x90: {  	s2 =	sld [smem:$0x3FC9]  }
0x91: {  	s18 =	sld [smem:$0x3FC8]  }
0x92: {  	s4 =	sld [smem:$0x3FC7]  }
0x93: {  	s5 =	sld [smem:$0x3FD0];
	(tm) =	ssettm $0x1  }
0x94: {  	s6 =	sld [smem:$0x3FFB];
	_ =	sdelay $0x3  }
0x95: {  	_ =	strace s6  }
0x96: {  	s6 =	sld [smem:$0x3FFC];
	_ =	sdelay $0x3  }
0x97: {  	_ =	strace s6  }
0x98: {  	s6 =	sld [smem:$0x3FFD];
	_ =	sdelay $0x3  }
0x99: {  	_ =	strace s6  }
0x9a: {  	_ =	strace $0x8FFFFFFF  }
0x9b: {  	s19 =	sld [smem:$0x3FDB];
	_ =	sdelay $0x1  }
0x9c: {  	s7 =	simm.s32 $_scs_section_size  }
0x9d: {  	s8 =	simm.s32 $_size__tile_overlayer_lowered;
	s9 =	simm.s32 $_tile_overlayer_lowered  }
0x9e: {  	s22 =	simm.s32 $0x1BFF;
	s21 =	sshll.u32 s9, $0x1;
	s6 =	sadd.s32 s7, s19  }
0x9f: {  	s10 =	simm.s32 $0x0;
	s20 =	sshll.u32 s8, $0x1;
	s8 =	sadd.s32 s21, s6  }
0xa0: {  	[timem:s10], [sflag:s22] =	dma.local [hbm:s8], s20  }
0xa1: {  	_ =	swait.ge [sflag:s22], s20  }
0xa2: {  	s7 =	ssub.s32 $0x0, s20;
	[sflag:s22] =	ssyncset.done $0x0  }
0xa3: {  	[sflag:s22] =	ssyncadd.s32 s7;
	_ =	sdelay $0x1  }
0xa4: {  	s23 =	simm.s32 $0x1B8B  }
0xa5: {  	_ =	swait.ge [sflag:s23], $0x1  }
0xa6: {  	[sflag:s23] =	ssyncset.done $0x0  }
0xa7: {  	s25 =	simm.s32 $0x1B8E;
	s24 =	sld [smem:$0x3FFE];
	[sflag:s23] =	ssyncadd.s32 $0xFFFFFFFF  }
0xa8: {  	s26 =	simm.s32 $execute0_lowered;
	[smem:$0x3FD2] =	sst s25  }
0xa9: {  	s8 =	sshll.u32 s26, $0x1;
	_ =	strace $0x80000046;
	[dreg:$0x1] =	wrdreg $0xFFFFFFFF  }
0xaa: {  	s28 =	simm.s32 $_size_execute0_lowered;
	s6 =	sadd.s32 s6, s8;
	[dreg:$0x0] =	wrdreg $0x0  }
0xab: {  	s8 =	sshll.u32 s28, $0x1;
	[dreg:$0x2] =	wrdreg s6  }
0xac: {  	[dreg:$0x3] =	wrdreg s8  }
0xad: {  	[dreg:$0x4] =	wrdreg $0xC0  }
0xae: {  	_ =	task [dreg:s10], $0x5FFFF  }
0xaf: {  	[dreg:$0x1] =	wrdreg $0xFFFFFFFF  }
0xb0: {  	[dreg:$0x0] =	wrdreg $0x60  }
0xb1: {  	[dreg:$0x2] =	wrdreg s2  }
0xb2: {  	[dreg:$0x3] =	wrdreg s18  }
0xb3: {  	[dreg:$0x4] =	wrdreg s24  }
0xb4: {  	[dreg:$0x5] =	wrdreg s4  }
0xb5: {  	[dreg:$0x6] =	wrdreg s5  }
0xb6: {  	[dreg:$0x7] =	wrdreg $0x9  }
0xb7: {  	_ =	task.clear_ibuf [dreg:s10], $0x8FFFF;
	_ =	strace $0x90000046  }
0xb8: {  	s29 =	simm.s32 $0x9;
	_ =	strace $0x80000048  }
0xb9: {  	_ =	swait.ge [sflag:s29], $0x1  }
0xba: {  	[sflag:s29] =	ssyncadd.s32 $0xFFFFFFFF  }
0xbb: {  	_ =	strace $0x90000048  }
0xbc: {  	_ =	sfence  }
0xbd: {  	s30 =	sld [smem:$0x0];
	_ =	sdelay $0x2  }
0xbe: {  	s31 =	sshll.u32 s1, $0xD;
	s1 =	sshrl.u32 s1, $0x2  }
0xbf: {  	s3 =	sand.u32 $0x4000, s31;
	s1 =	sadd.s32 s1, s30  }
0xc0: {  	s0 =	sor.u32 s3, s0;
	s1 =	sshll.u32 s1, $0x11  }
0xc1: {  	s0 =	sor.u32 s1, s0  }
0xc2: {  	s0 =	sadd.s32 $0x8F2B, s0  }
0xc3: {  	[sflag:s0] =	ssyncadd.remote.s32 $0x1  }
0xc4: {  	_ =	sfence.sel $0xFFFF  }
0xc5: {  	[dreg:$0x0] =	wrdreg $0xFFFFFFFF;
	(pc) =	sbr.abs _section_cstart, $3  }
0xc6: {  	[dreg:$0x1] =	wrdreg $0xFFFFFFFF  }
0xc7: {  	_ =	task.clear_ibuf [dreg:s10], $0x2FFFF;
	_ =	strace $0x9FFFFFFF  }
0xc8: {  	(tm) =	ssettm $0x7FFFFFFF  }
0xc9: {  	_ =	shalt  }
tec
execute0_lowered:
.L_overlay_start_1:
0x0: {  	(tag) =	ssettag $0x1  }
0x1: {  	s1 =	rddreg [dreg:$0x0]  }
0x2: {  	s2 =	rddreg [dreg:$0x1];
	s3 =	srdreg.scid  }
0x3: {  	s0 =	rddreg [dreg:$0x2];
	s4 =	stileid.u32;
	s3 =	sand.u32 $0x1, s3  }
0x4: {  	s6 =	simm.s32 $0x0;
	s4 =	sshll.u32 s4, $0x5;
	s7 =	sshll.u32 s3, $0x4  }
0x5: {  	[smem:$0x7FF] =	sst s6;
	s4 =	sor.u32 s7, s4  }
0x6: {  	s5 =	rddreg [dreg:$0x4];
	_ =	strace $0x80000047;
	s7 =	sshrl.u32 s4, $0x3  }
0x7: {  	s4 =	sshll.u32 s4, $0x5;
	s7 =	sadd.s32 s7, s0;
	s0 =	sadd.s32 $0xC00, s0  }
0x8: {  	s8 =	sadd.s32 s5, s4;
	[dreg:$0x7] =	wrdreg s0;
	s11 =	sadd.s32 $0xA00, s7  }
0x9: {  	s12 =	sadd.s32 $0x10, s8;
	[dreg:$0x8] =	wrdreg s11  }
0xa: {  	s13 =	sadd.s32 $0x20, s8;
	[dreg:$0x9] =	wrdreg s12  }
0xb: {  	s14 =	sadd.s32 $0x30, s8;
	[dreg:$0xa] =	wrdreg s13  }
0xc: {  	s15 =	sadd.s32 $0x40, s8;
	[dreg:$0xb] =	wrdreg s14  }
0xd: {  	s16 =	sadd.s32 $0x50, s8;
	[dreg:$0xc] =	wrdreg s15  }
0xe: {  	s17 =	sadd.s32 $0x60, s8;
	[dreg:$0xd] =	wrdreg s16  }
0xf: {  	s28 =	simm.s32 $0x4;
	s18 =	sadd.s32 $0x70, s8;
	[dreg:$0xe] =	wrdreg s17  }
0x10: {  	s31 =	simm.s32 $0x80;
	s19 =	sadd.s32 $0x100, s8;
	[dreg:$0xf] =	wrdreg s18  }
0x11: {  	s30 =	simm.s32 $0x2;
	s20 =	sadd.s32 $0x110, s8;
	[dreg:$0x10] =	wrdreg s19  }
0x12: {  	s29 =	simm.s32 $0x0;
	s21 =	sadd.s32 $0x120, s8;
	[dreg:$0x11] =	wrdreg s20  }
0x13: {  	s3 =	ssub.s32 $0x2, s3;
	s22 =	sadd.s32 $0x130, s8;
	[dreg:$0x12] =	wrdreg s21  }
0x14: {  	s10 =	sshrl.u32 s3, $0x1;
	s23 =	sadd.s32 $0x140, s8;
	[dreg:$0x13] =	wrdreg s22  }
.Ltmp0:
0x15: {  	s24 =	sadd.s32 $0x150, s8;
	[dreg:$0x14] =	wrdreg s23;
	(pc) =	sbr.rel .LBB2_1-.Ltmp0, $4  }
0x16: {  	s4 =	simm.s32 $0x3;
	s25 =	sadd.s32 $0x160, s8;
	[dreg:$0x15] =	wrdreg s24  }
0x17: {  	s0 =	ssub.s32 s3, s10;
	s26 =	sadd.s32 $0x170, s8;
	[dreg:$0x16] =	wrdreg s25  }
0x18: {  	s3 =	simm.s32 $0x10C80;
	[dreg:$0x17] =	wrdreg s26;
	s0 =	smax.u32 s0, $0x1  }
0x19: {  	s26 =	simm.s32 $0x1;
	[dreg:$0x18] =	wrdreg s0;
	s0 =	simm.s32 $0x400  }
.LBB2_12:
0x1a: {  	_ =	swait.ge [sflag:s4], $0x100  }
0x1b: {  	[sflag:s4] =	ssyncset.done $0x0  }
0x1c: {  	[sflag:s4] =	ssyncadd.s32 $0xFFFFFF00  }
.LBB2_14:
0x1d: {  	_ =	swait.ge [sflag:s4], $0x100  }
0x1e: {  	[sflag:s4] =	ssyncset.done $0x0  }
0x1f: {  	[sflag:s4] =	ssyncadd.s32 $0xFFFFFF00  }
.LBB2_15:
0x20: {  	s29 =	sadd.s32 $0x1, s29;
	s7 =	rddreg [dreg:$0x18]  }
0x21: {  	p0 =	sne.s32 s29, s7  }
.Ltmp1:
0x22: {  	_ = 	snop;
	(pc) =	sbr.rel @!p0 .LBB2_16-.Ltmp1, $1  }
0x23: {  	_ =	sdelay $0x3  }
.LBB2_1:
0x24: {  	s7 =	rddreg [dreg:$0x8];
	s9 =	simm.s32 $0x10B00  }
0x25: {  	[tilespmem:s9], [sflag:$0x4] =	stream.linear.gather [hbm4b:s7+s6], $0x20, $0x38;
	[tilespmem:$0x10E80] =	vst v63  }
0x26: {  	_ =	swait.ge [sflag:s28], $0x20  }
0x27: {  	[sflag:s28] =	ssyncset.done $0x0  }
0x28: {  	[sflag:s28] =	ssyncadd.s32 $0xFFFFFFE0  }
0x29: {  	s20 =	simm.s32 $0x10B80;
	s19 =	rddreg [dreg:$0x3]  }
0x2a: {  	[tilespmem:s20], [sflag:$0x4] =	stream.linear.gather [hbm4b:s19+s6], $0x80, $0x38;
	[tilespmem:$0x10E80] =	vst v63  }
0x2b: {  	_ =	swait.ge [sflag:s28], $0x80  }
0x2c: {  	[sflag:s28] =	ssyncset.done $0x0  }
0x2d: {  	s22 =	simm.s32 $0x10C00;
	s21 =	rddreg [dreg:$0x7];
	[sflag:s28] =	ssyncadd.s32 $0xFFFFFF80  }
0x2e: {  	[tilespmem:s22], [sflag:$0x4] =	stream.linear.gather [hbm4b:s21+s6], $0x80, $0x38;
	[tilespmem:$0x10E80] =	vst v63  }
0x2f: {  	_ =	swait.ge [sflag:s28], $0x80  }
0x30: {  	[sflag:s28] =	ssyncset.done $0x0  }
0x31: {  	v9 =	vimm.f32 $0.0e+00;
	[sflag:s28] =	ssyncadd.s32 $0xFFFFFF80  }
0x32: {  	v13 =	vimm.f32 $-Inf;
	[tilespmem:$0x10C80] =	vst v9  }
0x33: {  	[tilespmem:$0x10D00] =	vst v13  }
0x34: {  	[tilespmem:$0x10C90] =	vst v9  }
0x35: {  	[tilespmem:$0x10D10] =	vst v13  }
0x36: {  	[tilespmem:$0x10CA0] =	vst v9  }
0x37: {  	[tilespmem:$0x10D20] =	vst v13  }
0x38: {  	v0 =	vld [tilespmem:$0x10C00];
	[tilespmem:$0x10CB0] =	vst v9  }
0x39: {  	v1 =	vld [tilespmem:$0x10B80];
	[tilespmem:$0x10D30] =	vst v13  }
0x3a: {  	v2 =	vld [tilespmem:$0x10B90];
	[tilespmem:$0x10CC0] =	vst v9  }
0x3b: {  	v3 =	vld [tilespmem:$0x10BA0];
	[tilespmem:$0x10D40] =	vst v13  }
0x3c: {  	v4 =	vld [tilespmem:$0x10BB0];
	[tilespmem:$0x10CD0] =	vst v9  }
0x3d: {  	v5 =	vld [tilespmem:$0x10BC0];
	[tilespmem:$0x10D50] =	vst v13  }
0x3e: {  	v6 =	vld [tilespmem:$0x10BD0];
	[tilespmem:$0x10CE0] =	vst v9  }
0x3f: {  	v7 =	vld [tilespmem:$0x10BE0];
	[tilespmem:$0x10D60] =	vst v13  }
0x40: {  	v8 =	vld [tilespmem:$0x10BF0];
	[tilespmem:$0x10CF0] =	vst v9  }
0x41: {  	v10 =	vld [tilespmem:$0x10B00];
	[tilespmem:$0x10D70] =	vst v13  }
0x42: {  	v11 =	vld [tilespmem:$0x10B10];
	[hbm4b:s8+s31] =	stream.strided.scatter [tilespmem:s3], [sflag:$0x3], $0x100, s0, s31, $0x38  }
0x43: {  	s23 =	rddreg [dreg:$0x9]  }
0x44: {  	[hbm4b:s23+s31] =	stream.strided.scatter [tilespmem:s3], [sflag:$0x3], $0x100, s0, s31, $0x38;
	[tilespmem:$0x10E80] =	vst v63  }
0x45: {  	s24 =	rddreg [dreg:$0xa]  }
0x46: {  	[hbm4b:s24+s31] =	stream.strided.scatter [tilespmem:s3], [sflag:$0x3], $0x100, s0, s31, $0x38;
	[tilespmem:$0x10E80] =	vst v63  }
0x47: {  	s25 =	rddreg [dreg:$0xb]  }
0x48: {  	[hbm4b:s25+s31] =	stream.strided.scatter [tilespmem:s3], [sflag:$0x3], $0x100, s0, s31, $0x38;
	[tilespmem:$0x10E80] =	vst v63  }
0x49: {  	s9 =	rddreg [dreg:$0xc]  }
0x4a: {  	[hbm4b:s9+s31] =	stream.strided.scatter [tilespmem:s3], [sflag:$0x3], $0x100, s0, s31, $0x38;
	[tilespmem:$0x10E80] =	vst v63  }
0x4b: {  	s10 =	rddreg [dreg:$0xd]  }
0x4c: {  	[hbm4b:s10+s31] =	stream.strided.scatter [tilespmem:s3], [sflag:$0x3], $0x100, s0, s31, $0x38;
	[tilespmem:$0x10E80] =	vst v63  }
0x4d: {  	s11 =	rddreg [dreg:$0xe]  }
0x4e: {  	(v2sf) =	vpush v10, $0x0;
	[hbm4b:s11+s31] =	stream.strided.scatter [tilespmem:s3], [sflag:$0x3], $0x100, s0, s31, $0x38;
	[tilespmem:$0x10E80] =	vst v63  }
0x4f: {  	s12 =	rddreg [dreg:$0xf]  }
0x50: {  	(v2sf) =	vpush v11, $0x0;
	[hbm4b:s12+s31] =	stream.strided.scatter [tilespmem:s3], [sflag:$0x3], $0x100, s0, s31, $0x38;
	[tilespmem:$0x10E80] =	vst v63  }
0x51: {  	s13 =	rddreg [dreg:$0x10]  }
0x52: {  	[hbm4b:s13+s31] =	stream.strided.scatter [tilespmem:s3], [sflag:$0x3], $0x100, s0, s31, $0x38;
	[tilespmem:$0x10E80] =	vst v63  }
0x53: {  	s14 =	rddreg [dreg:$0x11]  }
0x54: {  	[hbm4b:s14+s31] =	stream.strided.scatter [tilespmem:s3], [sflag:$0x3], $0x100, s0, s31, $0x38;
	[tilespmem:$0x10E80] =	vst v63  }
0x55: {  	s15 =	rddreg [dreg:$0x12]  }
0x56: {  	[hbm4b:s15+s31] =	stream.strided.scatter [tilespmem:s3], [sflag:$0x3], $0x100, s0, s31, $0x38;
	[tilespmem:$0x10E80] =	vst v63  }
0x57: {  	s16 =	rddreg [dreg:$0x13]  }
0x58: {  	[hbm4b:s16+s31] =	stream.strided.scatter [tilespmem:s3], [sflag:$0x3], $0x100, s0, s31, $0x38;
	[tilespmem:$0x10E80] =	vst v63  }
0x59: {  	s17 =	rddreg [dreg:$0x14]  }
0x5a: {  	[hbm4b:s17+s31] =	stream.strided.scatter [tilespmem:s3], [sflag:$0x3], $0x100, s0, s31, $0x38;
	[tilespmem:$0x10E80] =	vst v63  }
0x5b: {  	s18 =	rddreg [dreg:$0x15]  }
0x5c: {  	[hbm4b:s18+s31] =	stream.strided.scatter [tilespmem:s3], [sflag:$0x3], $0x100, s0, s31, $0x38;
	[tilespmem:$0x10E80] =	vst v63  }
0x5d: {  	s19 =	rddreg [dreg:$0x16];
	s7 =	spop (v2sf)  }
0x5e: {  	[hbm4b:s19+s31] =	stream.strided.scatter [tilespmem:s3], [sflag:$0x3], $0x100, s0, s31, $0x38;
	[tilespmem:$0x10E80] =	vst v63  }
0x5f: {  	s20 =	rddreg [dreg:$0x17];
	s16 =	spop (v2sf)  }
0x60: {  	[hbm4b:s20+s31] =	stream.strided.scatter [tilespmem:s3], [sflag:$0x3], $0x100, s0, s31, $0x38;
	[tilespmem:$0x10E80] =	vst v63  }
0x61: {  	_ =	swait.ge [sflag:s4], $0x100  }
0x62: {  	[sflag:s4] =	ssyncset.done $0x0  }
0x63: {  	[sflag:s4] =	ssyncadd.s32 $0xFFFFFF00  }
0x64: {  	_ =	swait.ge [sflag:s4], $0x100  }
0x65: {  	[sflag:s4] =	ssyncset.done $0x0  }
0x66: {  	[sflag:s4] =	ssyncadd.s32 $0xFFFFFF00  }
0x67: {  	_ =	swait.ge [sflag:s4], $0x100  }
0x68: {  	[sflag:s4] =	ssyncset.done $0x0  }
0x69: {  	[sflag:s4] =	ssyncadd.s32 $0xFFFFFF00  }
0x6a: {  	_ =	swait.ge [sflag:s4], $0x100  }
0x6b: {  	[sflag:s4] =	ssyncset.done $0x0  }
0x6c: {  	[sflag:s4] =	ssyncadd.s32 $0xFFFFFF00  }
0x6d: {  	_ =	swait.ge [sflag:s4], $0x100  }
0x6e: {  	[sflag:s4] =	ssyncset.done $0x0  }
0x6f: {  	[sflag:s4] =	ssyncadd.s32 $0xFFFFFF00  }
0x70: {  	_ =	swait.ge [sflag:s4], $0x100  }
0x71: {  	[sflag:s4] =	ssyncset.done $0x0  }
0x72: {  	[sflag:s4] =	ssyncadd.s32 $0xFFFFFF00  }
0x73: {  	_ =	swait.ge [sflag:s4], $0x100  }
0x74: {  	[sflag:s4] =	ssyncset.done $0x0  }
0x75: {  	[sflag:s4] =	ssyncadd.s32 $0xFFFFFF00  }
0x76: {  	_ =	swait.ge [sflag:s4], $0x100  }
0x77: {  	[sflag:s4] =	ssyncset.done $0x0  }
0x78: {  	[sflag:s4] =	ssyncadd.s32 $0xFFFFFF00  }
0x79: {  	_ =	swait.ge [sflag:s4], $0x100  }
0x7a: {  	[sflag:s4] =	ssyncset.done $0x0  }
0x7b: {  	[sflag:s4] =	ssyncadd.s32 $0xFFFFFF00  }
0x7c: {  	_ =	swait.ge [sflag:s4], $0x100  }
0x7d: {  	[sflag:s4] =	ssyncset.done $0x0  }
0x7e: {  	[sflag:s4] =	ssyncadd.s32 $0xFFFFFF00  }
0x7f: {  	s24 =	simm.s32 $0x10800;
	s21 =	sand.u32 $0x7, s7;
	_ =	swait.ge [sflag:s4], $0x100  }
0x80: {  	s10 =	sshra.s32 s7, $0x1F;
	p0 =	slt.s32 s7, $0x1;
	[sflag:s4] =	ssyncset.done $0x0  }
0x81: {  	p1 =	sne.s32 s21, $0x0;
	s22 =	sshrl.u32 s10, $0x1D;
	[sflag:s4] =	ssyncadd.s32 $0xFFFFFF00  }
0x82: {  	s10 =	simm.s32 $0x1;
	p0 =	por !p0, !p1;
	_ =	swait.ge [sflag:s4], $0x100  }
0x83: {  	s9 =	sadd.s32 s22, s7;
	p0 =	por !p0, !p0;
	[sflag:s4] =	ssyncset.done $0x0  }
0x84: {  	s9 =	sshrl.u32 s9, $0x3;
	s10 =	simm.s32 @!p0 $0x0;
	[sflag:s4] =	ssyncadd.s32 $0xFFFFFF00  }
0x85: {  	s13 =	simm.s32 $0x0;
	s9 =	ssub.s32 s9, s10;
	_ =	swait.ge [sflag:s4], $0x100  }
0x86: {  	s15 =	simm.s32 $0x0;
	s14 =	sshll.u32 s9, $0x3;
	[sflag:s4] =	ssyncset.done $0x0  }
0x87: {  	s25 =	sadd.s32 $0xFFFFFFFF, s16;
	s9 =	ssub.s32 s16, s14;
	[sflag:s4] =	ssyncadd.s32 $0xFFFFFF00  }
0x88: {  	p0 =	slt.s32 s14, $0x185A0;
	s10 =	smov.u32 s14;
	_ =	swait.ge [sflag:s4], $0x100  }
0x89: {  	p1 =	slt.s32 s14, $0x18560;
	s9 =	sadd.s32 $0xFF, s9;
	[sflag:s4] =	ssyncset.done $0x0  }
0x8a: {  	s10 =	simm.s32 @!p0 $0x185A0;
	s11 =	sshra.s32 s9, $0x1F;
	[sflag:s4] =	ssyncadd.s32 $0xFFFFFF00  }
0x8b: {  	s12 =	sand.u32 $0xFF, s9;
	s10 =	sshll.u32 s10, $0x4;
	_ =	swait.ge [sflag:s4], $0x100  }
0x8c: {  	p5 =	slt.s32 s9, $0x1;
	s11 =	sshrl.u32 s11, $0x18;
	[sflag:s4] =	ssyncset.done $0x0  }
0x8d: {  	p6 =	sne.s32 s12, $0x0;
	s10 =	sadd.s32 s1, s10;
	[sflag:s4] =	ssyncadd.s32 $0xFFFFFF00  }
0x8e: {  	s9 =	sadd.s32 s11, s9;
	p0 =	por !p5, !p6;
	_ =	swait.ge [sflag:s4], $0x100  }
0x8f: {  	s11 =	simm.s32 $0x1;
	p0 =	por !p0, !p0;
	[sflag:s4] =	ssyncset.done $0x0  }
0x90: {  	s9 =	sshra.s32 s9, $0x8;
	s11 =	simm.s32 @!p0 $0x0;
	[sflag:s4] =	ssyncadd.s32 $0xFFFFFF00  }
0x91: {  	[tilespmem:s6], [sflag:$0x1] =	stream.linear.gather [hbm4b:s10+s6], $0x8000, $0x38;
	[tilespmem:$0x10E80] =	vst v63  }
.Ltmp2:
0x92: {  	v20 =	vimm.f32 $-Inf;
	v22 =	vimm.f32 $-Inf;
	s12 =	ssub.s32 s9, s11;
	s10 =	smov.u32 s14;
	(pc) =	sbr.rel .LBB2_3-.Ltmp2, $4  }
0x93: {  	v19 =	vimm.f32 $-Inf;
	v16 =	vimm.f32 $-Inf;
	v23 =	vimm.f32 $-Inf;
	p0 =	sgt.s32 s12, $0x1;
	s11 =	smov.u32 s12;
	s10 =	simm.s32 @!p1 $0x18560  }
0x94: {  	v21 =	vimm.f32 $-Inf;
	v24 =	vimm.f32 $-Inf;
	v15 =	vimm.f32 $0.0e+00;
	s11 =	simm.s32 @!p0 $0x1;
	p0 =	por $0x0, $0x0;
	s10 =	sshrl.u32 s10, $0x3  }
0x95: {  	v12 =	vimm.f32 $0.0e+00;
	v18 =	vimm.f32 $0.0e+00;
	v14 =	vimm.f32 $0.0e+00;
	[dreg:$0x6] =	wrdreg s25;
	s23 =	sadd.s32 s2, s10;
	s10 =	smov.u32 s14  }
0x96: {  	v17 =	vimm.f32 $0.0e+00;
	v10 =	vimm.f32 $0.0e+00;
	v11 =	vimm.f32 $0.0e+00;
	[tilespmem:s24], [sflag:$0x2] =	stream.linear.gather [hbm4b:s23+s6], $0x140, $0x38;
	[tilespmem:$0x10E80] =	vst v63  }
.LBB2_5:
0x97: {  	v44 =	vmov v26;
	v42 =	vmov v31;
	v43 =	vmov v33  }
.LBB2_10:
0x98: {  	_ =	sdelay $0x3  }
0x99: {  	v26 =	vmul.f32 v44, v1  }
0x9a: {  	v27 =	vld [tilespmem:s17+$0xFFFFFFD0]  }
0x9b: {  	v28 =	vmul.f32 v42, v3;
	v26 =	vadd.f32 v45, v26  }
0x9c: {  	v29 =	vld [tilespmem:s17+$0xFFFFFFE0]  }
0x9d: {  	v61 =	vmul.f32 v43, v4;
	v26 =	vadd.f32 v28, v26  }
0x9e: {  	(erf) = vrcp.f32 @p1 v46;
	v30 =	vld [tilespmem:s17+$0xFFFFFFF0]  }
0x9f: {  	v27 =	vmul.f32 v27, v5;
	v26 =	vadd.f32 v61, v26  }
0xa0: {  	v62 =	vld [tilespmem:s17+$0x0]  }
0xa1: {  	v26 =	vadd.f32 v27, v26;
	v27 =	vmul.f32 v29, v6;
	s25 =	spop (v2sf)  }
0xa2: {  	s9 =	rddreg [dreg:$0x6];
	s18 =	spop (v2sf)  }
0xa3: {  	p3 =	seq.s32 s9, s19;
	v26 =	vadd.f32 v27, v26;
	v27 =	vmul.f32 v30, v7;
	p2 =	sne.s32 s25, s18  }
0xa4: {  	p2 =	por p3, p2  }
0xa5: {  	v26 =	vadd.f32 v27, v26;
	v27 =	vmul.f32 v62, v8;
	p3 =	slt.s32 @p2 s13, $0x2  }
0xa6: {  	p3 =	por p3, !p2  }
0xa7: {  	v28 =	vpop @p1 (erf);
	v26 =	vadd.f32 v27, v26;
	s9 =	simm.s32 @!p3 $0x3  }
0xa8: {  	_ =	swait.ge @!p3 [sflag:s9], $0x100  }
0xa9: {  	(xrf2) =	vadd.scan.msk.f32 $0xffff, v26;
	_ =	sdelay $0x9  }
0xaa: {  	v26, _, _ =	vpop (xrf2)  }
0xab: {  	v26 =	vbroadcast v26, $0xF;
	_ =	sdelay $0x1  }
0xac: {  	v26 =	vadd.f32 v26, v0;
	_ =	sdelay $0x1  }
0xad: {  	v26 =	vsub.f32 $0.0e+00, v26;
	_ =	sdelay $0x1  }
0xae: {  	v26 =	vmul.f32 $1.442695020e+00, v26;
	_ =	sdelay $0x1  }
0xaf: {  	(erf) = vpow2.f32 v26;
	_ =	sdelay $0x2  }
0xb0: {  	s17 =	sshll.u32 @p2 s13, $0x8;
	[sflag:s9] =	ssyncset.done @!p3 $0x0  }
0xb1: {  	v13 =	vmax.f32 v13, v41;
	[sflag:s9] =	ssyncadd.s32 @!p3 $0xFFFFFF00;
	s9 =	sand.u32 @p2 $0x100, s17  }
0xb2: {  	v24 =	vmax.f32 v24, v38;
	[tilespmem:s9+$0x10D70] =	vst @p2 v13  }
0xb3: {  	v20 =	vmax.f32 v20, v37;
	[tilespmem:s9+$0x10D00] =	vst @p2 v24  }
0xb4: {  	v22 =	vmax.f32 v22, v39;
	v25 =	vpsel p1, v28, v25;
	[tilespmem:s9+$0x10D60] =	vst @p2 v20  }
0xb5: {  	v23 =	vmax.f32 v23, v40;
	v19 =	vmax.f32 v19, v35;
	[tilespmem:s9+$0x10D50] =	vst @p2 v22;
	v26 =	vmul.f32 v40, v25  }
0xb6: {  	v16 =	vmax.f32 v16, v36;
	v28 =	vmul.f32 v38, v25;
	v63 =	vmul.f32 v37, v25;
	[tilespmem:s9+$0x10D20] =	vst @p2 v23;
	v27 =	vpop (erf)  }
0xb7: {  	[tilespmem:s9+$0x10D40] =	vst @p2 v19;
	v18 =	vadd.f32 v18, v26;
	v26 =	vmul.f32 v41, v25;
	v27 =	vadd.f32 $1.000000000e+00, v27  }
0xb8: {  	v21 =	vmax.f32 v21, v34;
	v17 =	vadd.f32 v17, v28;
	v11 =	vadd.f32 v11, v63;
	[tilespmem:s9+$0x10D30] =	vst @p2 v16  }
0xb9: {  	[tilespmem:s9+$0x10D10] =	vst @p2 v21;
	v9 =	vadd.f32 v9, v26;
	v26 =	vmul.f32 v39, v25;
	(erf) = vrcp.f32 v27  }
0xba: {  	[tilespmem:s9+$0x10C80] =	vst @p2 v17  }
0xbb: {  	[tilespmem:s9+$0x10CE0] =	vst @p2 v11;
	v15 =	vadd.f32 v15, v26;
	v26 =	vmul.f32 v36, v25  }
0xbc: {  	v16 =	vpsel p2, $0xFF800000, v16;
	v11 =	vpsel p2, $0x0, v11;
	[tilespmem:s9+$0x10CA0] =	vst @p2 v18;
	v27 =	vmul.f32 v35, v25  }
0xbd: {  	s17 =	sshll.u32 @p2 s18, $0x8;
	s18 =	sshll.u32 @p2 s18, $0x7;
	v19 =	vpsel p2, $0xFF800000, v19;
	[tilespmem:s9+$0x10CF0] =	vst @p2 v9;
	v10 =	vadd.f32 v10, v26;
	v25 =	vmul.f32 v34, v25  }
0xbe: {  	s17 =	sand.u32 @p2 $0xFFFFF800, s17;
	s18 =	sand.u32 @p2 $0x380, s18;
	v17 =	vpsel p2, $0x0, v17;
	v13 =	vpsel p2, $0xFF800000, v13;
	[tilespmem:s9+$0x10CD0] =	vst @p2 v15;
	v12 =	vadd.f32 v12, v27  }
0xbf: {  	s20 =	simm.s32 @p2 $0x400;
	v20 =	vpsel p2, $0xFF800000, v20;
	v22 =	vpsel p2, $0xFF800000, v22;
	s17 =	sor.u32 @p2 s18, s17;
	s18 =	simm.s32 $0x1;
	[tilespmem:s9+$0x10CB0] =	vst @p2 v10;
	v14 =	vadd.f32 v14, v25  }
0xc0: {  	s19 =	sor.u32 @p2 $0x10C80, s9;
	v23 =	vpsel p2, $0xFF800000, v23;
	v21 =	vpsel p2, $0xFF800000, v21;
	v24 =	vpsel p2, $0xFF800000, v24;
	s17 =	sshrl.u32 @p2 s17, $0x3;
	s18 =	simm.s32 @!p2 $0x0;
	[tilespmem:s9+$0x10CC0] =	vst @p2 v12  }
0xc1: {  	s17 =	sadd.s32 @p2 s5, s17;
	s13 =	sadd.s32 s18, s13;
	v18 =	vpsel p2, $0x0, v18;
	v9 =	vpsel p2, $0x0, v9;
	v15 =	vpsel p2, $0x0, v15;
	[tilespmem:s9+$0x10C90] =	vst @p2 v14;
	s9 =	simm.s32 @p2 $0x80  }
0xc2: {  	v10 =	vpsel p2, $0x0, v10;
	v12 =	vpsel p2, $0x0, v12;
	v14 =	vpsel p2, $0x0, v14;
	[hbm4b:s17+s9] =	stream.strided.scatter @p2 [tilespmem:s19], [sflag:$0x3], $0x100, s20, s9, $0x38;
	v25 =	vpop (erf);
	[tilespmem:$0x10E80] =	vst v63  }
.LBB2_2:
0xc3: {  	p1 =	seq.s32 s15, s11  }
.Ltmp3:
0xc4: {  	_ = 	snop;
	(pc) =	sbr.rel @p1 .LBB2_11-.Ltmp3, $2  }
0xc5: {  	_ =	sdelay $0x2  }
0xc6: {  	p0 =	por !p0, !p0;
	s10 =	sadd.s32 $0x100, s10  }
.LBB2_3:
0xc7: {  	s17 =	smov.u32 s15;
	s15 =	sadd.s32 $0x1, s15;
	_ =	swait.ge [sflag:s26], $0x8000  }
0xc8: {  	s9 =	sshll.u32 s15, $0x8;
	[sflag:s26] =	ssyncset.done $0x0  }
0xc9: {  	p1 =	sle.s32 s12, s15;
	s20 =	sadd.s32 s14, s9;
	[sflag:s26] =	ssyncadd.s32 $0xFFFF8000  }
0xca: {  	s18 =	sand.u32 @!p1 $0x1, s15;
	s22 =	simm.s32 @!p1 $0x0;
	p2 =	slt.s32 @!p1 s20, $0x185A0  }
0xcb: {  	_ =	swait.ge [sflag:s30], $0x140;
	s9 =	smov.u32 s20;
	p2 =	por !p2, p1  }
0xcc: {  	s19 =	smul.u32 @!p1 $0x21000, s18;
	[sflag:s30] =	ssyncset.done $0x0;
	s9 =	simm.s32 @p2 $0x185A0  }
0xcd: {  	p2 =	slt.s32 s20, s16;
	[sflag:s30] =	ssyncadd.s32 $0xFFFFFEC0;
	s9 =	sshll.u32 @!p1 s9, $0x4  }
0xce: {  	s19 =	sshrl.u32 @!p1 s19, $0x2;
	s21 =	sadd.s32 @!p1 s1, s9;
	s9 =	smov.u32 s16  }
0xcf: {  	[tilespmem:s19], [sflag:$0x1] =	stream.linear.gather @!p1 [hbm4b:s21+s22], $0x8000, $0x38;
	[tilespmem:$0x10E80] =	vst v63  }
0xd0: {  	s25 =	sshll.u32 s17, $0x8;
	s9 =	smov.u32 @p2 s20;
	p2 =	slt.s32 @!p1 s20, $0x18560  }
0xd1: {  	s21 =	smul.u32 @!p1 $0x500, s18;
	s18 =	sadd.s32 s14, s25;
	p2 =	por !p2, p1  }
0xd2: {  	s19 =	smov.u32 s18;
	s20 =	simm.s32 @p2 $0x18560  }
0xd3: {  	p2 =	sgt.s32 s7, s18;
	s21 =	sshrl.u32 @!p1 s21, $0x2;
	s20 =	sshrl.u32 @!p1 s20, $0x3  }
0xd4: {  	s19 =	smov.u32 @p2 s7;
	s21 =	sor.u32 @!p1 $0x10800, s21;
	s20 =	sadd.s32 @!p1 s2, s20  }
0xd5: {  	[tilespmem:s21], [sflag:$0x2] =	stream.linear.gather @!p1 [hbm4b:s20+s22], $0x140, $0x38;
	[tilespmem:$0x10E80] =	vst v63  }
0xd6: {  	p1 =	sge.s32 s19, s9  }
.Ltmp4:
0xd7: {  	_ = 	snop;
	(pc) =	sbr.rel @p1 .LBB2_2-.Ltmp4, $1  }
0xd8: {  	_ =	sdelay $0x3  }
0xd9: {  	p1 =	slt.s32 s18, $0x185A0  }
0xda: {  	s17 =	sand.u32 $0x1, s17;
	s18 =	simm.s32 @!p1 $0x185A0  }
0xdb: {  	s17 =	smul.u32 $0x21000, s17;
	s18 =	ssub.s32 s19, s18  }
0xdc: {  	s18 =	sshll.u32 s18, $0x9  }
0xdd: {  	s17 =	sshrl.u32 s17, $0x2;
	s18 =	sshra.s32 s18, $0x2  }
0xde: {  	s17 =	sadd.s32 s18, s17  }
0xdf: {  	v38 =	vld [tilespmem:s17+$0x0]  }
0xe0: {  	v34 =	vld [tilespmem:s17+$0x10];
	_ =	sdelay $0x1  }
0xe1: {  	v40 =	vld [tilespmem:s17+$0x20];
	_ =	sdelay $0x1  }
0xe2: {  	v36 =	vld [tilespmem:s17+$0x30]  }
0xe3: {  	v25 =	vmul.f32 v38, v1;
	v26 =	vmul.f32 v34, v2  }
0xe4: {  	v35 =	vld [tilespmem:s17+$0x40]  }
0xe5: {  	v25 =	vadd.f32 v26, v25;
	v26 =	vmul.f32 v40, v3  }
0xe6: {  	v39 =	vld [tilespmem:s17+$0x50]  }
0xe7: {  	v25 =	vadd.f32 v26, v25;
	v26 =	vmul.f32 v36, v4  }
0xe8: {  	v37 =	vld [tilespmem:s17+$0x60]  }
0xe9: {  	v25 =	vadd.f32 v26, v25;
	v26 =	vmul.f32 v35, v5  }
0xea: {  	v41 =	vld [tilespmem:s17+$0x70]  }
0xeb: {  	v25 =	vadd.f32 v26, v25;
	v26 =	vmul.f32 v39, v6;
	_ =	sdelay $0x1  }
0xec: {  	v25 =	vadd.f32 v26, v25;
	v26 =	vmul.f32 v37, v7;
	_ =	sdelay $0x1  }
0xed: {  	v25 =	vadd.f32 v26, v25;
	v26 =	vmul.f32 v41, v8;
	_ =	sdelay $0x1  }
0xee: {  	v25 =	vadd.f32 v26, v25;
	_ =	sdelay $0x1  }
0xef: {  	(xrf2) =	vadd.scan.msk.f32 $0xffff, v25;
	_ =	sdelay $0x9  }
0xf0: {  	v25, _, _ =	vpop (xrf2)  }
0xf1: {  	v25 =	vbroadcast v25, $0xF;
	_ =	sdelay $0x1  }
0xf2: {  	v25 =	vadd.f32 v25, v0;
	_ =	sdelay $0x1  }
0xf3: {  	v25 =	vsub.f32 $0.0e+00, v25;
	_ =	sdelay $0x1  }
0xf4: {  	v25 =	vmul.f32 $1.442695020e+00, v25;
	_ =	sdelay $0x1  }
0xf5: {  	(erf) = vpow2.f32 v25;
	_ =	sdelay $0x2  }
0xf6: {  	s17 =	simm.s32 $0x1  }
0xf7: {  	p1 =	sgt.s32 s7, s10;
	s18 =	smov.u32 s10;
	s17 =	simm.s32 @!p0 $0x0  }
0xf8: {  	s18 =	smov.u32 @p1 s7;
	s20 =	smul.u32 $0x500, s17  }
0xf9: {  	s22 =	smov.u32 s10;
	s21 =	sshll.u32 s18, $0x2  }
0xfa: {  	p1 =	slt.s32 s10, $0x18560;
	s20 =	sadd.s32 s21, s20;
	s21 =	smov.u32 s10  }
0xfb: {  	s17 =	smul.u32 $0x21000, s17;
	s21 =	simm.s32 @!p1 $0x18560;
	p1 =	slt.s32 s10, $0x185A0  }
0xfc: {  	s18 =	sshll.u32 s18, $0x9;
	s21 =	sshll.u32 s21, $0x2;
	s22 =	simm.s32 @!p1 $0x185A0;
	v25 =	vpop (erf)  }
0xfd: {  	s17 =	sadd.s32 s18, s17;
	s20 =	ssub.s32 s20, s21;
	s25 =	sshll.u32 s22, $0x9;
	v25 =	vadd.f32 $1.000000000e+00, v25  }
0xfe: {  	s20 =	sshra.s32 s20, $0x2;
	s17 =	ssub.s32 s17, s25  }
0xff: {  	s20 =	sadd.s32 $0x10800, s20;
	s17 =	sshra.s32 s17, $0x2;
	(erf) = vrcp.f32 v25  }
0x100: {  	s17 =	sadd.s32 $0xF0, s17;
	v28 =	vld [tilespmem:s20+$0x0]  }
0x101: {  	v27 =	vld [tilespmem:s17+$0xFFFFFFA0]  }
0x102: {  	s18 =	sadd.s32 $0x1, s19;
	v31 =	vld [tilespmem:s17+$0xFFFFFFB0]  }
0x103: {  	p2 =	slt.s32 s18, s9;
	v33 =	vld [tilespmem:s17+$0xFFFFFFC0]  }
.Ltmp5:
0x104: {  	v26 =	vld [tilespmem:s17+$0xFFFFFF90];
	(pc) =	sbr.rel @!p2 .LBB2_5-.Ltmp5, $4  }
0x105: {  	_ = 	snop  }
0x106: {  	(v2sf) =	vpush v28, $0x1  }
0x107: {  	(v2sf) =	vpush v28, $0x0  }
0x108: {  	p1 =	por $0x0, $0x0;
	v45 =	vmul.f32 v27, v2;
	v25 =	vpop (erf)  }
0x109: {  	_ =	sdelay $0x3  }
0x10a: {  	v29 =	vmul.f32 v26, v1  }
0x10b: {  	v28 =	vld [tilespmem:s17+$0xFFFFFFD0]  }
0x10c: {  	v32 =	vmul.f32 v31, v3;
	v29 =	vadd.f32 v45, v29  }
0x10d: {  	v30 =	vld [tilespmem:s17+$0xFFFFFFE0]  }
0x10e: {  	v42 =	vmul.f32 v33, v4;
	v32 =	vadd.f32 v32, v29  }
0x10f: {  	v29 =	vld [tilespmem:s17+$0xFFFFFFF0]  }
0x110: {  	v43 =	vmul.f32 v28, v5;
	v42 =	vadd.f32 v42, v32  }
0x111: {  	v32 =	vld [tilespmem:s17+$0x0]  }
0x112: {  	v49 =	vmul.f32 v30, v6;
	v42 =	vadd.f32 v43, v42;
	s22 =	spop (v2sf)  }
0x113: {  	s21 =	rddreg [dreg:$0x6];
	s23 =	spop (v2sf)  }
0x114: {  	p2 =	seq.s32 s21, s19;
	v50 =	vmul.f32 v29, v7;
	v42 =	vadd.f32 v49, v42;
	p1 =	sne.s32 s22, s23  }
0x115: {  	p1 =	por p2, p1  }
0x116: {  	v51 =	vmul.f32 v32, v8;
	v42 =	vadd.f32 v50, v42;
	p2 =	slt.s32 @p1 s13, $0x2  }
0x117: {  	p2 =	por p2, !p1  }
0x118: {  	v42 =	vadd.f32 v51, v42;
	s19 =	simm.s32 @!p2 $0x3  }
0x119: {  	_ =	swait.ge @!p2 [sflag:s19], $0x100  }
0x11a: {  	(xrf2) =	vadd.scan.msk.f32 $0xffff, v42;
	_ =	sdelay $0x2  }
0x11b: {  	s21 =	sshll.u32 @p1 s13, $0x8;
	[sflag:s19] =	ssyncset.done @!p2 $0x0  }
0x11c: {  	v13 =	vmax.f32 v13, v41;
	s21 =	sand.u32 @p1 $0x100, s21;
	[sflag:s19] =	ssyncadd.s32 @!p2 $0xFFFFFF00  }
0x11d: {  	v24 =	vmax.f32 v24, v38;
	v52 =	vmul.f32 v40, v25;
	[tilespmem:s21+$0x10D70] =	vst @p1 v13  }
0x11e: {  	v20 =	vmax.f32 v20, v37;
	[tilespmem:s21+$0x10D00] =	vst @p1 v24  }
0x11f: {  	v22 =	vmax.f32 v22, v39;
	v18 =	vadd.f32 v18, v52;
	[tilespmem:s21+$0x10D60] =	vst @p1 v20  }
0x120: {  	v53 =	vmul.f32 v41, v25;
	[tilespmem:s21+$0x10D50] =	vst @p1 v22  }
0x121: {  	v23 =	vmax.f32 v23, v40;
	[tilespmem:s21+$0x10CA0] =	vst @p1 v18  }
0x122: {  	v19 =	vmax.f32 v19, v35;
	v9 =	vadd.f32 v9, v53;
	[tilespmem:s21+$0x10D20] =	vst @p1 v23;
	v54, _, _ =	vpop (xrf2)  }
0x123: {  	v55 =	vmul.f32 v39, v25;
	[tilespmem:s21+$0x10D40] =	vst @p1 v19;
	v40 =	vbroadcast v54, $0xF  }
0x124: {  	v16 =	vmax.f32 v16, v36;
	v56 =	vmul.f32 v38, v25;
	v21 =	vmax.f32 v21, v34;
	[tilespmem:s21+$0x10CF0] =	vst @p1 v9  }
0x125: {  	v57 =	vmul.f32 v37, v25;
	v15 =	vadd.f32 v15, v55;
	[tilespmem:s21+$0x10D30] =	vst @p1 v16;
	v40 =	vadd.f32 v40, v0  }
0x126: {  	v58 =	vmul.f32 v36, v25;
	v17 =	vadd.f32 v17, v56;
	[tilespmem:s21+$0x10D10] =	vst @p1 v21  }
0x127: {  	v60 =	vmul.f32 v35, v25;
	v11 =	vadd.f32 v11, v57;
	[tilespmem:s21+$0x10CD0] =	vst @p1 v15;
	v59 =	vsub.f32 $0.0e+00, v40  }
0x128: {  	v61 =	vmul.f32 v34, v25;
	v10 =	vadd.f32 v10, v58;
	s22 =	sshll.u32 @p1 s23, $0x7;
	s19 =	sshll.u32 @p1 s23, $0x8;
	[tilespmem:s21+$0x10C80] =	vst @p1 v17  }
0x129: {  	v12 =	vadd.f32 v12, v60;
	s22 =	sand.u32 @p1 $0x380, s22;
	s19 =	sand.u32 @p1 $0xFFFFF800, s19;
	[tilespmem:s21+$0x10CE0] =	vst @p1 v11;
	v62 =	vmul.f32 $1.442695020e+00, v59  }
0x12a: {  	v14 =	vadd.f32 v14, v61;
	[tilespmem:s21+$0x10CB0] =	vst @p1 v10;
	s19 =	sor.u32 @p1 s22, s19  }
0x12b: {  	s23 =	simm.s32 @p1 $0x400;
	[tilespmem:s21+$0x10CC0] =	vst @p1 v12;
	s22 =	sshrl.u32 @p1 s19, $0x3;
	s19 =	sadd.s32 $0x1, s20;
	(erf) = vpow2.f32 v62  }
0x12c: {  	[tilespmem:s21+$0x10C90] =	vst @p1 v14;
	s20 =	sadd.s32 @p1 s5, s22;
	s22 =	sor.u32 @p1 $0x10C80, s21;
	s21 =	simm.s32 @p1 $0x80  }
0x12d: {  	[hbm4b:s20+s21] =	stream.strided.scatter @p1 [tilespmem:s22], [sflag:$0x3], $0x100, s23, s21, $0x38;
	[tilespmem:$0x10E80] =	vst v63  }
0x12e: {  	v63 =	vld [tilespmem:s19+$0x0]  }
0x12f: {  	s17 =	sadd.s32 $0x80, s17;
	v16 =	vpsel p1, $0xFF800000, v16;
	v10 =	vpsel p1, $0x0, v10;
	s20 =	sadd.s32 $0x1, s18  }
0x130: {  	v9 =	vpsel p1, $0x0, v9;
	v11 =	vpsel p1, $0x0, v11;
	v19 =	vpsel p1, $0xFF800000, v19;
	v34 =	vld [tilespmem:s17+$0xFFFFFFA0];
	p2 =	slt.s32 s20, s9  }
.Ltmp6:
0x131: {  	v18 =	vpsel p1, $0x0, v18;
	v17 =	vpsel p1, $0x0, v17;
	v13 =	vpsel p1, $0xFF800000, v13;
	(pc) =	sbr.rel @!p2 .LBB2_7-.Ltmp6, $4  }
0x132: {  	v20 =	vpsel p1, $0xFF800000, v20;
	v12 =	vpsel p1, $0x0, v12;
	v22 =	vpsel p1, $0xFF800000, v22  }
0x133: {  	v23 =	vpsel p1, $0xFF800000, v23;
	v21 =	vpsel p1, $0xFF800000, v21;
	s21 =	simm.s32 $0x1;
	v44 =	vld [tilespmem:s17+$0xFFFFFF90];
	(v2sf) =	vpush v63, $0x1  }
0x134: {  	v24 =	vpsel p1, $0xFF800000, v24;
	v15 =	vpsel p1, $0x0, v15;
	s21 =	simm.s32 @!p1 $0x0;
	v42 =	vld [tilespmem:s17+$0xFFFFFFB0];
	(v2sf) =	vpush v63, $0x0;
	v36 =	vpop (erf)  }
0x135: {  	v14 =	vpsel p1, $0x0, v14;
	v43 =	vld [tilespmem:s17+$0xFFFFFFC0];
	p1 =	por $0x1, $0x1;
	s13 =	sadd.s32 s21, s13;
	v45 =	vmul.f32 v34, v2;
	v46 =	vadd.f32 $1.000000000e+00, v36  }
.LBB2_8:
0x136: {  	_ =	sdelay $0x4  }
0x137: {  	v35 =	vmul.f32 v44, v1  }
0x138: {  	v36 =	vld [tilespmem:s17+$0xFFFFFFD0]  }
0x139: {  	v37 =	vmul.f32 v42, v3;
	v35 =	vadd.f32 v45, v35  }
0x13a: {  	v38 =	vld [tilespmem:s17+$0xFFFFFFE0]  }
0x13b: {  	v58 =	vmul.f32 v43, v4;
	v35 =	vadd.f32 v37, v35  }
0x13c: {  	v39 =	vld [tilespmem:s17+$0xFFFFFFF0];
	(erf) = vrcp.f32 v46  }
0x13d: {  	v59 =	vmul.f32 v36, v5;
	v35 =	vadd.f32 v58, v35  }
0x13e: {  	v40 =	vmax.f32 v21, v27;
	v41 =	vmax.f32 v23, v31;
	v21 =	vld [tilespmem:s17+$0x0]  }
0x13f: {  	v23 =	vmul.f32 v38, v6;
	v45 =	vmax.f32 v22, v30;
	v22 =	vadd.f32 v59, v35;
	s23 =	spop (v2sf)  }
0x140: {  	s22 =	rddreg [dreg:$0x6];
	v46 =	vmax.f32 v20, v29;
	s24 =	spop (v2sf)  }
0x141: {  	p4 =	seq.s32 s22, s18;
	v20 =	vmul.f32 v39, v7;
	v37 =	vmax.f32 v19, v28;
	v19 =	vadd.f32 v23, v22;
	p3 =	sne.s32 s23, s24  }
0x142: {  	p3 =	por p4, p3  }
0x143: {  	v19 =	vadd.f32 v20, v19;
	v20 =	vmul.f32 v21, v8;
	p4 =	slt.s32 @p3 s13, $0x2  }
0x144: {  	p4 =	por p4, !p3  }
0x145: {  	v35 =	vmax.f32 v16, v33;
	v16 =	vpop (erf);
	s22 =	sshll.u32 @p3 s24, $0x8;
	s23 =	sshll.u32 @p3 s24, $0x7;
	v19 =	vadd.f32 v20, v19;
	s24 =	simm.s32 @!p4 $0x3  }
0x146: {  	_ =	swait.ge @!p4 [sflag:s24], $0x100  }
0x147: {  	(xrf2) =	vadd.scan.msk.f32 $0xffff, v19;
	_ =	sdelay $0x2  }
0x148: {  	s21 =	smov.u32 s20  }
0x149: {  	s18 =	smov.u32 s21;
	s21 =	sshll.u32 @p3 s13, $0x8;
	[sflag:s24] =	ssyncset.done @!p4 $0x0  }
0x14a: {  	v13 =	vmax.f32 v13, v32;
	s21 =	sand.u32 @p3 $0x100, s21;
	[sflag:s24] =	ssyncadd.s32 @!p4 $0xFFFFFF00  }
0x14b: {  	v24 =	vmax.f32 v24, v26;
	v49 =	vmul.f32 v31, v16;
	[tilespmem:s21+$0x10D70] =	vst @p3 v13  }
0x14c: {  	v60 =	vmul.f32 v30, v16;
	v22 =	vmul.f32 v26, v16;
	[tilespmem:s21+$0x10D00] =	vst @p3 v24  }
0x14d: {  	v20 =	vmul.f32 v28, v16;
	v28 =	vmov v36;
	v36 =	vadd.f32 v18, v49;
	[tilespmem:s21+$0x10D60] =	vst @p3 v46  }
0x14e: {  	v30 =	vmov v38;
	v38 =	vadd.f32 v17, v22;
	v22 =	vmul.f32 v32, v16;
	[tilespmem:s21+$0x10D50] =	vst @p3 v45  }
0x14f: {  	[tilespmem:s21+$0x10CA0] =	vst @p3 v36;
	v61, _, _ =	vpop (xrf2)  }
0x150: {  	v48 =	vadd.f32 v9, v22;
	[tilespmem:s21+$0x10D20] =	vst @p3 v41;
	v62 =	vbroadcast v61, $0xF  }
0x151: {  	[tilespmem:s21+$0x10D40] =	vst @p3 v37  }
0x152: {  	v47 =	vmul.f32 v27, v16;
	v27 =	vmov v34;
	[tilespmem:s21+$0x10CF0] =	vst @p3 v48;
	v34 =	vadd.f32 v62, v0  }
0x153: {  	v15 =	vadd.f32 v15, v60;
	v17 =	vmul.f32 v29, v16;
	[tilespmem:s21+$0x10D30] =	vst @p3 v35  }
0x154: {  	v23 =	vmul.f32 v33, v16;
	[tilespmem:s21+$0x10D10] =	vst @p3 v40;
	v34 =	vsub.f32 $0.0e+00, v34  }
0x155: {  	v26 =	vmov v44;
	v44 =	vadd.f32 v11, v17;
	[tilespmem:s21+$0x10CD0] =	vst @p3 v15  }
0x156: {  	v29 =	vmov v39;
	v39 =	vadd.f32 v10, v23;
	[tilespmem:s21+$0x10C80] =	vst @p3 v38;
	v34 =	vmul.f32 $1.442695020e+00, v34  }
0x157: {  	v31 =	vmov v42;
	s22 =	sand.u32 @p3 $0xFFFFF800, s22;
	s23 =	sand.u32 @p3 $0x380, s23;
	v42 =	vadd.f32 v12, v20;
	[tilespmem:s21+$0x10CE0] =	vst @p3 v44  }
0x158: {  	v14 =	vadd.f32 v14, v47;
	s22 =	sor.u32 @p3 s23, s22;
	[tilespmem:s21+$0x10CB0] =	vst @p3 v39;
	(erf) = vpow2.f32 v34  }
0x159: {  	s19 =	sadd.s32 $0x1, s19;
	s23 =	sor.u32 @p3 $0x10C80, s21;
	s22 =	sshrl.u32 @p3 s22, $0x3;
	[tilespmem:s21+$0x10CC0] =	vst @p3 v42  }
0x15a: {  	s22 =	sadd.s32 @p3 s5, s22;
	s24 =	simm.s32 @p3 $0x400;
	[tilespmem:s21+$0x10C90] =	vst @p3 v14;
	s21 =	simm.s32 @p3 $0x80  }
0x15b: {  	[hbm4b:s22+s21] =	stream.strided.scatter @p3 [tilespmem:s23], [sflag:$0x3], $0x100, s24, s21, $0x38;
	[tilespmem:$0x10E80] =	vst v63  }
0x15c: {  	s20 =	sadd.s32 $0x1, s20;
	s17 =	sadd.s32 $0x80, s17;
	v23 =	vpsel p3, $0xFF800000, v41;
	v16 =	vpsel p3, $0xFF800000, v35;
	v35 =	vld [tilespmem:s19+$0x0]  }
0x15d: {  	p2 =	slt.s32 s20, s9;
	v32 =	vmovc v21;
	v21 =	vpsel p3, $0xFF800000, v40;
	v10 =	vpsel p3, $0x0, v39;
	v17 =	vpsel p3, $0x0, v38;
	v34 =	vld [tilespmem:s17+$0xFFFFFFA0]  }
.Ltmp7:
0x15e: {  	v22 =	vpsel p3, $0xFF800000, v45;
	v9 =	vpsel p3, $0x0, v48;
	v11 =	vpsel p3, $0x0, v44;
	(pc) =	sbr.rel @p2 .LBB2_8-.Ltmp7, $4  }
0x15f: {  	v18 =	vpsel p3, $0x0, v36;
	v20 =	vpsel p3, $0xFF800000, v46;
	v19 =	vpsel p3, $0xFF800000, v37  }
0x160: {  	s25 =	simm.s32 $0x1;
	v12 =	vpsel p3, $0x0, v42;
	v13 =	vpsel p3, $0xFF800000, v13;
	v24 =	vpsel p3, $0xFF800000, v24;
	v44 =	vld [tilespmem:s17+$0xFFFFFF90]  }
0x161: {  	s25 =	simm.s32 @!p3 $0x0;
	v15 =	vpsel p3, $0x0, v15;
	v14 =	vpsel p3, $0x0, v14;
	v42 =	vld [tilespmem:s17+$0xFFFFFFB0];
	(v2sf) =	vpush v35, $0x1;
	v63 =	vpop (erf)  }
0x162: {  	v33 =	vmovc v43;
	s13 =	sadd.s32 s25, s13;
	v43 =	vld [tilespmem:s17+$0xFFFFFFC0];
	(v2sf) =	vpush v35, $0x0;
	v45 =	vmul.f32 v34, v2;
	v46 =	vadd.f32 $1.000000000e+00, v63  }
.Ltmp8:
0x163: {  	(pc) =	sbr.rel .LBB2_10-.Ltmp8, $3  }
0x164: {  	_ =	sdelay $0x1  }
0x165: {  	v34 =	vmov v27;
	v40 =	vmov v31;
	v39 =	vmov v30  }
0x166: {  	v41 =	vmovc v32;
	v36 =	vmovc v33;
	v35 =	vmov v28;
	v37 =	vmov v29;
	s19 =	smov.u32 s18;
	v38 =	vmov v26  }
.LBB2_7:
.Ltmp9:
0x167: {  	(pc) =	sbr.rel .LBB2_10-.Ltmp9, $3  }
0x168: {  	_ =	sdelay $0x1  }
0x169: {  	v34 =	vmov v27;
	v40 =	vmov v31;
	v39 =	vmov v30  }
0x16a: {  	v41 =	vmovc v32;
	v36 =	vmovc v33;
	v35 =	vmov v28;
	v37 =	vmov v29;
	s19 =	smov.u32 s18;
	v38 =	vmov v26  }
.LBB2_11:
0x16b: {  	p0 =	slt.s32 s13, $0x2  }
.Ltmp10:
0x16c: {  	_ = 	snop;
	(pc) =	sbr.rel @!p0 .LBB2_12-.Ltmp10, $1  }
0x16d: {  	_ =	sdelay $0x3  }
0x16e: {  	p0 =	sne.s32 s13, $0x1  }
.Ltmp11:
0x16f: {  	_ = 	snop;
	(pc) =	sbr.rel @p0 .LBB2_15-.Ltmp11, $4  }
.Ltmp12:
0x170: {  	_ = 	snop;
	(pc) =	sbr.rel @!p0 .LBB2_14-.Ltmp12, $4  }
0x171: {  	_ = 	snop  }
0x172: {  	_ = 	snop  }
0x173: {  	_ = 	snop  }
0x174: {  	_ = 	snop  }
.LBB2_16:
0x175: {  	_ =	sfence.sel $0x180000  }
0x176: {  	[bflag:$0x0] =	sbarrier.arrive $0xFFFF  }
0x177: {  	_ =	strace $0x90000047  }
0x178: {  	s0 =	stileid.u32;
	[bflag:$0x2] =	sbarrier.arrive $0xFFFF  }
0x179: {  	p0 =	sne.s32 s0, $0x0;
	s0 =	rddreg [dreg:$0x5]  }
0x17a: {  	s0 =	sadd.s32 @!p0 $0x100000, s0  }
0x17b: {  	[sflag:s0] =	ssyncadd.tile.s32 @!p0 $0x1;
	_ =	shalt  }
.Lfunc_end2:
_tile_overlayer_lowered:
.L_overlay_start_2:
0x17c: {  	(tag) =	ssettag $0x2  }
0x17d: {  	s0 =	rddreg [dreg:$0x0];
	s2 =	stileid.u32  }
0x17e: {  	s1 =	rddreg [dreg:$0x1];
	p0 =	sne.s32 s2, $0x0  }
0x17f: {  	s3 =	rddreg [dreg:$0x2];
	[bflag:$0x3] =	sbarrier.arrive $0xFFFF;
	s2 =	simm.s32 @!p0 $0x1C04  }
0x180: {  	[timem:s3], [sflag:s2] =	dma.local @!p0 [hbm:s0], s1  }
0x181: {  	s0 =	simm.s32 @!p0 $0x4  }
0x182: {  	_ =	swait.ge @!p0 [sflag:s0], s1  }
0x183: {  	s1 =	ssub.s32 @!p0 $0x0, s1;
	[sflag:s0] =	ssyncset.done @!p0 $0x0  }
0x184: {  	[sflag:s0] =	ssyncadd.s32 @!p0 s1  }
0x185: {  	[bflag:$0x3] =	sbarrier.arrive $0xFFFF  }
0x186: {  	_ =	shalt  }

</sc_bundles>
